<compile_context>
chip_gen: v7x
topology: tpu7x:2x2x1
jax: 0.10.2.dev20260603
libtpu: 0.0.44.dev20260713+nightly
codegen_flags: <defaults>
</compile_context>

<pallas_src>
import functools

import jax
import jax.numpy as jnp
from jax import lax
from jax.experimental import pallas as pl
from jax.experimental.pallas import tpu as pltpu
from jax.experimental.pallas import tpu_sc as plsc

N_NODES = 10000
N_EDGES = 320000
D_FEAT = 128
DIM_H = 128
N_CLASSES = 2

NC = 2
NS = 16
CH = 96
N_ROWS = 10096
ROWS_PER_TILE = N_ROWS // NS
NCHUNK = 105
E_PAD = NC * NS * NCHUNK * CH
G = 21
PAD_DST = N_NODES

_mesh = plsc.VectorSubcoreMesh(core_axis_name="c", subcore_axis_name="s")


def _sc_degree(dst2d, ones_block, zeros_rows):

    @functools.partial(
        pl.kernel,
        out_type=jax.ShapeDtypeStruct((NC * N_ROWS, 16), jnp.float32),
        mesh=_mesh,
        scratch_types=[
            pltpu.VMEM((NCHUNK, CH), jnp.int32),
            pltpu.VMEM((CH, 16), jnp.float32),
            pltpu.VMEM_SHARED((N_ROWS, 16), jnp.float32),
        ],
        compiler_params=pltpu.CompilerParams(use_tc_tiling_on_sc=False),
    )
    def k(dst_hbm, ones_hbm, zeros_hbm, out_hbm, di, ones_v, acc):
        core = lax.axis_index("c")
        tid = lax.axis_index("s")
        cbase = (core * NS + tid) * NCHUNK
        pltpu.sync_copy(zeros_hbm,
                        acc.at[pl.ds(tid * ROWS_PER_TILE, ROWS_PER_TILE)])
        pltpu.sync_copy(ones_hbm, ones_v)
        pltpu.sync_copy(dst_hbm.at[pl.ds(cbase, NCHUNK)], di)
        plsc.subcore_barrier()

        @pl.loop(0, NCHUNK)
        def _(i):
            pltpu.sync_copy(ones_v, acc.at[di.at[i]], add=True)

        plsc.subcore_barrier()
        pltpu.sync_copy(
            acc.at[pl.ds(tid * ROWS_PER_TILE, ROWS_PER_TILE)],
            out_hbm.at[pl.ds(core * N_ROWS + tid * ROWS_PER_TILE, ROWS_PER_TILE)])

    return k(dst2d, ones_block, zeros_rows)


def _sc_aggregate(s_table, src, dst, zeros_rows, d):
    dt = s_table.dtype

    @functools.partial(
        pl.kernel,
        out_type=jax.ShapeDtypeStruct((NC * N_ROWS, d), dt),
        mesh=_mesh,
        name=f"sc_aggregate_d{d}",
        scratch_types=[
            pltpu.VMEM((G, CH), jnp.int32),
            pltpu.VMEM((G, CH), jnp.int32),
            pltpu.VMEM((CH, d), dt),
            pltpu.VMEM((CH, d), dt),
            pltpu.VMEM((CH, d), dt),
            pltpu.VMEM_SHARED((N_ROWS, d), dt),
            pltpu.SemaphoreType.DMA,
            pltpu.SemaphoreType.DMA,
            pltpu.SemaphoreType.DMA,
        ],
        compiler_params=pltpu.CompilerParams(use_tc_tiling_on_sc=False),
    )
    def k(s_hbm, src_hbm, dst_hbm, zeros_hbm, out_hbm,
          si, di, rows0, rows1, rows2, acc, gsem0, gsem1, gsem2):
        core = lax.axis_index("c")
        tid = lax.axis_index("s")
        cbase = (core * NS + tid) * NCHUNK
        with jax.named_scope("zero_fill"):
            pltpu.sync_copy(zeros_hbm,
                            acc.at[pl.ds(tid * ROWS_PER_TILE, ROWS_PER_TILE)])
            plsc.subcore_barrier()

        @pl.loop(0, NCHUNK // G)
        def _(g):
            pltpu.sync_copy(src_hbm.at[pl.ds(cbase + g * G, G)], si)
            pltpu.sync_copy(dst_hbm.at[pl.ds(cbase + g * G, G)], di)
            pltpu.async_copy(s_hbm.at[si.at[0]], rows0, gsem0)
            pltpu.async_copy(s_hbm.at[si.at[1]], rows1, gsem1)

            @pl.loop(0, G // 3)
            def _(j):
                i = 3 * j
                pltpu.async_copy(s_hbm.at[si.at[i + 2]], rows2, gsem2)
                pltpu.make_async_copy(s_hbm.at[si.at[i]], rows0, gsem0).wait()
                pltpu.sync_copy(rows0, acc.at[di.at[i]], add=True)

                @pl.when(i + 3 < G)
                def _():
                    pltpu.async_copy(s_hbm.at[si.at[i + 3]], rows0, gsem0)

                pltpu.make_async_copy(s_hbm.at[si.at[i + 1]], rows1, gsem1).wait()
                pltpu.sync_copy(rows1, acc.at[di.at[i + 1]], add=True)

                @pl.when(i + 4 < G)
                def _():
                    pltpu.async_copy(s_hbm.at[si.at[i + 4]], rows1, gsem1)

                pltpu.make_async_copy(s_hbm.at[si.at[i + 2]], rows2, gsem2).wait()
                pltpu.sync_copy(rows2, acc.at[di.at[i + 2]], add=True)

        with jax.named_scope("copy_out"):
            plsc.subcore_barrier()
            pltpu.sync_copy(
                acc.at[pl.ds(tid * ROWS_PER_TILE, ROWS_PER_TILE)],
                out_hbm.at[pl.ds(core * N_ROWS + tid * ROWS_PER_TILE, ROWS_PER_TILE)])

    return k(s_table, src, dst, zeros_rows)


ROW_BLK = 1000


def _tc_matmul(x, w):
    n, kdim = x.shape
    m = w.shape[1]

    def body(x_ref, w_ref, o_ref):
        o_ref[...] = jnp.dot(x_ref[...], w_ref[...],
                             preferred_element_type=jnp.float32,
                             precision=lax.Precision.HIGHEST)

    return pl.pallas_call(
        body,
        grid=(n // ROW_BLK,),
        in_specs=[
            pl.BlockSpec((ROW_BLK, kdim), lambda i: (i, 0)),
            pl.BlockSpec((kdim, m), lambda i: (0, 0)),
        ],
        out_specs=pl.BlockSpec((ROW_BLK, m), lambda i: (i, 0)),
        out_shape=jax.ShapeDtypeStruct((n, m), jnp.float32),
    )(x, w)


def _dinv_block(degp_ref):
    deg = degp_ref[0, :, 0:1] + degp_ref[1, :, 0:1] + 1.0
    return lax.rsqrt(deg)


def _tc_scale(xw, deg_parts):

    def body(xw_ref, degp_ref, o_ref):
        o_ref[...] = (xw_ref[...] * _dinv_block(degp_ref)).astype(jnp.bfloat16)

    return pl.pallas_call(
        body,
        grid=(N_NODES // ROW_BLK,),
        in_specs=[
            pl.BlockSpec((ROW_BLK, DIM_H), lambda i: (i, 0)),
            pl.BlockSpec((NC, ROW_BLK, 16), lambda i: (0, i, 0)),
        ],
        out_specs=pl.BlockSpec((ROW_BLK, DIM_H), lambda i: (i, 0)),
        out_shape=jax.ShapeDtypeStruct((N_NODES, DIM_H), jnp.bfloat16),
    )(xw, deg_parts)


def _tc_mid(y_parts, xw, deg_parts, b1, w2pad):

    def body(yp_ref, xw_ref, degp_ref, b1_ref, w2_ref, hw_ref, s2_ref):
        dinv = _dinv_block(degp_ref)
        y = yp_ref[0].astype(jnp.float32) + yp_ref[1].astype(jnp.float32)
        h = jnp.maximum(dinv * y + (dinv * dinv) * xw_ref[...] + b1_ref[...], 0.0)
        hw = jnp.dot(h, w2_ref[...], preferred_element_type=jnp.float32,
                     precision=lax.Precision.HIGHEST)
        hw_ref[...] = hw
        s2_ref[...] = hw * dinv

    return pl.pallas_call(
        body,
        grid=(N_NODES // ROW_BLK,),
        in_specs=[
            pl.BlockSpec((NC, ROW_BLK, DIM_H), lambda i: (0, i, 0)),
            pl.BlockSpec((ROW_BLK, DIM_H), lambda i: (i, 0)),
            pl.BlockSpec((NC, ROW_BLK, 16), lambda i: (0, i, 0)),
            pl.BlockSpec((1, DIM_H), lambda i: (0, 0)),
            pl.BlockSpec((DIM_H, 16), lambda i: (0, 0)),
        ],
        out_specs=[
            pl.BlockSpec((ROW_BLK, 16), lambda i: (i, 0)),
            pl.BlockSpec((ROW_BLK, 16), lambda i: (i, 0)),
        ],
        out_shape=[
            jax.ShapeDtypeStruct((N_NODES, 16), jnp.float32),
            jax.ShapeDtypeStruct((N_NODES, 16), jnp.float32),
        ],
    )(y_parts, xw, deg_parts, b1, w2pad)


def _tc_final(y2_parts, hwpad, deg_parts, b2pad):

    def body(yp_ref, hw_ref, degp_ref, b2_ref, o_ref):
        dinv = _dinv_block(degp_ref)
        y = yp_ref[0] + yp_ref[1]
        z = dinv * y + (dinv * dinv) * hw_ref[...] + b2_ref[...]
        z0 = z[:, 0:1]
        z1 = z[:, 1:2]
        m = jnp.maximum(z0, z1)
        lse = m + jnp.log(jnp.exp(z0 - m) + jnp.exp(z1 - m))
        o_ref[...] = (z - lse)[:, :N_CLASSES]

    return pl.pallas_call(
        body,
        grid=(N_NODES // ROW_BLK,),
        in_specs=[
            pl.BlockSpec((NC, ROW_BLK, 16), lambda i: (0, i, 0)),
            pl.BlockSpec((ROW_BLK, 16), lambda i: (i, 0)),
            pl.BlockSpec((NC, ROW_BLK, 16), lambda i: (0, i, 0)),
            pl.BlockSpec((1, 16), lambda i: (0, 0)),
        ],
        out_specs=pl.BlockSpec((ROW_BLK, N_CLASSES), lambda i: (i, 0)),
        out_shape=jax.ShapeDtypeStruct((N_NODES, N_CLASSES), jnp.float32),
    )(y2_parts, hwpad, deg_parts, b2pad)


def kernel(x, edge_index, W1, b1, W2, b2):
    npad = E_PAD - N_EDGES
    pad_src = jnp.arange(npad, dtype=jnp.int32) % N_NODES
    pad_dst = PAD_DST + (jnp.arange(npad, dtype=jnp.int32) % (N_ROWS - N_NODES))
    src = jnp.concatenate(
        [edge_index[0].astype(jnp.int32), pad_src]).reshape(E_PAD // CH, CH)
    dst = jnp.concatenate(
        [edge_index[1].astype(jnp.int32), pad_dst]).reshape(E_PAD // CH, CH)

    ones_block = jnp.ones((CH, 16), jnp.float32)
    zeros_128 = jnp.zeros((ROWS_PER_TILE, DIM_H), jnp.bfloat16)
    zeros_16 = jnp.zeros((ROWS_PER_TILE, 16), jnp.float32)
    w2pad = jnp.pad(W2, ((0, 0), (0, 16 - N_CLASSES)))
    b1r = b1.reshape(1, DIM_H)
    b2pad = jnp.pad(b2, (0, 16 - N_CLASSES)).reshape(1, 16)

    deg_flat = _sc_degree(dst, ones_block, zeros_16)
    deg_parts = deg_flat.reshape(NC, N_ROWS, 16)[:, :N_NODES, :]

    xw = _tc_matmul(x, W1)
    s1 = _tc_scale(xw, deg_parts)

    y1 = _sc_aggregate(s1, src, dst, zeros_128, DIM_H)
    y1_parts = y1.reshape(NC, N_ROWS, DIM_H)[:, :N_NODES, :]

    hwpad, s2pad = _tc_mid(y1_parts, xw, deg_parts, b1r, w2pad)

    y2 = _sc_aggregate(s2pad, src, dst, zeros_16, 16)
    y2_parts = y2.reshape(NC, N_ROWS, 16)[:, :N_NODES, :]

    return _tc_final(y2_parts, hwpad, deg_parts, b2pad)

# --- scband reference (transcript-rebuilt; emitter-appended) ---
"""Pipeline reference for scband-gcn-4681514352906 (READ-ONLY COPY).

The authoritative reference and input builder live on the scoring server;
editing this copy changes nothing except your own understanding.
"""

import jax, jax.numpy as jnp
import numpy as np

N_NODES = 10000
N_EDGES = 320000
D_FEAT = 128
DIM_H = 128
N_CLASSES = 2


def setup_inputs(seed: int = 0) -> dict:
    key = jax.random.key(seed)
    k1, k2, k3, k4, k5, k6 = jax.random.split(key, 6)
    x = jax.random.normal(k1, (N_NODES, D_FEAT), dtype=jnp.float32)
    edge_index = jax.random.randint(k2, (2, N_EDGES), 0, N_NODES, dtype=jnp.int64)
    # GCNConv params (glorot-style scale)
    W1 = jax.random.normal(k3, (D_FEAT, DIM_H), dtype=jnp.float32) * (1.0 / np.sqrt(D_FEAT))
    b1 = jnp.zeros((DIM_H,), dtype=jnp.float32)
    W2 = jax.random.normal(k4, (DIM_H, N_CLASSES), dtype=jnp.float32) * (1.0 / np.sqrt(DIM_H))
    b2 = jnp.zeros((N_CLASSES,), dtype=jnp.float32)
    return {"x": x, "edge_index": edge_index, "W1": W1, "b1": b1, "W2": W2, "b2": b2}


def _gcn_conv(x, edge_index, W, b):
    # PyG GCNConv: add self-loops, symmetric normalization D^-1/2 (A+I) D^-1/2 X W + b
    n = x.shape[0]
    loop = jnp.arange(n, dtype=edge_index.dtype)
    src = jnp.concatenate([edge_index[0], loop])
    dst = jnp.concatenate([edge_index[1], loop])
    deg = jax.ops.segment_sum(jnp.ones_like(src, dtype=x.dtype), dst, num_segments=n)
    deg_inv_sqrt = jnp.where(deg > 0, jax.lax.rsqrt(jnp.maximum(deg, 1e-12)), 0.0)
    norm = deg_inv_sqrt[src] * deg_inv_sqrt[dst]
    xw = x @ W
    msg = jnp.take(xw, src, axis=0) * norm[:, None]
    out = jax.ops.segment_sum(msg, dst, num_segments=n)
    return out + b


def reference(x, edge_index, W1, b1, W2, b2):
    h = _gcn_conv(x, edge_index, W1, b1)
    h = jax.nn.relu(h)
    # dropout p=0.5 is identity in eval mode (training=False)
    h = _gcn_conv(h, edge_index, W2, b2)
    return jax.nn.log_softmax(h, axis=1)

if __name__ == "__main__":
    import jax
    _d = setup_inputs()
    print(jax.jit(kernel)(*tuple(_d.values())))

</pallas_src>

<mosaic_0001>
#map = affine_map<(d0, d1) -> (0, 0)>
module attributes {stable_mosaic.version = 14 : i64} {
  func.func @k(%arg0: i32, %arg1: i32, %arg2: memref<3360x96xi32, #tpu.memory_space<hbm>>, %arg3: memref<96x16xf32, #tpu.memory_space<hbm>>, %arg4: memref<631x16xf32, #tpu.memory_space<hbm>>, %arg5: memref<20192x16xf32, #tpu.memory_space<hbm>>, %arg6: memref<105x96xi32, #tpu.memory_space<vmem>>, %arg7: memref<96x16xf32, #tpu.memory_space<vmem>>, %arg8: memref<10096x16xf32, #tpu.memory_space<vmem_shared>>) attributes {dimension_semantics = [#tpu.dimension_semantics<core_parallel>, #tpu.dimension_semantics<subcore_parallel>], iteration_bounds = array<i64: 2, 16>, scalar_prefetch = 0 : i64, scratch_operands = 3 : i64, tpu.core_type = #tpu.core_type<sc_vector_subcore>, window_params = [{transform_indices = #map}, {transform_indices = #map}, {transform_indices = #map}, {transform_indices = #map}]} {
    %mul3A = arith.constant 16 : i32
    %mul3A_0 = arith.muli %arg0, %mul3A : i32
    %add3A = arith.addi %mul3A_0, %arg1 : i32
    %mul3A_1 = arith.constant 105 : i32
    %mul3A_2 = arith.muli %add3A, %mul3A_1 : i32
    %mul3A_3 = arith.constant 631 : i32
    %mul3A_4 = arith.muli %arg1, %mul3A_3 : i32
    "tpu.region"() ({
      %run_scoped3A = tpu.sem_alloc : memref<!tpu.dma_semaphore, #tpu.memory_space<semaphore_mem>>
      %dma_start3A = arith.constant 0 : i32
      %dma_start3A_17 = tpu.memref_slice %arg8[%mul3A_4, %dma_start3A] : memref<10096x16xf32, #tpu.memory_space<vmem_shared>> -> memref<631x16xf32, #tpu.memory_space<vmem_shared>>
      tpu.enqueue_dma source(%arg4 : memref<631x16xf32, #tpu.memory_space<hbm>>) target(%dma_start3A_17 : memref<631x16xf32, #tpu.memory_space<vmem_shared>>) target_semaphore(%run_scoped3A : memref<!tpu.dma_semaphore, #tpu.memory_space<semaphore_mem>>)
      %dma_wait3A = arith.constant 0 : i32
      %dma_wait3A_18 = tpu.memref_slice %arg8[%mul3A_4, %dma_wait3A] : memref<10096x16xf32, #tpu.memory_space<vmem_shared>> -> memref<631x16xf32, #tpu.memory_space<vmem_shared>>
      tpu.wait_dma2 semaphore(%run_scoped3A : memref<!tpu.dma_semaphore, #tpu.memory_space<semaphore_mem>>) src(%arg4 : memref<631x16xf32, #tpu.memory_space<hbm>>) dst(%dma_wait3A_18 : memref<631x16xf32, #tpu.memory_space<vmem_shared>>)
      tpu.yield
    }) : () -> ()
    "tpu.region"() ({
      %run_scoped3A = tpu.sem_alloc : memref<!tpu.dma_semaphore, #tpu.memory_space<semaphore_mem>>
      tpu.enqueue_dma source(%arg3 : memref<96x16xf32, #tpu.memory_space<hbm>>) target(%arg7 : memref<96x16xf32, #tpu.memory_space<vmem>>) target_semaphore(%run_scoped3A : memref<!tpu.dma_semaphore, #tpu.memory_space<semaphore_mem>>)
      tpu.wait_dma2 semaphore(%run_scoped3A : memref<!tpu.dma_semaphore, #tpu.memory_space<semaphore_mem>>) src(%arg3 : memref<96x16xf32, #tpu.memory_space<hbm>>) dst(%arg7 : memref<96x16xf32, #tpu.memory_space<vmem>>)
      tpu.yield
    }) : () -> ()
    "tpu.region"() ({
      %run_scoped3A = tpu.sem_alloc : memref<!tpu.dma_semaphore, #tpu.memory_space<semaphore_mem>>
      %dma_start3A = arith.constant 0 : i32
      %dma_start3A_17 = tpu.memref_slice %arg2[%mul3A_2, %dma_start3A] : memref<3360x96xi32, #tpu.memory_space<hbm>> -> memref<105x96xi32, #tpu.memory_space<hbm>>
      %dma_start3A_18 = arith.constant 0 : i32
      %dma_start3A_19 = tpu.memref_slice %arg2[%mul3A_2, %dma_start3A_18] : memref<3360x96xi32, #tpu.memory_space<hbm>> -> memref<105x96xi32, #tpu.memory_space<hbm>>
      tpu.enqueue_dma source(%dma_start3A_19 : memref<105x96xi32, #tpu.memory_space<hbm>>) target(%arg6 : memref<105x96xi32, #tpu.memory_space<vmem>>) target_semaphore(%run_scoped3A : memref<!tpu.dma_semaphore, #tpu.memory_space<semaphore_mem>>)
      %dma_wait3A = arith.constant 0 : i32
      %dma_wait3A_20 = tpu.memref_slice %arg2[%mul3A_2, %dma_wait3A] : memref<3360x96xi32, #tpu.memory_space<hbm>> -> memref<105x96xi32, #tpu.memory_space<hbm>>
      %dma_wait3A_21 = arith.constant 0 : i32
      %dma_wait3A_22 = tpu.memref_slice %arg2[%mul3A_2, %dma_wait3A_21] : memref<3360x96xi32, #tpu.memory_space<hbm>> -> memref<105x96xi32, #tpu.memory_space<hbm>>
      tpu.wait_dma2 semaphore(%run_scoped3A : memref<!tpu.dma_semaphore, #tpu.memory_space<semaphore_mem>>) src(%dma_wait3A_22 : memref<105x96xi32, #tpu.memory_space<hbm>>) dst(%arg6 : memref<105x96xi32, #tpu.memory_space<vmem>>)
      tpu.yield
    }) : () -> ()
    %barrier3A = arith.constant 0 : index
    tpu.barrier barrier_id(%barrier3A)
    %scan3A = arith.constant 0 : i32
    %scan3A_5 = arith.constant 105 : i32
    %scan3A_6 = arith.addi %scan3A, %scan3A_5 : i32
    %scan3A_7 = arith.constant 1 : i32
    scf.for %scan3A_17 = %scan3A to %scan3A_6 step %scan3A_7  : i32 {
      %mul3A_18 = arith.constant 1 : i32
      %mul3A_19 = arith.muli %scan3A_17, %mul3A_18 : i32
      %add3A_20 = arith.constant 0 : i32
      %add3A_21 = arith.addi %add3A_20, %mul3A_19 : i32
      "tpu.region"() ({
        %run_scoped3A = tpu.sem_alloc : memref<!tpu.dma_semaphore, #tpu.memory_space<semaphore_mem>>
        %dma_start3A = arith.constant 0 : i32
        %dma_start3A_22 = tpu.memref_slice %arg6[%add3A_21, %dma_start3A] : memref<105x96xi32, #tpu.memory_space<vmem>> -> memref<1x96xi32, #tpu.memory_space<vmem>>
        %dma_start3A_23 = tpu.memref_squeeze %dma_start3A_22 : memref<1x96xi32, #tpu.memory_space<vmem>> -> memref<96xi32, #tpu.memory_space<vmem>>
        %dma_start3A_24 = arith.constant 0 : i32
        %dma_start3A_25 = arith.constant 0 : i32
        %dma_start3A_26 = tpu.memref_slice %arg8[%dma_start3A_24, %dma_start3A_25] : memref<10096x16xf32, #tpu.memory_space<vmem_shared>> -> memref<10096x16xf32, #tpu.memory_space<vmem_shared>>
        tpu.enqueue_indirect_dma source(%arg7 : memref<96x16xf32, #tpu.memory_space<vmem>>) target(%dma_start3A_26 : memref<10096x16xf32, #tpu.memory_space<vmem_shared>>) offsets(%dma_start3A_23 : memref<96xi32, #tpu.memory_space<vmem>>) semaphore(%run_scoped3A : memref<!tpu.dma_semaphore, #tpu.memory_space<semaphore_mem>>) {add = true}
        %dma_wait3A = arith.constant 0 : i32
        %dma_wait3A_27 = tpu.memref_slice %arg6[%add3A_21, %dma_wait3A] : memref<105x96xi32, #tpu.memory_space<vmem>> -> memref<1x96xi32, #tpu.memory_space<vmem>>
        %dma_wait3A_28 = tpu.memref_squeeze %dma_wait3A_27 : memref<1x96xi32, #tpu.memory_space<vmem>> -> memref<96xi32, #tpu.memory_space<vmem>>
        %dma_wait3A_29 = arith.constant 0 : i32
        %dma_wait3A_30 = arith.constant 0 : i32
        %dma_wait3A_31 = tpu.memref_slice %arg8[%dma_wait3A_29, %dma_wait3A_30] : memref<10096x16xf32, #tpu.memory_space<vmem_shared>> -> memref<10096x16xf32, #tpu.memory_space<vmem_shared>>
        tpu.wait_indirect_dma semaphore(%run_scoped3A : memref<!tpu.dma_semaphore, #tpu.memory_space<semaphore_mem>>) src(%arg7 : memref<96x16xf32, #tpu.memory_space<vmem>>) dst(%dma_wait3A_31 : memref<10096x16xf32, #tpu.memory_space<vmem_shared>>)
        tpu.yield
      }) : () -> ()
    }
    %scan3A_8 = arith.constant 105 : i32
    %barrier3A_9 = arith.constant 0 : index
    tpu.barrier barrier_id(%barrier3A_9)
    %mul3A_10 = arith.constant 631 : i32
    %mul3A_11 = arith.muli %arg1, %mul3A_10 : i32
    %mul3A_12 = arith.constant 10096 : i32
    %mul3A_13 = arith.muli %arg0, %mul3A_12 : i32
    %mul3A_14 = arith.constant 631 : i32
    %mul3A_15 = arith.muli %arg1, %mul3A_14 : i32
    %add3A_16 = arith.addi %mul3A_13, %mul3A_15 : i32
    "tpu.region"() ({
      %run_scoped3A = tpu.sem_alloc : memref<!tpu.dma_semaphore, #tpu.memory_space<semaphore_mem>>
      %dma_start3A = arith.constant 0 : i32
      %dma_start3A_17 = tpu.memref_slice %arg5[%add3A_16, %dma_start3A] : memref<20192x16xf32, #tpu.memory_space<hbm>> -> memref<631x16xf32, #tpu.memory_space<hbm>>
      %dma_start3A_18 = arith.constant 0 : i32
      %dma_start3A_19 = tpu.memref_slice %arg8[%mul3A_11, %dma_start3A_18] : memref<10096x16xf32, #tpu.memory_space<vmem_shared>> -> memref<631x16xf32, #tpu.memory_space<vmem_shared>>
      tpu.enqueue_dma source(%dma_start3A_19 : memref<631x16xf32, #tpu.memory_space<vmem_shared>>) target(%dma_start3A_17 : memref<631x16xf32, #tpu.memory_space<hbm>>) target_semaphore(%run_scoped3A : memref<!tpu.dma_semaphore, #tpu.memory_space<semaphore_mem>>)
      %dma_wait3A = arith.constant 0 : i32
      %dma_wait3A_20 = tpu.memref_slice %arg5[%add3A_16, %dma_wait3A] : memref<20192x16xf32, #tpu.memory_space<hbm>> -> memref<631x16xf32, #tpu.memory_space<hbm>>
      %dma_wait3A_21 = arith.constant 0 : i32
      %dma_wait3A_22 = tpu.memref_slice %arg8[%mul3A_11, %dma_wait3A_21] : memref<10096x16xf32, #tpu.memory_space<vmem_shared>> -> memref<631x16xf32, #tpu.memory_space<vmem_shared>>
      tpu.wait_dma2 semaphore(%run_scoped3A : memref<!tpu.dma_semaphore, #tpu.memory_space<semaphore_mem>>) src(%dma_wait3A_22 : memref<631x16xf32, #tpu.memory_space<vmem_shared>>) dst(%dma_wait3A_20 : memref<631x16xf32, #tpu.memory_space<hbm>>)
      tpu.yield
    }) : () -> ()
    return
  }
}

#map = affine_map<(d0, d1) -> (0, 0)>
module attributes {stable_mosaic.version = 14 : i64} {
  func.func @sc_aggregate_d16(%arg0: i32, %arg1: i32, %arg2: memref<10000x16xf32, #tpu.memory_space<hbm>>, %arg3: memref<3360x96xi32, #tpu.memory_space<hbm>>, %arg4: memref<3360x96xi32, #tpu.memory_space<hbm>>, %arg5: memref<631x16xf32, #tpu.memory_space<hbm>>, %arg6: memref<20192x16xf32, #tpu.memory_space<hbm>>, %arg7: memref<21x96xi32, #tpu.memory_space<vmem>>, %arg8: memref<21x96xi32, #tpu.memory_space<vmem>>, %arg9: memref<96x16xf32, #tpu.memory_space<vmem>>, %arg10: memref<96x16xf32, #tpu.memory_space<vmem>>, %arg11: memref<96x16xf32, #tpu.memory_space<vmem>>, %arg12: memref<10096x16xf32, #tpu.memory_space<vmem_shared>>, %arg13: memref<!tpu.dma_semaphore, #tpu.memory_space<semaphore_mem>>, %arg14: memref<!tpu.dma_semaphore, #tpu.memory_space<semaphore_mem>>, %arg15: memref<!tpu.dma_semaphore, #tpu.memory_space<semaphore_mem>>) attributes {dimension_semantics = [#tpu.dimension_semantics<core_parallel>, #tpu.dimension_semantics<subcore_parallel>], iteration_bounds = array<i64: 2, 16>, scalar_prefetch = 0 : i64, scratch_operands = 9 : i64, tpu.core_type = #tpu.core_type<sc_vector_subcore>, window_params = [{transform_indices = #map}, {transform_indices = #map}, {transform_indices = #map}, {transform_indices = #map}, {transform_indices = #map}]} {
    %mul3A = arith.constant 16 : i32
    %mul3A_0 = arith.muli %arg0, %mul3A : i32
    %add3A = arith.addi %mul3A_0, %arg1 : i32
    %mul3A_1 = arith.constant 105 : i32
    %mul3A_2 = arith.muli %add3A, %mul3A_1 : i32
    "tpu.trace_start"() <{level = 10 : i32, message = "zero_fill"}> : () -> ()
    %mul3A_3 = arith.constant 631 : i32
    %mul3A_4 = arith.muli %arg1, %mul3A_3 : i32
    "tpu.region"() ({
      %run_scoped3A = tpu.sem_alloc : memref<!tpu.dma_semaphore, #tpu.memory_space<semaphore_mem>>
      %dma_start3A = arith.constant 0 : i32
      %dma_start3A_17 = tpu.memref_slice %arg12[%mul3A_4, %dma_start3A] : memref<10096x16xf32, #tpu.memory_space<vmem_shared>> -> memref<631x16xf32, #tpu.memory_space<vmem_shared>>
      tpu.enqueue_dma source(%arg5 : memref<631x16xf32, #tpu.memory_space<hbm>>) target(%dma_start3A_17 : memref<631x16xf32, #tpu.memory_space<vmem_shared>>) target_semaphore(%run_scoped3A : memref<!tpu.dma_semaphore, #tpu.memory_space<semaphore_mem>>)
      %dma_wait3A = arith.constant 0 : i32
      %dma_wait3A_18 = tpu.memref_slice %arg12[%mul3A_4, %dma_wait3A] : memref<10096x16xf32, #tpu.memory_space<vmem_shared>> -> memref<631x16xf32, #tpu.memory_space<vmem_shared>>
      tpu.wait_dma2 semaphore(%run_scoped3A : memref<!tpu.dma_semaphore, #tpu.memory_space<semaphore_mem>>) src(%arg5 : memref<631x16xf32, #tpu.memory_space<hbm>>) dst(%dma_wait3A_18 : memref<631x16xf32, #tpu.memory_space<vmem_shared>>)
      tpu.yield
    }) : () -> ()
    %barrier3A = arith.constant 0 : index
    tpu.barrier barrier_id(%barrier3A)
    "tpu.trace_stop"() : () -> ()
    %scan3A = arith.constant 0 : i32
    %scan3A_5 = arith.constant 5 : i32
    %scan3A_6 = arith.addi %scan3A, %scan3A_5 : i32
    %scan3A_7 = arith.constant 1 : i32
    scf.for %scan3A_17 = %scan3A to %scan3A_6 step %scan3A_7  : i32 {
      %mul3A_18 = arith.constant 1 : i32
      %mul3A_19 = arith.muli %scan3A_17, %mul3A_18 : i32
      %add3A_20 = arith.constant 0 : i32
      %add3A_21 = arith.addi %add3A_20, %mul3A_19 : i32
      %mul3A_22 = arith.constant 21 : i32
      %mul3A_23 = arith.muli %add3A_21, %mul3A_22 : i32
      %add3A_24 = arith.addi %mul3A_2, %mul3A_23 : i32
      "tpu.region"() ({
        %run_scoped3A = tpu.sem_alloc : memref<!tpu.dma_semaphore, #tpu.memory_space<semaphore_mem>>
        %dma_start3A_46 = arith.constant 0 : i32
        %dma_start3A_47 = tpu.memref_slice %arg3[%add3A_24, %dma_start3A_46] : memref<3360x96xi32, #tpu.memory_space<hbm>> -> memref<21x96xi32, #tpu.memory_space<hbm>>
        %dma_start3A_48 = arith.constant 0 : i32
        %dma_start3A_49 = tpu.memref_slice %arg3[%add3A_24, %dma_start3A_48] : memref<3360x96xi32, #tpu.memory_space<hbm>> -> memref<21x96xi32, #tpu.memory_space<hbm>>
        tpu.enqueue_dma source(%dma_start3A_49 : memref<21x96xi32, #tpu.memory_space<hbm>>) target(%arg7 : memref<21x96xi32, #tpu.memory_space<vmem>>) target_semaphore(%run_scoped3A : memref<!tpu.dma_semaphore, #tpu.memory_space<semaphore_mem>>)
        %dma_wait3A = arith.constant 0 : i32
        %dma_wait3A_50 = tpu.memref_slice %arg3[%add3A_24, %dma_wait3A] : memref<3360x96xi32, #tpu.memory_space<hbm>> -> memref<21x96xi32, #tpu.memory_space<hbm>>
        %dma_wait3A_51 = arith.constant 0 : i32
        %dma_wait3A_52 = tpu.memref_slice %arg3[%add3A_24, %dma_wait3A_51] : memref<3360x96xi32, #tpu.memory_space<hbm>> -> memref<21x96xi32, #tpu.memory_space<hbm>>
        tpu.wait_dma2 semaphore(%run_scoped3A : memref<!tpu.dma_semaphore, #tpu.memory_space<semaphore_mem>>) src(%dma_wait3A_52 : memref<21x96xi32, #tpu.memory_space<hbm>>) dst(%arg7 : memref<21x96xi32, #tpu.memory_space<vmem>>)
        tpu.yield
      }) : () -> ()
      %mul3A_25 = arith.constant 21 : i32
      %mul3A_26 = arith.muli %add3A_21, %mul3A_25 : i32
      %add3A_27 = arith.addi %mul3A_2, %mul3A_26 : i32
      "tpu.region"() ({
        %run_scoped3A = tpu.sem_alloc : memref<!tpu.dma_semaphore, #tpu.memory_space<semaphore_mem>>
        %dma_start3A_46 = arith.constant 0 : i32
        %dma_start3A_47 = tpu.memref_slice %arg4[%add3A_27, %dma_start3A_46] : memref<3360x96xi32, #tpu.memory_space<hbm>> -> memref<21x96xi32, #tpu.memory_space<hbm>>
        %dma_start3A_48 = arith.constant 0 : i32
        %dma_start3A_49 = tpu.memref_slice %arg4[%add3A_27, %dma_start3A_48] : memref<3360x96xi32, #tpu.memory_space<hbm>> -> memref<21x96xi32, #tpu.memory_space<hbm>>
        tpu.enqueue_dma source(%dma_start3A_49 : memref<21x96xi32, #tpu.memory_space<hbm>>) target(%arg8 : memref<21x96xi32, #tpu.memory_space<vmem>>) target_semaphore(%run_scoped3A : memref<!tpu.dma_semaphore, #tpu.memory_space<semaphore_mem>>)
        %dma_wait3A = arith.constant 0 : i32
        %dma_wait3A_50 = tpu.memref_slice %arg4[%add3A_27, %dma_wait3A] : memref<3360x96xi32, #tpu.memory_space<hbm>> -> memref<21x96xi32, #tpu.memory_space<hbm>>
        %dma_wait3A_51 = arith.constant 0 : i32
        %dma_wait3A_52 = tpu.memref_slice %arg4[%add3A_27, %dma_wait3A_51] : memref<3360x96xi32, #tpu.memory_space<hbm>> -> memref<21x96xi32, #tpu.memory_space<hbm>>
        tpu.wait_dma2 semaphore(%run_scoped3A : memref<!tpu.dma_semaphore, #tpu.memory_space<semaphore_mem>>) src(%dma_wait3A_52 : memref<21x96xi32, #tpu.memory_space<hbm>>) dst(%arg8 : memref<21x96xi32, #tpu.memory_space<vmem>>)
        tpu.yield
      }) : () -> ()
      %dma_start3A = arith.constant 0 : i32
      %dma_start3A_28 = arith.constant 0 : i32
      %dma_start3A_29 = tpu.memref_slice %arg7[%dma_start3A, %dma_start3A_28] : memref<21x96xi32, #tpu.memory_space<vmem>> -> memref<1x96xi32, #tpu.memory_space<vmem>>
      %dma_start3A_30 = tpu.memref_squeeze %dma_start3A_29 : memref<1x96xi32, #tpu.memory_space<vmem>> -> memref<96xi32, #tpu.memory_space<vmem>>
      %dma_start3A_31 = arith.constant 0 : i32
      %dma_start3A_32 = arith.constant 0 : i32
      %dma_start3A_33 = tpu.memref_slice %arg2[%dma_start3A_31, %dma_start3A_32] : memref<10000x16xf32, #tpu.memory_space<hbm>> -> memref<10000x16xf32, #tpu.memory_space<hbm>>
      tpu.enqueue_indirect_dma source(%dma_start3A_33 : memref<10000x16xf32, #tpu.memory_space<hbm>>) target(%arg9 : memref<96x16xf32, #tpu.memory_space<vmem>>) offsets(%dma_start3A_30 : memref<96xi32, #tpu.memory_space<vmem>>) semaphore(%arg13 : memref<!tpu.dma_semaphore, #tpu.memory_space<semaphore_mem>>)
      %dma_start3A_34 = arith.constant 1 : i32
      %dma_start3A_35 = arith.constant 0 : i32
      %dma_start3A_36 = tpu.memref_slice %arg7[%dma_start3A_34, %dma_start3A_35] : memref<21x96xi32, #tpu.memory_space<vmem>> -> memref<1x96xi32, #tpu.memory_space<vmem>>
      %dma_start3A_37 = tpu.memref_squeeze %dma_start3A_36 : memref<1x96xi32, #tpu.memory_space<vmem>> -> memref<96xi32, #tpu.memory_space<vmem>>
      %dma_start3A_38 = arith.constant 0 : i32
      %dma_start3A_39 = arith.constant 0 : i32
      %dma_start3A_40 = tpu.memref_slice %arg2[%dma_start3A_38, %dma_start3A_39] : memref<10000x16xf32, #tpu.memory_space<hbm>> -> memref<10000x16xf32, #tpu.memory_space<hbm>>
      tpu.enqueue_indirect_dma source(%dma_start3A_40 : memref<10000x16xf32, #tpu.memory_space<hbm>>) target(%arg10 : memref<96x16xf32, #tpu.memory_space<vmem>>) offsets(%dma_start3A_37 : memref<96xi32, #tpu.memory_space<vmem>>) semaphore(%arg14 : memref<!tpu.dma_semaphore, #tpu.memory_space<semaphore_mem>>)
      %scan3A_41 = arith.constant 0 : i32
      %scan3A_42 = arith.constant 7 : i32
      %scan3A_43 = arith.addi %scan3A_41, %scan3A_42 : i32
      %scan3A_44 = arith.constant 1 : i32
      scf.for %scan3A_46 = %scan3A_41 to %scan3A_43 step %scan3A_44  : i32 {
        %mul3A_47 = arith.constant 1 : i32
        %mul3A_48 = arith.muli %scan3A_46, %mul3A_47 : i32
        %add3A_49 = arith.constant 0 : i32
        %add3A_50 = arith.addi %add3A_49, %mul3A_48 : i32
        %mul3A_51 = arith.constant 3 : i32
        %mul3A_52 = arith.muli %mul3A_51, %add3A_50 : i32
        %add3A_53 = arith.constant 2 : i32
        %add3A_54 = arith.addi %mul3A_52, %add3A_53 : i32
        %dma_start3A_55 = arith.constant 0 : i32
        %dma_start3A_56 = tpu.memref_slice %arg7[%add3A_54, %dma_start3A_55] : memref<21x96xi32, #tpu.memory_space<vmem>> -> memref<1x96xi32, #tpu.memory_space<vmem>>
        %dma_start3A_57 = tpu.memref_squeeze %dma_start3A_56 : memref<1x96xi32, #tpu.memory_space<vmem>> -> memref<96xi32, #tpu.memory_space<vmem>>
        %dma_start3A_58 = arith.constant 0 : i32
        %dma_start3A_59 = arith.constant 0 : i32
        %dma_start3A_60 = tpu.memref_slice %arg2[%dma_start3A_58, %dma_start3A_59] : memref<10000x16xf32, #tpu.memory_space<hbm>> -> memref<10000x16xf32, #tpu.memory_space<hbm>>
        tpu.enqueue_indirect_dma source(%dma_start3A_60 : memref<10000x16xf32, #tpu.memory_space<hbm>>) target(%arg11 : memref<96x16xf32, #tpu.memory_space<vmem>>) offsets(%dma_start3A_57 : memref<96xi32, #tpu.memory_space<vmem>>) semaphore(%arg15 : memref<!tpu.dma_semaphore, #tpu.memory_space<semaphore_mem>>)
        %dma_wait3A = arith.constant 0 : i32
        %dma_wait3A_61 = tpu.memref_slice %arg7[%mul3A_52, %dma_wait3A] : memref<21x96xi32, #tpu.memory_space<vmem>> -> memref<1x96xi32, #tpu.memory_space<vmem>>
        %dma_wait3A_62 = tpu.memref_squeeze %dma_wait3A_61 : memref<1x96xi32, #tpu.memory_space<vmem>> -> memref<96xi32, #tpu.memory_space<vmem>>
        %dma_wait3A_63 = arith.constant 0 : i32
        %dma_wait3A_64 = arith.constant 0 : i32
        %dma_wait3A_65 = tpu.memref_slice %arg2[%dma_wait3A_63, %dma_wait3A_64] : memref<10000x16xf32, #tpu.memory_space<hbm>> -> memref<10000x16xf32, #tpu.memory_space<hbm>>
        tpu.wait_indirect_dma semaphore(%arg13 : memref<!tpu.dma_semaphore, #tpu.memory_space<semaphore_mem>>) src(%dma_wait3A_65 : memref<10000x16xf32, #tpu.memory_space<hbm>>) dst(%arg9 : memref<96x16xf32, #tpu.memory_space<vmem>>)
        "tpu.region"() ({
          %run_scoped3A = tpu.sem_alloc : memref<!tpu.dma_semaphore, #tpu.memory_space<semaphore_mem>>
          %dma_start3A_97 = arith.constant 0 : i32
          %dma_start3A_98 = tpu.memref_slice %arg8[%mul3A_52, %dma_start3A_97] : memref<21x96xi32, #tpu.memory_space<vmem>> -> memref<1x96xi32, #tpu.memory_space<vmem>>
          %dma_start3A_99 = tpu.memref_squeeze %dma_start3A_98 : memref<1x96xi32, #tpu.memory_space<vmem>> -> memref<96xi32, #tpu.memory_space<vmem>>
          %dma_start3A_100 = arith.constant 0 : i32
          %dma_start3A_101 = arith.constant 0 : i32
          %dma_start3A_102 = tpu.memref_slice %arg12[%dma_start3A_100, %dma_start3A_101] : memref<10096x16xf32, #tpu.memory_space<vmem_shared>> -> memref<10096x16xf32, #tpu.memory_space<vmem_shared>>
          tpu.enqueue_indirect_dma source(%arg9 : memref<96x16xf32, #tpu.memory_space<vmem>>) target(%dma_start3A_102 : memref<10096x16xf32, #tpu.memory_space<vmem_shared>>) offsets(%dma_start3A_99 : memref<96xi32, #tpu.memory_space<vmem>>) semaphore(%run_scoped3A : memref<!tpu.dma_semaphore, #tpu.memory_space<semaphore_mem>>) {add = true}
          %dma_wait3A_103 = arith.constant 0 : i32
          %dma_wait3A_104 = tpu.memref_slice %arg8[%mul3A_52, %dma_wait3A_103] : memref<21x96xi32, #tpu.memory_space<vmem>> -> memref<1x96xi32, #tpu.memory_space<vmem>>
          %dma_wait3A_105 = tpu.memref_squeeze %dma_wait3A_104 : memref<1x96xi32, #tpu.memory_space<vmem>> -> memref<96xi32, #tpu.memory_space<vmem>>
          %dma_wait3A_106 = arith.constant 0 : i32
          %dma_wait3A_107 = arith.constant 0 : i32
          %dma_wait3A_108 = tpu.memref_slice %arg12[%dma_wait3A_106, %dma_wait3A_107] : memref<10096x16xf32, #tpu.memory_space<vmem_shared>> -> memref<10096x16xf32, #tpu.memory_space<vmem_shared>>
          tpu.wait_indirect_dma semaphore(%run_scoped3A : memref<!tpu.dma_semaphore, #tpu.memory_space<semaphore_mem>>) src(%arg9 : memref<96x16xf32, #tpu.memory_space<vmem>>) dst(%dma_wait3A_108 : memref<10096x16xf32, #tpu.memory_space<vmem_shared>>)
          tpu.yield
        }) : () -> ()
        %add3A_66 = arith.constant 3 : i32
        %add3A_67 = arith.addi %mul3A_52, %add3A_66 : i32
        %lt3A = arith.constant 21 : i32
        %lt3A_68 = arith.cmpi slt, %add3A_67, %lt3A : i32
        %convert_element_type3A = arith.extui %lt3A_68 : i1 to i32
        %cond3A = arith.constant 0 : i32
        %cond3A_69 = arith.cmpi ne, %convert_element_type3A, %cond3A : i32
        scf.if %cond3A_69 {
          %add3A_97 = arith.constant 3 : i32
          %add3A_98 = arith.addi %mul3A_52, %add3A_97 : i32
          %dma_start3A_99 = arith.constant 0 : i32
          %dma_start3A_100 = tpu.memref_slice %arg7[%add3A_98, %dma_start3A_99] : memref<21x96xi32, #tpu.memory_space<vmem>> -> memref<1x96xi32, #tpu.memory_space<vmem>>
          %dma_start3A_101 = tpu.memref_squeeze %dma_start3A_100 : memref<1x96xi32, #tpu.memory_space<vmem>> -> memref<96xi32, #tpu.memory_space<vmem>>
          %dma_start3A_102 = arith.constant 0 : i32
          %dma_start3A_103 = arith.constant 0 : i32
          %dma_start3A_104 = tpu.memref_slice %arg2[%dma_start3A_102, %dma_start3A_103] : memref<10000x16xf32, #tpu.memory_space<hbm>> -> memref<10000x16xf32, #tpu.memory_space<hbm>>
          tpu.enqueue_indirect_dma source(%dma_start3A_104 : memref<10000x16xf32, #tpu.memory_space<hbm>>) target(%arg9 : memref<96x16xf32, #tpu.memory_space<vmem>>) offsets(%dma_start3A_101 : memref<96xi32, #tpu.memory_space<vmem>>) semaphore(%arg13 : memref<!tpu.dma_semaphore, #tpu.memory_space<semaphore_mem>>)
        } else {
        }
        %add3A_70 = arith.constant 1 : i32
        %add3A_71 = arith.addi %mul3A_52, %add3A_70 : i32
        %dma_wait3A_72 = arith.constant 0 : i32
        %dma_wait3A_73 = tpu.memref_slice %arg7[%add3A_71, %dma_wait3A_72] : memref<21x96xi32, #tpu.memory_space<vmem>> -> memref<1x96xi32, #tpu.memory_space<vmem>>
        %dma_wait3A_74 = tpu.memref_squeeze %dma_wait3A_73 : memref<1x96xi32, #tpu.memory_space<vmem>> -> memref<96xi32, #tpu.memory_space<vmem>>
        %dma_wait3A_75 = arith.constant 0 : i32
        %dma_wait3A_76 = arith.constant 0 : i32
        %dma_wait3A_77 = tpu.memref_slice %arg2[%dma_wait3A_75, %dma_wait3A_76] : memref<10000x16xf32, #tpu.memory_space<hbm>> -> memref<10000x16xf32, #tpu.memory_space<hbm>>
        tpu.wait_indirect_dma semaphore(%arg14 : memref<!tpu.dma_semaphore, #tpu.memory_space<semaphore_mem>>) src(%dma_wait3A_77 : memref<10000x16xf32, #tpu.memory_space<hbm>>) dst(%arg10 : memref<96x16xf32, #tpu.memory_space<vmem>>)
        %add3A_78 = arith.constant 1 : i32
        %add3A_79 = arith.addi %mul3A_52, %add3A_78 : i32
        "tpu.region"() ({
          %run_scoped3A = tpu.sem_alloc : memref<!tpu.dma_semaphore, #tpu.memory_space<semaphore_mem>>
          %dma_start3A_97 = arith.constant 0 : i32
          %dma_start3A_98 = tpu.memref_slice %arg8[%add3A_79, %dma_start3A_97] : memref<21x96xi32, #tpu.memory_space<vmem>> -> memref<1x96xi32, #tpu.memory_space<vmem>>
          %dma_start3A_99 = tpu.memref_squeeze %dma_start3A_98 : memref<1x96xi32, #tpu.memory_space<vmem>> -> memref<96xi32, #tpu.memory_space<vmem>>
          %dma_start3A_100 = arith.constant 0 : i32
          %dma_start3A_101 = arith.constant 0 : i32
          %dma_start3A_102 = tpu.memref_slice %arg12[%dma_start3A_100, %dma_start3A_101] : memref<10096x16xf32, #tpu.memory_space<vmem_shared>> -> memref<10096x16xf32, #tpu.memory_space<vmem_shared>>
          tpu.enqueue_indirect_dma source(%arg10 : memref<96x16xf32, #tpu.memory_space<vmem>>) target(%dma_start3A_102 : memref<10096x16xf32, #tpu.memory_space<vmem_shared>>) offsets(%dma_start3A_99 : memref<96xi32, #tpu.memory_space<vmem>>) semaphore(%run_scoped3A : memref<!tpu.dma_semaphore, #tpu.memory_space<semaphore_mem>>) {add = true}
          %dma_wait3A_103 = arith.constant 0 : i32
          %dma_wait3A_104 = tpu.memref_slice %arg8[%add3A_79, %dma_wait3A_103] : memref<21x96xi32, #tpu.memory_space<vmem>> -> memref<1x96xi32, #tpu.memory_space<vmem>>
          %dma_wait3A_105 = tpu.memref_squeeze %dma_wait3A_104 : memref<1x96xi32, #tpu.memory_space<vmem>> -> memref<96xi32, #tpu.memory_space<vmem>>
          %dma_wait3A_106 = arith.constant 0 : i32
          %dma_wait3A_107 = arith.constant 0 : i32
          %dma_wait3A_108 = tpu.memref_slice %arg12[%dma_wait3A_106, %dma_wait3A_107] : memref<10096x16xf32, #tpu.memory_space<vmem_shared>> -> memref<10096x16xf32, #tpu.memory_space<vmem_shared>>
          tpu.wait_indirect_dma semaphore(%run_scoped3A : memref<!tpu.dma_semaphore, #tpu.memory_space<semaphore_mem>>) src(%arg10 : memref<96x16xf32, #tpu.memory_space<vmem>>) dst(%dma_wait3A_108 : memref<10096x16xf32, #tpu.memory_space<vmem_shared>>)
          tpu.yield
        }) : () -> ()
        %add3A_80 = arith.constant 4 : i32
        %add3A_81 = arith.addi %mul3A_52, %add3A_80 : i32
        %lt3A_82 = arith.constant 21 : i32
        %lt3A_83 = arith.cmpi slt, %add3A_81, %lt3A_82 : i32
        %convert_element_type3A_84 = arith.extui %lt3A_83 : i1 to i32
        %cond3A_85 = arith.constant 0 : i32
        %cond3A_86 = arith.cmpi ne, %convert_element_type3A_84, %cond3A_85 : i32
        scf.if %cond3A_86 {
          %add3A_97 = arith.constant 4 : i32
          %add3A_98 = arith.addi %mul3A_52, %add3A_97 : i32
          %dma_start3A_99 = arith.constant 0 : i32
          %dma_start3A_100 = tpu.memref_slice %arg7[%add3A_98, %dma_start3A_99] : memref<21x96xi32, #tpu.memory_space<vmem>> -> memref<1x96xi32, #tpu.memory_space<vmem>>
          %dma_start3A_101 = tpu.memref_squeeze %dma_start3A_100 : memref<1x96xi32, #tpu.memory_space<vmem>> -> memref<96xi32, #tpu.memory_space<vmem>>
          %dma_start3A_102 = arith.constant 0 : i32
          %dma_start3A_103 = arith.constant 0 : i32
          %dma_start3A_104 = tpu.memref_slice %arg2[%dma_start3A_102, %dma_start3A_103] : memref<10000x16xf32, #tpu.memory_space<hbm>> -> memref<10000x16xf32, #tpu.memory_space<hbm>>
          tpu.enqueue_indirect_dma source(%dma_start3A_104 : memref<10000x16xf32, #tpu.memory_space<hbm>>) target(%arg10 : memref<96x16xf32, #tpu.memory_space<vmem>>) offsets(%dma_start3A_101 : memref<96xi32, #tpu.memory_space<vmem>>) semaphore(%arg14 : memref<!tpu.dma_semaphore, #tpu.memory_space<semaphore_mem>>)
        } else {
        }
        %add3A_87 = arith.constant 2 : i32
        %add3A_88 = arith.addi %mul3A_52, %add3A_87 : i32
        %dma_wait3A_89 = arith.constant 0 : i32
        %dma_wait3A_90 = tpu.memref_slice %arg7[%add3A_88, %dma_wait3A_89] : memref<21x96xi32, #tpu.memory_space<vmem>> -> memref<1x96xi32, #tpu.memory_space<vmem>>
        %dma_wait3A_91 = tpu.memref_squeeze %dma_wait3A_90 : memref<1x96xi32, #tpu.memory_space<vmem>> -> memref<96xi32, #tpu.memory_space<vmem>>
        %dma_wait3A_92 = arith.constant 0 : i32
        %dma_wait3A_93 = arith.constant 0 : i32
        %dma_wait3A_94 = tpu.memref_slice %arg2[%dma_wait3A_92, %dma_wait3A_93] : memref<10000x16xf32, #tpu.memory_space<hbm>> -> memref<10000x16xf32, #tpu.memory_space<hbm>>
        tpu.wait_indirect_dma semaphore(%arg15 : memref<!tpu.dma_semaphore, #tpu.memory_space<semaphore_mem>>) src(%dma_wait3A_94 : memref<10000x16xf32, #tpu.memory_space<hbm>>) dst(%arg11 : memref<96x16xf32, #tpu.memory_space<vmem>>)
        %add3A_95 = arith.constant 2 : i32
        %add3A_96 = arith.addi %mul3A_52, %add3A_95 : i32
        "tpu.region"() ({
          %run_scoped3A = tpu.sem_alloc : memref<!tpu.dma_semaphore, #tpu.memory_space<semaphore_mem>>
          %dma_start3A_97 = arith.constant 0 : i32
          %dma_start3A_98 = tpu.memref_slice %arg8[%add3A_96, %dma_start3A_97] : memref<21x96xi32, #tpu.memory_space<vmem>> -> memref<1x96xi32, #tpu.memory_space<vmem>>
          %dma_start3A_99 = tpu.memref_squeeze %dma_start3A_98 : memref<1x96xi32, #tpu.memory_space<vmem>> -> memref<96xi32, #tpu.memory_space<vmem>>
          %dma_start3A_100 = arith.constant 0 : i32
          %dma_start3A_101 = arith.constant 0 : i32
          %dma_start3A_102 = tpu.memref_slice %arg12[%dma_start3A_100, %dma_start3A_101] : memref<10096x16xf32, #tpu.memory_space<vmem_shared>> -> memref<10096x16xf32, #tpu.memory_space<vmem_shared>>
          tpu.enqueue_indirect_dma source(%arg11 : memref<96x16xf32, #tpu.memory_space<vmem>>) target(%dma_start3A_102 : memref<10096x16xf32, #tpu.memory_space<vmem_shared>>) offsets(%dma_start3A_99 : memref<96xi32, #tpu.memory_space<vmem>>) semaphore(%run_scoped3A : memref<!tpu.dma_semaphore, #tpu.memory_space<semaphore_mem>>) {add = true}
          %dma_wait3A_103 = arith.constant 0 : i32
          %dma_wait3A_104 = tpu.memref_slice %arg8[%add3A_96, %dma_wait3A_103] : memref<21x96xi32, #tpu.memory_space<vmem>> -> memref<1x96xi32, #tpu.memory_space<vmem>>
          %dma_wait3A_105 = tpu.memref_squeeze %dma_wait3A_104 : memref<1x96xi32, #tpu.memory_space<vmem>> -> memref<96xi32, #tpu.memory_space<vmem>>
          %dma_wait3A_106 = arith.constant 0 : i32
          %dma_wait3A_107 = arith.constant 0 : i32
          %dma_wait3A_108 = tpu.memref_slice %arg12[%dma_wait3A_106, %dma_wait3A_107] : memref<10096x16xf32, #tpu.memory_space<vmem_shared>> -> memref<10096x16xf32, #tpu.memory_space<vmem_shared>>
          tpu.wait_indirect_dma semaphore(%run_scoped3A : memref<!tpu.dma_semaphore, #tpu.memory_space<semaphore_mem>>) src(%arg11 : memref<96x16xf32, #tpu.memory_space<vmem>>) dst(%dma_wait3A_108 : memref<10096x16xf32, #tpu.memory_space<vmem_shared>>)
          tpu.yield
        }) : () -> ()
      }
      %scan3A_45 = arith.constant 7 : i32
    }
    %scan3A_8 = arith.constant 5 : i32
    "tpu.trace_start"() <{level = 10 : i32, message = "copy_out"}> : () -> ()
    %barrier3A_9 = arith.constant 0 : index
    tpu.barrier barrier_id(%barrier3A_9)
    %mul3A_10 = arith.constant 631 : i32
    %mul3A_11 = arith.muli %arg1, %mul3A_10 : i32
    %mul3A_12 = arith.constant 10096 : i32
    %mul3A_13 = arith.muli %arg0, %mul3A_12 : i32
    %mul3A_14 = arith.constant 631 : i32
    %mul3A_15 = arith.muli %arg1, %mul3A_14 : i32
    %add3A_16 = arith.addi %mul3A_13, %mul3A_15 : i32
    "tpu.region"() ({
      %run_scoped3A = tpu.sem_alloc : memref<!tpu.dma_semaphore, #tpu.memory_space<semaphore_mem>>
      %dma_start3A = arith.constant 0 : i32
      %dma_start3A_17 = tpu.memref_slice %arg6[%add3A_16, %dma_start3A] : memref<20192x16xf32, #tpu.memory_space<hbm>> -> memref<631x16xf32, #tpu.memory_space<hbm>>
      %dma_start3A_18 = arith.constant 0 : i32
      %dma_start3A_19 = tpu.memref_slice %arg12[%mul3A_11, %dma_start3A_18] : memref<10096x16xf32, #tpu.memory_space<vmem_shared>> -> memref<631x16xf32, #tpu.memory_space<vmem_shared>>
      tpu.enqueue_dma source(%dma_start3A_19 : memref<631x16xf32, #tpu.memory_space<vmem_shared>>) target(%dma_start3A_17 : memref<631x16xf32, #tpu.memory_space<hbm>>) target_semaphore(%run_scoped3A : memref<!tpu.dma_semaphore, #tpu.memory_space<semaphore_mem>>)
      %dma_wait3A = arith.constant 0 : i32
      %dma_wait3A_20 = tpu.memref_slice %arg6[%add3A_16, %dma_wait3A] : memref<20192x16xf32, #tpu.memory_space<hbm>> -> memref<631x16xf32, #tpu.memory_space<hbm>>
      %dma_wait3A_21 = arith.constant 0 : i32
      %dma_wait3A_22 = tpu.memref_slice %arg12[%mul3A_11, %dma_wait3A_21] : memref<10096x16xf32, #tpu.memory_space<vmem_shared>> -> memref<631x16xf32, #tpu.memory_space<vmem_shared>>
      tpu.wait_dma2 semaphore(%run_scoped3A : memref<!tpu.dma_semaphore, #tpu.memory_space<semaphore_mem>>) src(%dma_wait3A_22 : memref<631x16xf32, #tpu.memory_space<vmem_shared>>) dst(%dma_wait3A_20 : memref<631x16xf32, #tpu.memory_space<hbm>>)
      tpu.yield
    }) : () -> ()
    "tpu.trace_stop"() : () -> ()
    return
  }
}

#map = affine_map<(d0, d1) -> (0, 0)>
module attributes {stable_mosaic.version = 14 : i64} {
  func.func @sc_aggregate_d128(%arg0: i32, %arg1: i32, %arg2: memref<10000x128xbf16, #tpu.memory_space<hbm>>, %arg3: memref<3360x96xi32, #tpu.memory_space<hbm>>, %arg4: memref<3360x96xi32, #tpu.memory_space<hbm>>, %arg5: memref<631x128xbf16, #tpu.memory_space<hbm>>, %arg6: memref<20192x128xbf16, #tpu.memory_space<hbm>>, %arg7: memref<21x96xi32, #tpu.memory_space<vmem>>, %arg8: memref<21x96xi32, #tpu.memory_space<vmem>>, %arg9: memref<96x128xbf16, #tpu.memory_space<vmem>>, %arg10: memref<96x128xbf16, #tpu.memory_space<vmem>>, %arg11: memref<96x128xbf16, #tpu.memory_space<vmem>>, %arg12: memref<10096x128xbf16, #tpu.memory_space<vmem_shared>>, %arg13: memref<!tpu.dma_semaphore, #tpu.memory_space<semaphore_mem>>, %arg14: memref<!tpu.dma_semaphore, #tpu.memory_space<semaphore_mem>>, %arg15: memref<!tpu.dma_semaphore, #tpu.memory_space<semaphore_mem>>) attributes {dimension_semantics = [#tpu.dimension_semantics<core_parallel>, #tpu.dimension_semantics<subcore_parallel>], iteration_bounds = array<i64: 2, 16>, scalar_prefetch = 0 : i64, scratch_operands = 9 : i64, tpu.core_type = #tpu.core_type<sc_vector_subcore>, window_params = [{transform_indices = #map}, {transform_indices = #map}, {transform_indices = #map}, {transform_indices = #map}, {transform_indices = #map}]} {
    %mul3A = arith.constant 16 : i32
    %mul3A_0 = arith.muli %arg0, %mul3A : i32
    %add3A = arith.addi %mul3A_0, %arg1 : i32
    %mul3A_1 = arith.constant 105 : i32
    %mul3A_2 = arith.muli %add3A, %mul3A_1 : i32
    "tpu.trace_start"() <{level = 10 : i32, message = "zero_fill"}> : () -> ()
    %mul3A_3 = arith.constant 631 : i32
    %mul3A_4 = arith.muli %arg1, %mul3A_3 : i32
    "tpu.region"() ({
      %run_scoped3A = tpu.sem_alloc : memref<!tpu.dma_semaphore, #tpu.memory_space<semaphore_mem>>
      %dma_start3A = arith.constant 0 : i32
      %dma_start3A_17 = tpu.memref_slice %arg12[%mul3A_4, %dma_start3A] : memref<10096x128xbf16, #tpu.memory_space<vmem_shared>> -> memref<631x128xbf16, #tpu.memory_space<vmem_shared>>
      tpu.enqueue_dma source(%arg5 : memref<631x128xbf16, #tpu.memory_space<hbm>>) target(%dma_start3A_17 : memref<631x128xbf16, #tpu.memory_space<vmem_shared>>) target_semaphore(%run_scoped3A : memref<!tpu.dma_semaphore, #tpu.memory_space<semaphore_mem>>)
      %dma_wait3A = arith.constant 0 : i32
      %dma_wait3A_18 = tpu.memref_slice %arg12[%mul3A_4, %dma_wait3A] : memref<10096x128xbf16, #tpu.memory_space<vmem_shared>> -> memref<631x128xbf16, #tpu.memory_space<vmem_shared>>
      tpu.wait_dma2 semaphore(%run_scoped3A : memref<!tpu.dma_semaphore, #tpu.memory_space<semaphore_mem>>) src(%arg5 : memref<631x128xbf16, #tpu.memory_space<hbm>>) dst(%dma_wait3A_18 : memref<631x128xbf16, #tpu.memory_space<vmem_shared>>)
      tpu.yield
    }) : () -> ()
    %barrier3A = arith.constant 0 : index
    tpu.barrier barrier_id(%barrier3A)
    "tpu.trace_stop"() : () -> ()
    %scan3A = arith.constant 0 : i32
    %scan3A_5 = arith.constant 5 : i32
    %scan3A_6 = arith.addi %scan3A, %scan3A_5 : i32
    %scan3A_7 = arith.constant 1 : i32
    scf.for %scan3A_17 = %scan3A to %scan3A_6 step %scan3A_7  : i32 {
      %mul3A_18 = arith.constant 1 : i32
      %mul3A_19 = arith.muli %scan3A_17, %mul3A_18 : i32
      %add3A_20 = arith.constant 0 : i32
      %add3A_21 = arith.addi %add3A_20, %mul3A_19 : i32
      %mul3A_22 = arith.constant 21 : i32
      %mul3A_23 = arith.muli %add3A_21, %mul3A_22 : i32
      %add3A_24 = arith.addi %mul3A_2, %mul3A_23 : i32
      "tpu.region"() ({
        %run_scoped3A = tpu.sem_alloc : memref<!tpu.dma_semaphore, #tpu.memory_space<semaphore_mem>>
        %dma_start3A_46 = arith.constant 0 : i32
        %dma_start3A_47 = tpu.memref_slice %arg3[%add3A_24, %dma_start3A_46] : memref<3360x96xi32, #tpu.memory_space<hbm>> -> memref<21x96xi32, #tpu.memory_space<hbm>>
        %dma_start3A_48 = arith.constant 0 : i32
        %dma_start3A_49 = tpu.memref_slice %arg3[%add3A_24, %dma_start3A_48] : memref<3360x96xi32, #tpu.memory_space<hbm>> -> memref<21x96xi32, #tpu.memory_space<hbm>>
        tpu.enqueue_dma source(%dma_start3A_49 : memref<21x96xi32, #tpu.memory_space<hbm>>) target(%arg7 : memref<21x96xi32, #tpu.memory_space<vmem>>) target_semaphore(%run_scoped3A : memref<!tpu.dma_semaphore, #tpu.memory_space<semaphore_mem>>)
        %dma_wait3A = arith.constant 0 : i32
        %dma_wait3A_50 = tpu.memref_slice %arg3[%add3A_24, %dma_wait3A] : memref<3360x96xi32, #tpu.memory_space<hbm>> -> memref<21x96xi32, #tpu.memory_space<hbm>>
        %dma_wait3A_51 = arith.constant 0 : i32
        %dma_wait3A_52 = tpu.memref_slice %arg3[%add3A_24, %dma_wait3A_51] : memref<3360x96xi32, #tpu.memory_space<hbm>> -> memref<21x96xi32, #tpu.memory_space<hbm>>
        tpu.wait_dma2 semaphore(%run_scoped3A : memref<!tpu.dma_semaphore, #tpu.memory_space<semaphore_mem>>) src(%dma_wait3A_52 : memref<21x96xi32, #tpu.memory_space<hbm>>) dst(%arg7 : memref<21x96xi32, #tpu.memory_space<vmem>>)
        tpu.yield
      }) : () -> ()
      %mul3A_25 = arith.constant 21 : i32
      %mul3A_26 = arith.muli %add3A_21, %mul3A_25 : i32
      %add3A_27 = arith.addi %mul3A_2, %mul3A_26 : i32
      "tpu.region"() ({
        %run_scoped3A = tpu.sem_alloc : memref<!tpu.dma_semaphore, #tpu.memory_space<semaphore_mem>>
        %dma_start3A_46 = arith.constant 0 : i32
        %dma_start3A_47 = tpu.memref_slice %arg4[%add3A_27, %dma_start3A_46] : memref<3360x96xi32, #tpu.memory_space<hbm>> -> memref<21x96xi32, #tpu.memory_space<hbm>>
        %dma_start3A_48 = arith.constant 0 : i32
        %dma_start3A_49 = tpu.memref_slice %arg4[%add3A_27, %dma_start3A_48] : memref<3360x96xi32, #tpu.memory_space<hbm>> -> memref<21x96xi32, #tpu.memory_space<hbm>>
        tpu.enqueue_dma source(%dma_start3A_49 : memref<21x96xi32, #tpu.memory_space<hbm>>) target(%arg8 : memref<21x96xi32, #tpu.memory_space<vmem>>) target_semaphore(%run_scoped3A : memref<!tpu.dma_semaphore, #tpu.memory_space<semaphore_mem>>)
        %dma_wait3A = arith.constant 0 : i32
        %dma_wait3A_50 = tpu.memref_slice %arg4[%add3A_27, %dma_wait3A] : memref<3360x96xi32, #tpu.memory_space<hbm>> -> memref<21x96xi32, #tpu.memory_space<hbm>>
        %dma_wait3A_51 = arith.constant 0 : i32
        %dma_wait3A_52 = tpu.memref_slice %arg4[%add3A_27, %dma_wait3A_51] : memref<3360x96xi32, #tpu.memory_space<hbm>> -> memref<21x96xi32, #tpu.memory_space<hbm>>
        tpu.wait_dma2 semaphore(%run_scoped3A : memref<!tpu.dma_semaphore, #tpu.memory_space<semaphore_mem>>) src(%dma_wait3A_52 : memref<21x96xi32, #tpu.memory_space<hbm>>) dst(%arg8 : memref<21x96xi32, #tpu.memory_space<vmem>>)
        tpu.yield
      }) : () -> ()
      %dma_start3A = arith.constant 0 : i32
      %dma_start3A_28 = arith.constant 0 : i32
      %dma_start3A_29 = tpu.memref_slice %arg7[%dma_start3A, %dma_start3A_28] : memref<21x96xi32, #tpu.memory_space<vmem>> -> memref<1x96xi32, #tpu.memory_space<vmem>>
      %dma_start3A_30 = tpu.memref_squeeze %dma_start3A_29 : memref<1x96xi32, #tpu.memory_space<vmem>> -> memref<96xi32, #tpu.memory_space<vmem>>
      %dma_start3A_31 = arith.constant 0 : i32
      %dma_start3A_32 = arith.constant 0 : i32
      %dma_start3A_33 = tpu.memref_slice %arg2[%dma_start3A_31, %dma_start3A_32] : memref<10000x128xbf16, #tpu.memory_space<hbm>> -> memref<10000x128xbf16, #tpu.memory_space<hbm>>
      tpu.enqueue_indirect_dma source(%dma_start3A_33 : memref<10000x128xbf16, #tpu.memory_space<hbm>>) target(%arg9 : memref<96x128xbf16, #tpu.memory_space<vmem>>) offsets(%dma_start3A_30 : memref<96xi32, #tpu.memory_space<vmem>>) semaphore(%arg13 : memref<!tpu.dma_semaphore, #tpu.memory_space<semaphore_mem>>)
      %dma_start3A_34 = arith.constant 1 : i32
      %dma_start3A_35 = arith.constant 0 : i32
      %dma_start3A_36 = tpu.memref_slice %arg7[%dma_start3A_34, %dma_start3A_35] : memref<21x96xi32, #tpu.memory_space<vmem>> -> memref<1x96xi32, #tpu.memory_space<vmem>>
      %dma_start3A_37 = tpu.memref_squeeze %dma_start3A_36 : memref<1x96xi32, #tpu.memory_space<vmem>> -> memref<96xi32, #tpu.memory_space<vmem>>
      %dma_start3A_38 = arith.constant 0 : i32
      %dma_start3A_39 = arith.constant 0 : i32
      %dma_start3A_40 = tpu.memref_slice %arg2[%dma_start3A_38, %dma_start3A_39] : memref<10000x128xbf16, #tpu.memory_space<hbm>> -> memref<10000x128xbf16, #tpu.memory_space<hbm>>
      tpu.enqueue_indirect_dma source(%dma_start3A_40 : memref<10000x128xbf16, #tpu.memory_space<hbm>>) target(%arg10 : memref<96x128xbf16, #tpu.memory_space<vmem>>) offsets(%dma_start3A_37 : memref<96xi32, #tpu.memory_space<vmem>>) semaphore(%arg14 : memref<!tpu.dma_semaphore, #tpu.memory_space<semaphore_mem>>)
      %scan3A_41 = arith.constant 0 : i32
      %scan3A_42 = arith.constant 7 : i32
      %scan3A_43 = arith.addi %scan3A_41, %scan3A_42 : i32
      %scan3A_44 = arith.constant 1 : i32
      scf.for %scan3A_46 = %scan3A_41 to %scan3A_43 step %scan3A_44  : i32 {
        %mul3A_47 = arith.constant 1 : i32
        %mul3A_48 = arith.muli %scan3A_46, %mul3A_47 : i32
        %add3A_49 = arith.constant 0 : i32
        %add3A_50 = arith.addi %add3A_49, %mul3A_48 : i32
        %mul3A_51 = arith.constant 3 : i32
        %mul3A_52 = arith.muli %mul3A_51, %add3A_50 : i32
        %add3A_53 = arith.constant 2 : i32
        %add3A_54 = arith.addi %mul3A_52, %add3A_53 : i32
        %dma_start3A_55 = arith.constant 0 : i32
        %dma_start3A_56 = tpu.memref_slice %arg7[%add3A_54, %dma_start3A_55] : memref<21x96xi32, #tpu.memory_space<vmem>> -> memref<1x96xi32, #tpu.memory_space<vmem>>
        %dma_start3A_57 = tpu.memref_squeeze %dma_start3A_56 : memref<1x96xi32, #tpu.memory_space<vmem>> -> memref<96xi32, #tpu.memory_space<vmem>>
        %dma_start3A_58 = arith.constant 0 : i32
        %dma_start3A_59 = arith.constant 0 : i32
        %dma_start3A_60 = tpu.memref_slice %arg2[%dma_start3A_58, %dma_start3A_59] : memref<10000x128xbf16, #tpu.memory_space<hbm>> -> memref<10000x128xbf16, #tpu.memory_space<hbm>>
        tpu.enqueue_indirect_dma source(%dma_start3A_60 : memref<10000x128xbf16, #tpu.memory_space<hbm>>) target(%arg11 : memref<96x128xbf16, #tpu.memory_space<vmem>>) offsets(%dma_start3A_57 : memref<96xi32, #tpu.memory_space<vmem>>) semaphore(%arg15 : memref<!tpu.dma_semaphore, #tpu.memory_space<semaphore_mem>>)
        %dma_wait3A = arith.constant 0 : i32
        %dma_wait3A_61 = tpu.memref_slice %arg7[%mul3A_52, %dma_wait3A] : memref<21x96xi32, #tpu.memory_space<vmem>> -> memref<1x96xi32, #tpu.memory_space<vmem>>
        %dma_wait3A_62 = tpu.memref_squeeze %dma_wait3A_61 : memref<1x96xi32, #tpu.memory_space<vmem>> -> memref<96xi32, #tpu.memory_space<vmem>>
        %dma_wait3A_63 = arith.constant 0 : i32
        %dma_wait3A_64 = arith.constant 0 : i32
        %dma_wait3A_65 = tpu.memref_slice %arg2[%dma_wait3A_63, %dma_wait3A_64] : memref<10000x128xbf16, #tpu.memory_space<hbm>> -> memref<10000x128xbf16, #tpu.memory_space<hbm>>
        tpu.wait_indirect_dma semaphore(%arg13 : memref<!tpu.dma_semaphore, #tpu.memory_space<semaphore_mem>>) src(%dma_wait3A_65 : memref<10000x128xbf16, #tpu.memory_space<hbm>>) dst(%arg9 : memref<96x128xbf16, #tpu.memory_space<vmem>>)
        "tpu.region"() ({
          %run_scoped3A = tpu.sem_alloc : memref<!tpu.dma_semaphore, #tpu.memory_space<semaphore_mem>>
          %dma_start3A_97 = arith.constant 0 : i32
          %dma_start3A_98 = tpu.memref_slice %arg8[%mul3A_52, %dma_start3A_97] : memref<21x96xi32, #tpu.memory_space<vmem>> -> memref<1x96xi32, #tpu.memory_space<vmem>>
          %dma_start3A_99 = tpu.memref_squeeze %dma_start3A_98 : memref<1x96xi32, #tpu.memory_space<vmem>> -> memref<96xi32, #tpu.memory_space<vmem>>
          %dma_start3A_100 = arith.constant 0 : i32
          %dma_start3A_101 = arith.constant 0 : i32
          %dma_start3A_102 = tpu.memref_slice %arg12[%dma_start3A_100, %dma_start3A_101] : memref<10096x128xbf16, #tpu.memory_space<vmem_shared>> -> memref<10096x128xbf16, #tpu.memory_space<vmem_shared>>
          tpu.enqueue_indirect_dma source(%arg9 : memref<96x128xbf16, #tpu.memory_space<vmem>>) target(%dma_start3A_102 : memref<10096x128xbf16, #tpu.memory_space<vmem_shared>>) offsets(%dma_start3A_99 : memref<96xi32, #tpu.memory_space<vmem>>) semaphore(%run_scoped3A : memref<!tpu.dma_semaphore, #tpu.memory_space<semaphore_mem>>) {add = true}
          %dma_wait3A_103 = arith.constant 0 : i32
          %dma_wait3A_104 = tpu.memref_slice %arg8[%mul3A_52, %dma_wait3A_103] : memref<21x96xi32, #tpu.memory_space<vmem>> -> memref<1x96xi32, #tpu.memory_space<vmem>>
          %dma_wait3A_105 = tpu.memref_squeeze %dma_wait3A_104 : memref<1x96xi32, #tpu.memory_space<vmem>> -> memref<96xi32, #tpu.memory_space<vmem>>
          %dma_wait3A_106 = arith.constant 0 : i32
          %dma_wait3A_107 = arith.constant 0 : i32
          %dma_wait3A_108 = tpu.memref_slice %arg12[%dma_wait3A_106, %dma_wait3A_107] : memref<10096x128xbf16, #tpu.memory_space<vmem_shared>> -> memref<10096x128xbf16, #tpu.memory_space<vmem_shared>>
          tpu.wait_indirect_dma semaphore(%run_scoped3A : memref<!tpu.dma_semaphore, #tpu.memory_space<semaphore_mem>>) src(%arg9 : memref<96x128xbf16, #tpu.memory_space<vmem>>) dst(%dma_wait3A_108 : memref<10096x128xbf16, #tpu.memory_space<vmem_shared>>)
          tpu.yield
        }) : () -> ()
        %add3A_66 = arith.constant 3 : i32
        %add3A_67 = arith.addi %mul3A_52, %add3A_66 : i32
        %lt3A = arith.constant 21 : i32
        %lt3A_68 = arith.cmpi slt, %add3A_67, %lt3A : i32
        %convert_element_type3A = arith.extui %lt3A_68 : i1 to i32
        %cond3A = arith.constant 0 : i32
        %cond3A_69 = arith.cmpi ne, %convert_element_type3A, %cond3A : i32
        scf.if %cond3A_69 {
          %add3A_97 = arith.constant 3 : i32
          %add3A_98 = arith.addi %mul3A_52, %add3A_97 : i32
          %dma_start3A_99 = arith.constant 0 : i32
          %dma_start3A_100 = tpu.memref_slice %arg7[%add3A_98, %dma_start3A_99] : memref<21x96xi32, #tpu.memory_space<vmem>> -> memref<1x96xi32, #tpu.memory_space<vmem>>
          %dma_start3A_101 = tpu.memref_squeeze %dma_start3A_100 : memref<1x96xi32, #tpu.memory_space<vmem>> -> memref<96xi32, #tpu.memory_space<vmem>>
          %dma_start3A_102 = arith.constant 0 : i32
          %dma_start3A_103 = arith.constant 0 : i32
          %dma_start3A_104 = tpu.memref_slice %arg2[%dma_start3A_102, %dma_start3A_103] : memref<10000x128xbf16, #tpu.memory_space<hbm>> -> memref<10000x128xbf16, #tpu.memory_space<hbm>>
          tpu.enqueue_indirect_dma source(%dma_start3A_104 : memref<10000x128xbf16, #tpu.memory_space<hbm>>) target(%arg9 : memref<96x128xbf16, #tpu.memory_space<vmem>>) offsets(%dma_start3A_101 : memref<96xi32, #tpu.memory_space<vmem>>) semaphore(%arg13 : memref<!tpu.dma_semaphore, #tpu.memory_space<semaphore_mem>>)
        } else {
        }
        %add3A_70 = arith.constant 1 : i32
        %add3A_71 = arith.addi %mul3A_52, %add3A_70 : i32
        %dma_wait3A_72 = arith.constant 0 : i32
        %dma_wait3A_73 = tpu.memref_slice %arg7[%add3A_71, %dma_wait3A_72] : memref<21x96xi32, #tpu.memory_space<vmem>> -> memref<1x96xi32, #tpu.memory_space<vmem>>
        %dma_wait3A_74 = tpu.memref_squeeze %dma_wait3A_73 : memref<1x96xi32, #tpu.memory_space<vmem>> -> memref<96xi32, #tpu.memory_space<vmem>>
        %dma_wait3A_75 = arith.constant 0 : i32
        %dma_wait3A_76 = arith.constant 0 : i32
        %dma_wait3A_77 = tpu.memref_slice %arg2[%dma_wait3A_75, %dma_wait3A_76] : memref<10000x128xbf16, #tpu.memory_space<hbm>> -> memref<10000x128xbf16, #tpu.memory_space<hbm>>
        tpu.wait_indirect_dma semaphore(%arg14 : memref<!tpu.dma_semaphore, #tpu.memory_space<semaphore_mem>>) src(%dma_wait3A_77 : memref<10000x128xbf16, #tpu.memory_space<hbm>>) dst(%arg10 : memref<96x128xbf16, #tpu.memory_space<vmem>>)
        %add3A_78 = arith.constant 1 : i32
        %add3A_79 = arith.addi %mul3A_52, %add3A_78 : i32
        "tpu.region"() ({
          %run_scoped3A = tpu.sem_alloc : memref<!tpu.dma_semaphore, #tpu.memory_space<semaphore_mem>>
          %dma_start3A_97 = arith.constant 0 : i32
          %dma_start3A_98 = tpu.memref_slice %arg8[%add3A_79, %dma_start3A_97] : memref<21x96xi32, #tpu.memory_space<vmem>> -> memref<1x96xi32, #tpu.memory_space<vmem>>
          %dma_start3A_99 = tpu.memref_squeeze %dma_start3A_98 : memref<1x96xi32, #tpu.memory_space<vmem>> -> memref<96xi32, #tpu.memory_space<vmem>>
          %dma_start3A_100 = arith.constant 0 : i32
          %dma_start3A_101 = arith.constant 0 : i32
          %dma_start3A_102 = tpu.memref_slice %arg12[%dma_start3A_100, %dma_start3A_101] : memref<10096x128xbf16, #tpu.memory_space<vmem_shared>> -> memref<10096x128xbf16, #tpu.memory_space<vmem_shared>>
          tpu.enqueue_indirect_dma source(%arg10 : memref<96x128xbf16, #tpu.memory_space<vmem>>) target(%dma_start3A_102 : memref<10096x128xbf16, #tpu.memory_space<vmem_shared>>) offsets(%dma_start3A_99 : memref<96xi32, #tpu.memory_space<vmem>>) semaphore(%run_scoped3A : memref<!tpu.dma_semaphore, #tpu.memory_space<semaphore_mem>>) {add = true}
          %dma_wait3A_103 = arith.constant 0 : i32
          %dma_wait3A_104 = tpu.memref_slice %arg8[%add3A_79, %dma_wait3A_103] : memref<21x96xi32, #tpu.memory_space<vmem>> -> memref<1x96xi32, #tpu.memory_space<vmem>>
          %dma_wait3A_105 = tpu.memref_squeeze %dma_wait3A_104 : memref<1x96xi32, #tpu.memory_space<vmem>> -> memref<96xi32, #tpu.memory_space<vmem>>
          %dma_wait3A_106 = arith.constant 0 : i32
          %dma_wait3A_107 = arith.constant 0 : i32
          %dma_wait3A_108 = tpu.memref_slice %arg12[%dma_wait3A_106, %dma_wait3A_107] : memref<10096x128xbf16, #tpu.memory_space<vmem_shared>> -> memref<10096x128xbf16, #tpu.memory_space<vmem_shared>>
          tpu.wait_indirect_dma semaphore(%run_scoped3A : memref<!tpu.dma_semaphore, #tpu.memory_space<semaphore_mem>>) src(%arg10 : memref<96x128xbf16, #tpu.memory_space<vmem>>) dst(%dma_wait3A_108 : memref<10096x128xbf16, #tpu.memory_space<vmem_shared>>)
          tpu.yield
        }) : () -> ()
        %add3A_80 = arith.constant 4 : i32
        %add3A_81 = arith.addi %mul3A_52, %add3A_80 : i32
        %lt3A_82 = arith.constant 21 : i32
        %lt3A_83 = arith.cmpi slt, %add3A_81, %lt3A_82 : i32
        %convert_element_type3A_84 = arith.extui %lt3A_83 : i1 to i32
        %cond3A_85 = arith.constant 0 : i32
        %cond3A_86 = arith.cmpi ne, %convert_element_type3A_84, %cond3A_85 : i32
        scf.if %cond3A_86 {
          %add3A_97 = arith.constant 4 : i32
          %add3A_98 = arith.addi %mul3A_52, %add3A_97 : i32
          %dma_start3A_99 = arith.constant 0 : i32
          %dma_start3A_100 = tpu.memref_slice %arg7[%add3A_98, %dma_start3A_99] : memref<21x96xi32, #tpu.memory_space<vmem>> -> memref<1x96xi32, #tpu.memory_space<vmem>>
          %dma_start3A_101 = tpu.memref_squeeze %dma_start3A_100 : memref<1x96xi32, #tpu.memory_space<vmem>> -> memref<96xi32, #tpu.memory_space<vmem>>
          %dma_start3A_102 = arith.constant 0 : i32
          %dma_start3A_103 = arith.constant 0 : i32
          %dma_start3A_104 = tpu.memref_slice %arg2[%dma_start3A_102, %dma_start3A_103] : memref<10000x128xbf16, #tpu.memory_space<hbm>> -> memref<10000x128xbf16, #tpu.memory_space<hbm>>
          tpu.enqueue_indirect_dma source(%dma_start3A_104 : memref<10000x128xbf16, #tpu.memory_space<hbm>>) target(%arg10 : memref<96x128xbf16, #tpu.memory_space<vmem>>) offsets(%dma_start3A_101 : memref<96xi32, #tpu.memory_space<vmem>>) semaphore(%arg14 : memref<!tpu.dma_semaphore, #tpu.memory_space<semaphore_mem>>)
        } else {
        }
        %add3A_87 = arith.constant 2 : i32
        %add3A_88 = arith.addi %mul3A_52, %add3A_87 : i32
        %dma_wait3A_89 = arith.constant 0 : i32
        %dma_wait3A_90 = tpu.memref_slice %arg7[%add3A_88, %dma_wait3A_89] : memref<21x96xi32, #tpu.memory_space<vmem>> -> memref<1x96xi32, #tpu.memory_space<vmem>>
        %dma_wait3A_91 = tpu.memref_squeeze %dma_wait3A_90 : memref<1x96xi32, #tpu.memory_space<vmem>> -> memref<96xi32, #tpu.memory_space<vmem>>
        %dma_wait3A_92 = arith.constant 0 : i32
        %dma_wait3A_93 = arith.constant 0 : i32
        %dma_wait3A_94 = tpu.memref_slice %arg2[%dma_wait3A_92, %dma_wait3A_93] : memref<10000x128xbf16, #tpu.memory_space<hbm>> -> memref<10000x128xbf16, #tpu.memory_space<hbm>>
        tpu.wait_indirect_dma semaphore(%arg15 : memref<!tpu.dma_semaphore, #tpu.memory_space<semaphore_mem>>) src(%dma_wait3A_94 : memref<10000x128xbf16, #tpu.memory_space<hbm>>) dst(%arg11 : memref<96x128xbf16, #tpu.memory_space<vmem>>)
        %add3A_95 = arith.constant 2 : i32
        %add3A_96 = arith.addi %mul3A_52, %add3A_95 : i32
        "tpu.region"() ({
          %run_scoped3A = tpu.sem_alloc : memref<!tpu.dma_semaphore, #tpu.memory_space<semaphore_mem>>
          %dma_start3A_97 = arith.constant 0 : i32
          %dma_start3A_98 = tpu.memref_slice %arg8[%add3A_96, %dma_start3A_97] : memref<21x96xi32, #tpu.memory_space<vmem>> -> memref<1x96xi32, #tpu.memory_space<vmem>>
          %dma_start3A_99 = tpu.memref_squeeze %dma_start3A_98 : memref<1x96xi32, #tpu.memory_space<vmem>> -> memref<96xi32, #tpu.memory_space<vmem>>
          %dma_start3A_100 = arith.constant 0 : i32
          %dma_start3A_101 = arith.constant 0 : i32
          %dma_start3A_102 = tpu.memref_slice %arg12[%dma_start3A_100, %dma_start3A_101] : memref<10096x128xbf16, #tpu.memory_space<vmem_shared>> -> memref<10096x128xbf16, #tpu.memory_space<vmem_shared>>
          tpu.enqueue_indirect_dma source(%arg11 : memref<96x128xbf16, #tpu.memory_space<vmem>>) target(%dma_start3A_102 : memref<10096x128xbf16, #tpu.memory_space<vmem_shared>>) offsets(%dma_start3A_99 : memref<96xi32, #tpu.memory_space<vmem>>) semaphore(%run_scoped3A : memref<!tpu.dma_semaphore, #tpu.memory_space<semaphore_mem>>) {add = true}
          %dma_wait3A_103 = arith.constant 0 : i32
          %dma_wait3A_104 = tpu.memref_slice %arg8[%add3A_96, %dma_wait3A_103] : memref<21x96xi32, #tpu.memory_space<vmem>> -> memref<1x96xi32, #tpu.memory_space<vmem>>
          %dma_wait3A_105 = tpu.memref_squeeze %dma_wait3A_104 : memref<1x96xi32, #tpu.memory_space<vmem>> -> memref<96xi32, #tpu.memory_space<vmem>>
          %dma_wait3A_106 = arith.constant 0 : i32
          %dma_wait3A_107 = arith.constant 0 : i32
          %dma_wait3A_108 = tpu.memref_slice %arg12[%dma_wait3A_106, %dma_wait3A_107] : memref<10096x128xbf16, #tpu.memory_space<vmem_shared>> -> memref<10096x128xbf16, #tpu.memory_space<vmem_shared>>
          tpu.wait_indirect_dma semaphore(%run_scoped3A : memref<!tpu.dma_semaphore, #tpu.memory_space<semaphore_mem>>) src(%arg11 : memref<96x128xbf16, #tpu.memory_space<vmem>>) dst(%dma_wait3A_108 : memref<10096x128xbf16, #tpu.memory_space<vmem_shared>>)
          tpu.yield
        }) : () -> ()
      }
      %scan3A_45 = arith.constant 7 : i32
    }
    %scan3A_8 = arith.constant 5 : i32
    "tpu.trace_start"() <{level = 10 : i32, message = "copy_out"}> : () -> ()
    %barrier3A_9 = arith.constant 0 : index
    tpu.barrier barrier_id(%barrier3A_9)
    %mul3A_10 = arith.constant 631 : i32
    %mul3A_11 = arith.muli %arg1, %mul3A_10 : i32
    %mul3A_12 = arith.constant 10096 : i32
    %mul3A_13 = arith.muli %arg0, %mul3A_12 : i32
    %mul3A_14 = arith.constant 631 : i32
    %mul3A_15 = arith.muli %arg1, %mul3A_14 : i32
    %add3A_16 = arith.addi %mul3A_13, %mul3A_15 : i32
    "tpu.region"() ({
      %run_scoped3A = tpu.sem_alloc : memref<!tpu.dma_semaphore, #tpu.memory_space<semaphore_mem>>
      %dma_start3A = arith.constant 0 : i32
      %dma_start3A_17 = tpu.memref_slice %arg6[%add3A_16, %dma_start3A] : memref<20192x128xbf16, #tpu.memory_space<hbm>> -> memref<631x128xbf16, #tpu.memory_space<hbm>>
      %dma_start3A_18 = arith.constant 0 : i32
      %dma_start3A_19 = tpu.memref_slice %arg12[%mul3A_11, %dma_start3A_18] : memref<10096x128xbf16, #tpu.memory_space<vmem_shared>> -> memref<631x128xbf16, #tpu.memory_space<vmem_shared>>
      tpu.enqueue_dma source(%dma_start3A_19 : memref<631x128xbf16, #tpu.memory_space<vmem_shared>>) target(%dma_start3A_17 : memref<631x128xbf16, #tpu.memory_space<hbm>>) target_semaphore(%run_scoped3A : memref<!tpu.dma_semaphore, #tpu.memory_space<semaphore_mem>>)
      %dma_wait3A = arith.constant 0 : i32
      %dma_wait3A_20 = tpu.memref_slice %arg6[%add3A_16, %dma_wait3A] : memref<20192x128xbf16, #tpu.memory_space<hbm>> -> memref<631x128xbf16, #tpu.memory_space<hbm>>
      %dma_wait3A_21 = arith.constant 0 : i32
      %dma_wait3A_22 = tpu.memref_slice %arg12[%mul3A_11, %dma_wait3A_21] : memref<10096x128xbf16, #tpu.memory_space<vmem_shared>> -> memref<631x128xbf16, #tpu.memory_space<vmem_shared>>
      tpu.wait_dma2 semaphore(%run_scoped3A : memref<!tpu.dma_semaphore, #tpu.memory_space<semaphore_mem>>) src(%dma_wait3A_22 : memref<631x128xbf16, #tpu.memory_space<vmem_shared>>) dst(%dma_wait3A_20 : memref<631x128xbf16, #tpu.memory_space<hbm>>)
      tpu.yield
    }) : () -> ()
    "tpu.trace_stop"() : () -> ()
    return
  }
}

module attributes {stable_mosaic.version = 14 : i64} {
  func.func @body(%arg0: i32, %arg1: memref<1000x128xf32, #tpu.memory_space<vmem>>, %arg2: memref<128x128xf32, #tpu.memory_space<vmem>>, %arg3: memref<1000x128xf32, #tpu.memory_space<vmem>>) attributes {dimension_semantics = [#tpu.dimension_semantics<arbitrary>], iteration_bounds = array<i64: 10>, scalar_prefetch = 0 : i64, scratch_operands = 0 : i64, tpu.core_type = #tpu.core_type<tc>, window_params = [{transform_indices = @transform_0, window_bounds = array<i64: 1000, 128>}, {pipeline_mode = #tpu.pipeline_mode<synchronous>, transform_indices = @transform_1, window_bounds = array<i64: 128, 128>}, {transform_indices = @transform_2, window_bounds = array<i64: 1000, 128>}]} {
    %get3A = arith.constant 0 : index
    %get3A_0 = arith.constant 0 : index
    %get3A_1 = vector.load %arg1[%get3A, %get3A_0] : memref<1000x128xf32, #tpu.memory_space<vmem>>, vector<1000x128xf32>
    %get3A_2 = arith.constant 0 : index
    %get3A_3 = arith.constant 0 : index
    %get3A_4 = vector.load %arg2[%get3A_2, %get3A_3] : memref<128x128xf32, #tpu.memory_space<vmem>>, vector<128x128xf32>
    %dot_general3A = arith.constant dense<0.000000e+00> : vector<1000x128xf32>
    %dot_general3A_5 = tpu.matmul %get3A_1, %get3A_4, %dot_general3A {dimension_numbers = #tpu.dot_dimension_numbers<[1], [0], [0], [1], [0, 0, 1, 1], [], []>, precision = #tpu.contract_precision<fp32>, transpose_lhs_hint = false} : vector<1000x128xf32>, vector<128x128xf32>, vector<1000x128xf32> -> vector<1000x128xf32>
    %swap3A = arith.constant 0 : index
    %swap3A_6 = arith.constant 0 : index
    %swap3A_7 = vector.load %arg3[%swap3A, %swap3A_6] : memref<1000x128xf32, #tpu.memory_space<vmem>>, vector<1000x128xf32>
    tpu.vector_store %arg3[%swap3A, %swap3A_6], %dot_general3A_5 {strides = array<i32>} : memref<1000x128xf32, #tpu.memory_space<vmem>>, vector<1000x128xf32>,
    return
  }
  func.func @transform_0(%arg0: i32) -> (i32, i32) {
    %c0_i32 = arith.constant 0 : i32
    %c0_i32_0 = arith.constant 0 : i32
    return %arg0, %c0_i32 : i32, i32
  }
  func.func @transform_1(%arg0: i32) -> (i32, i32) {
    %c0_i32 = arith.constant 0 : i32
    %c0_i32_0 = arith.constant 0 : i32
    %c0_i32_1 = arith.constant 0 : i32
    return %c0_i32, %c0_i32_0 : i32, i32
  }
  func.func @transform_2(%arg0: i32) -> (i32, i32) {
    %c0_i32 = arith.constant 0 : i32
    %c0_i32_0 = arith.constant 0 : i32
    return %arg0, %c0_i32 : i32, i32
  }
}

module attributes {stable_mosaic.version = 14 : i64} {
  func.func @body(%arg0: i32, %arg1: memref<1000x128xf32, #tpu.memory_space<vmem>>, %arg2: memref<2x1000x16xf32, #tpu.memory_space<vmem>>, %arg3: memref<1000x128xbf16, #tpu.memory_space<vmem>>) attributes {dimension_semantics = [#tpu.dimension_semantics<arbitrary>], iteration_bounds = array<i64: 10>, scalar_prefetch = 0 : i64, scratch_operands = 0 : i64, tpu.core_type = #tpu.core_type<tc>, window_params = [{transform_indices = @transform_0, window_bounds = array<i64: 1000, 128>}, {transform_indices = @transform_1, window_bounds = array<i64: 2, 1000, 16>}, {transform_indices = @transform_2, window_bounds = array<i64: 1000, 128>}]} {
    %get3A = arith.constant 0 : index
    %get3A_0 = arith.constant 0 : index
    %get3A_1 = vector.load %arg1[%get3A, %get3A_0] : memref<1000x128xf32, #tpu.memory_space<vmem>>, vector<1000x128xf32>
    %get3A_2 = arith.constant 0 : index
    %get3A_3 = arith.constant 0 : index
    %get3A_4 = arith.constant 0 : index
    %get3A_5 = vector.load %arg2[%get3A_2, %get3A_3, %get3A_4] : memref<2x1000x16xf32, #tpu.memory_space<vmem>>, vector<1x1000x1xf32>
    %get3A_6 = vector.shape_cast %get3A_5 : vector<1x1000x1xf32> to vector<1000x1xf32>
    %get3A_7 = arith.constant 1 : index
    %get3A_8 = arith.constant 0 : index
    %get3A_9 = arith.constant 0 : index
    %get3A_10 = vector.load %arg2[%get3A_7, %get3A_8, %get3A_9] : memref<2x1000x16xf32, #tpu.memory_space<vmem>>, vector<1x1000x1xf32>
    %get3A_11 = vector.shape_cast %get3A_10 : vector<1x1000x1xf32> to vector<1000x1xf32>
    %add3A = arith.addf %get3A_6, %get3A_11 : vector<1000x1xf32>
    %add3A_12 = arith.constant 1.000000e+00 : f32
    %add3A_13 = vector.broadcast %add3A_12 : f32 to vector<1000x1xf32>
    %add3A_14 = arith.addf %add3A, %add3A_13 : vector<1000x1xf32>
    %rsqrt3A = math.rsqrt %add3A_14 : vector<1000x1xf32>
    %mul3A = vector.broadcast %rsqrt3A : vector<1000x1xf32> to vector<1000x128xf32>
    %mul3A_15 = arith.mulf %get3A_1, %mul3A : vector<1000x128xf32>
    %convert_element_type3A = arith.truncf %mul3A_15 : vector<1000x128xf32> to vector<1000x128xbf16>
    %swap3A = arith.constant 0 : index
    %swap3A_16 = arith.constant 0 : index
    %swap3A_17 = vector.load %arg3[%swap3A, %swap3A_16] : memref<1000x128xbf16, #tpu.memory_space<vmem>>, vector<1000x128xbf16>
    tpu.vector_store %arg3[%swap3A, %swap3A_16], %convert_element_type3A {strides = array<i32>} : memref<1000x128xbf16, #tpu.memory_space<vmem>>, vector<1000x128xbf16>,
    return
  }
  func.func @transform_0(%arg0: i32) -> (i32, i32) {
    %c0_i32 = arith.constant 0 : i32
    %c0_i32_0 = arith.constant 0 : i32
    return %arg0, %c0_i32 : i32, i32
  }
  func.func @transform_1(%arg0: i32) -> (i32, i32, i32) {
    %c0_i32 = arith.constant 0 : i32
    %c0_i32_0 = arith.constant 0 : i32
    %c0_i32_1 = arith.constant 0 : i32
    return %c0_i32, %arg0, %c0_i32_0 : i32, i32, i32
  }
  func.func @transform_2(%arg0: i32) -> (i32, i32) {
    %c0_i32 = arith.constant 0 : i32
    %c0_i32_0 = arith.constant 0 : i32
    return %arg0, %c0_i32 : i32, i32
  }
}

module attributes {stable_mosaic.version = 14 : i64} {
  func.func @body(%arg0: i32, %arg1: memref<2x1000x128xbf16, #tpu.memory_space<vmem>>, %arg2: memref<1000x128xf32, #tpu.memory_space<vmem>>, %arg3: memref<2x1000x16xf32, #tpu.memory_space<vmem>>, %arg4: memref<1x128xf32, #tpu.memory_space<vmem>>, %arg5: memref<128x16xf32, #tpu.memory_space<vmem>>, %arg6: memref<1000x16xf32, #tpu.memory_space<vmem>>, %arg7: memref<1000x16xf32, #tpu.memory_space<vmem>>) attributes {dimension_semantics = [#tpu.dimension_semantics<arbitrary>], iteration_bounds = array<i64: 10>, scalar_prefetch = 0 : i64, scratch_operands = 0 : i64, tpu.core_type = #tpu.core_type<tc>, window_params = [{transform_indices = @transform_0, window_bounds = array<i64: 2, 1000, 128>}, {transform_indices = @transform_1, window_bounds = array<i64: 1000, 128>}, {transform_indices = @transform_2, window_bounds = array<i64: 2, 1000, 16>}, {pipeline_mode = #tpu.pipeline_mode<synchronous>, transform_indices = @transform_3, window_bounds = array<i64: 1, 128>}, {pipeline_mode = #tpu.pipeline_mode<synchronous>, transform_indices = @transform_4, window_bounds = array<i64: 128, 16>}, {transform_indices = @transform_5, window_bounds = array<i64: 1000, 16>}, {transform_indices = @transform_6, window_bounds = array<i64: 1000, 16>}]} {
    %get3A = arith.constant 0 : index
    %get3A_0 = arith.constant 0 : index
    %get3A_1 = arith.constant 0 : index
    %get3A_2 = vector.load %arg3[%get3A, %get3A_0, %get3A_1] : memref<2x1000x16xf32, #tpu.memory_space<vmem>>, vector<1x1000x1xf32>
    %get3A_3 = vector.shape_cast %get3A_2 : vector<1x1000x1xf32> to vector<1000x1xf32>
    %get3A_4 = arith.constant 1 : index
    %get3A_5 = arith.constant 0 : index
    %get3A_6 = arith.constant 0 : index
    %get3A_7 = vector.load %arg3[%get3A_4, %get3A_5, %get3A_6] : memref<2x1000x16xf32, #tpu.memory_space<vmem>>, vector<1x1000x1xf32>
    %get3A_8 = vector.shape_cast %get3A_7 : vector<1x1000x1xf32> to vector<1000x1xf32>
    %add3A = arith.addf %get3A_3, %get3A_8 : vector<1000x1xf32>
    %add3A_9 = arith.constant 1.000000e+00 : f32
    %add3A_10 = vector.broadcast %add3A_9 : f32 to vector<1000x1xf32>
    %add3A_11 = arith.addf %add3A, %add3A_10 : vector<1000x1xf32>
    %rsqrt3A = math.rsqrt %add3A_11 : vector<1000x1xf32>
    %get3A_12 = arith.constant 0 : index
    %get3A_13 = arith.constant 0 : index
    %get3A_14 = arith.constant 0 : index
    %get3A_15 = vector.load %arg1[%get3A_12, %get3A_13, %get3A_14] : memref<2x1000x128xbf16, #tpu.memory_space<vmem>>, vector<1x1000x128xbf16>
    %get3A_16 = vector.shape_cast %get3A_15 : vector<1x1000x128xbf16> to vector<1000x128xbf16>
    %convert_element_type3A = arith.extf %get3A_16 : vector<1000x128xbf16> to vector<1000x128xf32>
    %get3A_17 = arith.constant 1 : index
    %get3A_18 = arith.constant 0 : index
    %get3A_19 = arith.constant 0 : index
    %get3A_20 = vector.load %arg1[%get3A_17, %get3A_18, %get3A_19] : memref<2x1000x128xbf16, #tpu.memory_space<vmem>>, vector<1x1000x128xbf16>
    %get3A_21 = vector.shape_cast %get3A_20 : vector<1x1000x128xbf16> to vector<1000x128xbf16>
    %convert_element_type3A_22 = arith.extf %get3A_21 : vector<1000x128xbf16> to vector<1000x128xf32>
    %add3A_23 = arith.addf %convert_element_type3A, %convert_element_type3A_22 : vector<1000x128xf32>
    %mul3A = vector.broadcast %rsqrt3A : vector<1000x1xf32> to vector<1000x128xf32>
    %mul3A_24 = arith.mulf %mul3A, %add3A_23 : vector<1000x128xf32>
    %mul3A_25 = arith.mulf %rsqrt3A, %rsqrt3A : vector<1000x1xf32>
    %get3A_26 = arith.constant 0 : index
    %get3A_27 = arith.constant 0 : index
    %get3A_28 = vector.load %arg2[%get3A_26, %get3A_27] : memref<1000x128xf32, #tpu.memory_space<vmem>>, vector<1000x128xf32>
    %mul3A_29 = vector.broadcast %mul3A_25 : vector<1000x1xf32> to vector<1000x128xf32>
    %mul3A_30 = arith.mulf %mul3A_29, %get3A_28 : vector<1000x128xf32>
    %add3A_31 = arith.addf %mul3A_24, %mul3A_30 : vector<1000x128xf32>
    %get3A_32 = arith.constant 0 : index
    %get3A_33 = arith.constant 0 : index
    %get3A_34 = vector.load %arg4[%get3A_32, %get3A_33] : memref<1x128xf32, #tpu.memory_space<vmem>>, vector<1x128xf32>
    %add3A_35 = vector.broadcast %get3A_34 : vector<1x128xf32> to vector<1000x128xf32>
    %add3A_36 = arith.addf %add3A_31, %add3A_35 : vector<1000x128xf32>
    %max3A = arith.constant 0.000000e+00 : f32
    %max3A_37 = vector.broadcast %max3A : f32 to vector<1000x128xf32>
    %max3A_38 = arith.maximumf %add3A_36, %max3A_37 : vector<1000x128xf32>
    %get3A_39 = arith.constant 0 : index
    %get3A_40 = arith.constant 0 : index
    %get3A_41 = vector.load %arg5[%get3A_39, %get3A_40] : memref<128x16xf32, #tpu.memory_space<vmem>>, vector<128x16xf32>
    %dot_general3A = arith.constant dense<0.000000e+00> : vector<1000x16xf32>
    %dot_general3A_42 = tpu.matmul %max3A_38, %get3A_41, %dot_general3A {dimension_numbers = #tpu.dot_dimension_numbers<[1], [0], [0], [1], [0, 0, 1, 1], [], []>, precision = #tpu.contract_precision<fp32>, transpose_lhs_hint = false} : vector<1000x128xf32>, vector<128x16xf32>, vector<1000x16xf32> -> vector<1000x16xf32>
    %swap3A = arith.constant 0 : index
    %swap3A_43 = arith.constant 0 : index
    %swap3A_44 = vector.load %arg6[%swap3A, %swap3A_43] : memref<1000x16xf32, #tpu.memory_space<vmem>>, vector<1000x16xf32>
    tpu.vector_store %arg6[%swap3A, %swap3A_43], %dot_general3A_42 {strides = array<i32>} : memref<1000x16xf32, #tpu.memory_space<vmem>>, vector<1000x16xf32>,
    %mul3A_45 = vector.broadcast %rsqrt3A : vector<1000x1xf32> to vector<1000x16xf32>
    %mul3A_46 = arith.mulf %dot_general3A_42, %mul3A_45 : vector<1000x16xf32>
    %swap3A_47 = arith.constant 0 : index
    %swap3A_48 = arith.constant 0 : index
    %swap3A_49 = vector.load %arg7[%swap3A_47, %swap3A_48] : memref<1000x16xf32, #tpu.memory_space<vmem>>, vector<1000x16xf32>
    tpu.vector_store %arg7[%swap3A_47, %swap3A_48], %mul3A_46 {strides = array<i32>} : memref<1000x16xf32, #tpu.memory_space<vmem>>, vector<1000x16xf32>,
    return
  }
  func.func @transform_0(%arg0: i32) -> (i32, i32, i32) {
    %c0_i32 = arith.constant 0 : i32
    %c0_i32_0 = arith.constant 0 : i32
    %c0_i32_1 = arith.constant 0 : i32
    return %c0_i32, %arg0, %c0_i32_0 : i32, i32, i32
  }
  func.func @transform_1(%arg0: i32) -> (i32, i32) {
    %c0_i32 = arith.constant 0 : i32
    %c0_i32_0 = arith.constant 0 : i32
    return %arg0, %c0_i32 : i32, i32
  }
  func.func @transform_2(%arg0: i32) -> (i32, i32, i32) {
    %c0_i32 = arith.constant 0 : i32
    %c0_i32_0 = arith.constant 0 : i32
    %c0_i32_1 = arith.constant 0 : i32
    return %c0_i32, %arg0, %c0_i32_0 : i32, i32, i32
  }
  func.func @transform_3(%arg0: i32) -> (i32, i32) {
    %c0_i32 = arith.constant 0 : i32
    %c0_i32_0 = arith.constant 0 : i32
    %c0_i32_1 = arith.constant 0 : i32
    return %c0_i32, %c0_i32_0 : i32, i32
  }
  func.func @transform_4(%arg0: i32) -> (i32, i32) {
    %c0_i32 = arith.constant 0 : i32
    %c0_i32_0 = arith.constant 0 : i32
    %c0_i32_1 = arith.constant 0 : i32
    return %c0_i32, %c0_i32_0 : i32, i32
  }
  func.func @transform_5(%arg0: i32) -> (i32, i32) {
    %c0_i32 = arith.constant 0 : i32
    %c0_i32_0 = arith.constant 0 : i32
    return %arg0, %c0_i32 : i32, i32
  }
  func.func @transform_6(%arg0: i32) -> (i32, i32) {
    %c0_i32 = arith.constant 0 : i32
    %c0_i32_0 = arith.constant 0 : i32
    return %arg0, %c0_i32 : i32, i32
  }
}

module attributes {stable_mosaic.version = 14 : i64} {
  func.func @body(%arg0: i32, %arg1: memref<2x1000x16xf32, #tpu.memory_space<vmem>>, %arg2: memref<1000x16xf32, #tpu.memory_space<vmem>>, %arg3: memref<2x1000x16xf32, #tpu.memory_space<vmem>>, %arg4: memref<1x16xf32, #tpu.memory_space<vmem>>, %arg5: memref<1000x2xf32, #tpu.memory_space<vmem>>) attributes {dimension_semantics = [#tpu.dimension_semantics<arbitrary>], iteration_bounds = array<i64: 10>, scalar_prefetch = 0 : i64, scratch_operands = 0 : i64, tpu.core_type = #tpu.core_type<tc>, window_params = [{transform_indices = @transform_0, window_bounds = array<i64: 2, 1000, 16>}, {transform_indices = @transform_1, window_bounds = array<i64: 1000, 16>}, {transform_indices = @transform_2, window_bounds = array<i64: 2, 1000, 16>}, {pipeline_mode = #tpu.pipeline_mode<synchronous>, transform_indices = @transform_3, window_bounds = array<i64: 1, 16>}, {transform_indices = @transform_4, window_bounds = array<i64: 1000, 2>}]} {
    %get3A = arith.constant 0 : index
    %get3A_0 = arith.constant 0 : index
    %get3A_1 = arith.constant 0 : index
    %get3A_2 = vector.load %arg3[%get3A, %get3A_0, %get3A_1] : memref<2x1000x16xf32, #tpu.memory_space<vmem>>, vector<1x1000x1xf32>
    %get3A_3 = vector.shape_cast %get3A_2 : vector<1x1000x1xf32> to vector<1000x1xf32>
    %get3A_4 = arith.constant 1 : index
    %get3A_5 = arith.constant 0 : index
    %get3A_6 = arith.constant 0 : index
    %get3A_7 = vector.load %arg3[%get3A_4, %get3A_5, %get3A_6] : memref<2x1000x16xf32, #tpu.memory_space<vmem>>, vector<1x1000x1xf32>
    %get3A_8 = vector.shape_cast %get3A_7 : vector<1x1000x1xf32> to vector<1000x1xf32>
    %add3A = arith.addf %get3A_3, %get3A_8 : vector<1000x1xf32>
    %add3A_9 = arith.constant 1.000000e+00 : f32
    %add3A_10 = vector.broadcast %add3A_9 : f32 to vector<1000x1xf32>
    %add3A_11 = arith.addf %add3A, %add3A_10 : vector<1000x1xf32>
    %rsqrt3A = math.rsqrt %add3A_11 : vector<1000x1xf32>
    %get3A_12 = arith.constant 0 : index
    %get3A_13 = arith.constant 0 : index
    %get3A_14 = arith.constant 0 : index
    %get3A_15 = vector.load %arg1[%get3A_12, %get3A_13, %get3A_14] : memref<2x1000x16xf32, #tpu.memory_space<vmem>>, vector<1x1000x16xf32>
    %get3A_16 = vector.shape_cast %get3A_15 : vector<1x1000x16xf32> to vector<1000x16xf32>
    %get3A_17 = arith.constant 1 : index
    %get3A_18 = arith.constant 0 : index
    %get3A_19 = arith.constant 0 : index
    %get3A_20 = vector.load %arg1[%get3A_17, %get3A_18, %get3A_19] : memref<2x1000x16xf32, #tpu.memory_space<vmem>>, vector<1x1000x16xf32>
    %get3A_21 = vector.shape_cast %get3A_20 : vector<1x1000x16xf32> to vector<1000x16xf32>
    %add3A_22 = arith.addf %get3A_16, %get3A_21 : vector<1000x16xf32>
    %mul3A = vector.broadcast %rsqrt3A : vector<1000x1xf32> to vector<1000x16xf32>
    %mul3A_23 = arith.mulf %mul3A, %add3A_22 : vector<1000x16xf32>
    %mul3A_24 = arith.mulf %rsqrt3A, %rsqrt3A : vector<1000x1xf32>
    %get3A_25 = arith.constant 0 : index
    %get3A_26 = arith.constant 0 : index
    %get3A_27 = vector.load %arg2[%get3A_25, %get3A_26] : memref<1000x16xf32, #tpu.memory_space<vmem>>, vector<1000x16xf32>
    %mul3A_28 = vector.broadcast %mul3A_24 : vector<1000x1xf32> to vector<1000x16xf32>
    %mul3A_29 = arith.mulf %mul3A_28, %get3A_27 : vector<1000x16xf32>
    %add3A_30 = arith.addf %mul3A_23, %mul3A_29 : vector<1000x16xf32>
    %get3A_31 = arith.constant 0 : index
    %get3A_32 = arith.constant 0 : index
    %get3A_33 = vector.load %arg4[%get3A_31, %get3A_32] : memref<1x16xf32, #tpu.memory_space<vmem>>, vector<1x16xf32>
    %add3A_34 = vector.broadcast %get3A_33 : vector<1x16xf32> to vector<1000x16xf32>
    %add3A_35 = arith.addf %add3A_30, %add3A_34 : vector<1000x16xf32>
    %slice3A = vector.extract_strided_slice %add3A_35 {offsets = [0, 0], sizes = [1000, 1], strides = [1, 1]} : vector<1000x16xf32> to vector<1000x1xf32>
    %slice3A_36 = vector.extract_strided_slice %add3A_35 {offsets = [0, 1], sizes = [1000, 1], strides = [1, 1]} : vector<1000x16xf32> to vector<1000x1xf32>
    %max3A = arith.maximumf %slice3A, %slice3A_36 : vector<1000x1xf32>
    %sub3A = arith.subf %slice3A, %max3A : vector<1000x1xf32>
    %exp3A = math.exp %sub3A : vector<1000x1xf32>
    %sub3A_37 = arith.subf %slice3A_36, %max3A : vector<1000x1xf32>
    %exp3A_38 = math.exp %sub3A_37 : vector<1000x1xf32>
    %add3A_39 = arith.addf %exp3A, %exp3A_38 : vector<1000x1xf32>
    %log3A = math.log %add3A_39 : vector<1000x1xf32>
    %add3A_40 = arith.addf %max3A, %log3A : vector<1000x1xf32>
    %sub3A_41 = vector.broadcast %add3A_40 : vector<1000x1xf32> to vector<1000x16xf32>
    %sub3A_42 = arith.subf %add3A_35, %sub3A_41 : vector<1000x16xf32>
    %slice3A_43 = vector.extract_strided_slice %sub3A_42 {offsets = [0, 0], sizes = [1000, 2], strides = [1, 1]} : vector<1000x16xf32> to vector<1000x2xf32>
    %swap3A = arith.constant 0 : index
    %swap3A_44 = arith.constant 0 : index
    %swap3A_45 = vector.load %arg5[%swap3A, %swap3A_44] : memref<1000x2xf32, #tpu.memory_space<vmem>>, vector<1000x2xf32>
    tpu.vector_store %arg5[%swap3A, %swap3A_44], %slice3A_43 {strides = array<i32>} : memref<1000x2xf32, #tpu.memory_space<vmem>>, vector<1000x2xf32>,
    return
  }
  func.func @transform_0(%arg0: i32) -> (i32, i32, i32) {
    %c0_i32 = arith.constant 0 : i32
    %c0_i32_0 = arith.constant 0 : i32
    %c0_i32_1 = arith.constant 0 : i32
    return %c0_i32, %arg0, %c0_i32_0 : i32, i32, i32
  }
  func.func @transform_1(%arg0: i32) -> (i32, i32) {
    %c0_i32 = arith.constant 0 : i32
    %c0_i32_0 = arith.constant 0 : i32
    return %arg0, %c0_i32 : i32, i32
  }
  func.func @transform_2(%arg0: i32) -> (i32, i32, i32) {
    %c0_i32 = arith.constant 0 : i32
    %c0_i32_0 = arith.constant 0 : i32
    %c0_i32_1 = arith.constant 0 : i32
    return %c0_i32, %arg0, %c0_i32_0 : i32, i32, i32
  }
  func.func @transform_3(%arg0: i32) -> (i32, i32) {
    %c0_i32 = arith.constant 0 : i32
    %c0_i32_0 = arith.constant 0 : i32
    %c0_i32_1 = arith.constant 0 : i32
    return %c0_i32, %c0_i32_0 : i32, i32
  }
  func.func @transform_4(%arg0: i32) -> (i32, i32) {
    %c0_i32 = arith.constant 0 : i32
    %c0_i32_0 = arith.constant 0 : i32
    return %arg0, %c0_i32 : i32, i32
  }
}

</mosaic_0001>

<sc_bundles>
// kernel: kernel.7.cloned.1.call-start
scs
__scs_entry_jumppad:
0x0: {  	(pc) =	sbr.rel $0x88, $3  }
0x1: {  	(tag) =	ssettag $0x0;
	lr =	simm.s32 $0x1  }
0x2: {  	[smem:$0x3F9B] =	sst lr;
	_ =	strace $0xD0000000  }
0x3: {  	_ = 	snop  }
0x4: {  	_ = 	snop  }
0x5: {  	_ = 	snop  }
0x6: {  	_ = 	snop  }
0x7: {  	_ = 	snop  }
__scs_overlays_trampoline_lowered:
0x8: {  	[smem:$0x3FAA] =	sst s0  }
0x9: {  	[smem:$0x3FAB] =	sst s1  }
0xa: {  	[smem:$0x3FAC] =	sst s2  }
0xb: {  	[smem:$0x3FAD] =	sst s3  }
0xc: {  	[smem:$0x3FAE] =	sst s4  }
0xd: {  	[smem:$0x3FAF] =	sst s5  }
0xe: {  	[smem:$0x3FB0] =	sst s6  }
0xf: {  	[smem:$0x3FB1] =	sst s7  }
0x10: {  	[smem:$0x3FB2] =	sst s8  }
0x11: {  	[smem:$0x3FB3] =	sst s9;
	s0 =	simm.s32 @!p0 $0x0  }
0x12: {  	s1 =	sld [smem:$0x3F99];
	s0 =	simm.s32 @p0 $0x1  }
0x13: {  	[smem:$0x3FB4] =	sst s0;
	s0 =	simm.s32 @!p1 $0x0  }
0x14: {  	s2 =	sld [smem:$0x3F98];
	s0 =	simm.s32 @p1 $0x1  }
0x15: {  	[smem:$0x3FB5] =	sst s0;
	s0 =	simm.s32 @!p2 $0x0  }
0x16: {  	s3 =	sld [smem:$0x3FDB];
	s0 =	simm.s32 @p2 $0x1  }
0x17: {  	s4 =	simm.s32 $0x1BF5;
	[smem:$0x3FB7] =	sst s0  }
0x18: {  	s0 =	sld [smem:$0x3F9A];
	_ =	swait.ge [sflag:s4], $0x0  }
0x19: {  	s7 =	sld [smem:$0x3F9B]  }
0x1a: {  	s8 =	sadd.s32 $0xFFFFE003, lr  }
0x1b: {  	s9 =	sadd.s32 $0xFFFFFEF7, lr;
	s5 =	simm.s32 $0xFFFFFFFF;
	p2 =	slt.u32 s8, $0xFFFFF086  }
0x1c: {  	p1 =	slt.u32 s9, $0xF7A;
	s5 =	simm.s32 @!p2 $0x0  }
0x1d: {  	s5 =	simm.s32 @p1 $0x1;
	p0 =	seq.s32 s7, s2  }
0x1e: {  	s7 =	smul.u32 @!p0 $0xF7A, s2;
	p2 =	seq.s32 @!p0 s5, $0x0  }
0x1f: {  	s9 =	smul.u32 $0xF7A, s1;
	s8 =	simm.s32 @!p0 $0x1BF5;
	p2 =	por !p2, p0  }
0x20: {  	[sflag:s8] =	ssyncset.s32 @!p0 $0xFFFFF086;
	s6 =	sadd.s32 @!p0 s3, s7;
	s7 =	simm.s32 @!p0 $0x108  }
0x21: {  	s3 =	sadd.s32 s3, s9;
	s6 =	sadd.s32 @!p0 $0x88, s6;
	s7 =	simm.s32 @p2 $0x1082  }
0x22: {  	[simem:s7], [sflag:s8] =	dma.local @!p0 [hbm:s6], $0xF7A  }
0x23: {  	s9 =	sor.u32 $0xD0000000, s2;
	s6 =	simm.s32 $0x108;
	_ =	swait.ge @!p0 [sflag:s8], $0x0  }
0x24: {  	s3 =	sadd.s32 $0x88, s3;
	s6 =	simm.s32 @!p1 $0x1082;
	[sflag:s4] =	ssyncset.s32 $0xFFFFF086  }
0x25: {  	[simem:s6], [sflag:s4] =	dma.local [hbm:s3], $0xF7A  }
0x26: {  	[smem:$0x3F9B] =	sst s1;
	(tag) =	ssettag s2;
	_ =	strace s9  }
0x27: {  	s1 =	sld [smem:$0x3FAB]  }
0x28: {  	s2 =	sld [smem:$0x3FAC]  }
0x29: {  	s4 =	sld [smem:$0x3FAE]  }
0x2a: {  	p0 =	seq.s32 s5, $0x0;
	s5 =	sld [smem:$0x3FAF]  }
0x2b: {  	s6 =	sld [smem:$0x3FB0]  }
0x2c: {  	s7 =	sld [smem:$0x3FB1]  }
0x2d: {  	s3 =	simm.s32 $0x108;
	s8 =	sld [smem:$0x3FB2]  }
0x2e: {  	s3 =	simm.s32 @!p0 $0x1082;
	s9 =	sld [smem:$0x3FB3]  }
0x2f: {  	lr =	sadd.s32 s0, s3;
	s0 =	sld [smem:$0x3FAA]  }
0x30: {  	s3 =	sld [smem:$0x3FAD]  }
0x31: {  	[smem:$0x3FB6] =	sst s10  }
0x32: {  	s10 =	sld [smem:$0x3FB4];
	_ =	sdelay $0x3  }
0x33: {  	p0 =	seq.s32 s10, $0x1;
	s10 =	sld [smem:$0x3FB6];
	_ =	sdelay $0x3  }
0x34: {  	[smem:$0x3FB6] =	sst s10  }
0x35: {  	s10 =	sld [smem:$0x3FB5];
	_ =	sdelay $0x3  }
0x36: {  	p1 =	seq.s32 s10, $0x1;
	s10 =	sld [smem:$0x3FB6];
	_ =	sdelay $0x3  }
0x37: {  	[smem:$0x3FB6] =	sst s10  }
0x38: {  	s10 =	sld [smem:$0x3FB7]  }
0x39: {  	_ = 	snop;
	(pc) =	sbr.ind lr, $3  }
0x3a: {  	_ = 	snop  }
0x3b: {  	_ = 	snop  }
0x3c: {  	p2 =	seq.s32 s10, $0x1;
	s10 =	sld [smem:$0x3FB6]  }
0x3d: {  	_ =	shalt  }
0x3e: {  	_ =	shalt  }
0x3f: {  	_ =	shalt  }
0x40: {  	_ =	shalt  }
0x41: {  	_ =	shalt  }
0x42: {  	_ =	shalt  }
0x43: {  	_ =	shalt  }
0x44: {  	_ =	shalt  }
0x45: {  	_ =	shalt  }
0x46: {  	_ =	shalt  }
0x47: {  	_ =	shalt  }
0x48: {  	_ =	shalt  }
0x49: {  	_ =	shalt  }
0x4a: {  	_ =	shalt  }
0x4b: {  	_ =	shalt  }
0x4c: {  	_ =	shalt  }
0x4d: {  	_ =	shalt  }
0x4e: {  	_ =	shalt  }
0x4f: {  	_ =	shalt  }
0x50: {  	_ =	shalt  }
0x51: {  	_ =	shalt  }
0x52: {  	_ =	shalt  }
0x53: {  	_ =	shalt  }
0x54: {  	_ =	shalt  }
0x55: {  	_ =	shalt  }
0x56: {  	_ =	shalt  }
0x57: {  	_ =	shalt  }
0x58: {  	_ =	shalt  }
0x59: {  	_ =	shalt  }
0x5a: {  	_ =	shalt  }
0x5b: {  	_ =	shalt  }
0x5c: {  	_ =	shalt  }
0x5d: {  	_ =	shalt  }
0x5e: {  	_ =	shalt  }
0x5f: {  	_ =	shalt  }
0x60: {  	_ =	shalt  }
0x61: {  	_ =	shalt  }
0x62: {  	_ =	shalt  }
0x63: {  	_ =	shalt  }
0x64: {  	_ =	shalt  }
0x65: {  	_ =	shalt  }
0x66: {  	_ =	shalt  }
0x67: {  	_ =	shalt  }
0x68: {  	_ =	shalt  }
0x69: {  	_ =	shalt  }
0x6a: {  	_ =	shalt  }
0x6b: {  	_ =	shalt  }
0x6c: {  	_ =	shalt  }
0x6d: {  	_ =	shalt  }
0x6e: {  	_ =	shalt  }
0x6f: {  	_ =	shalt  }
0x70: {  	_ =	shalt  }
0x71: {  	_ =	shalt  }
0x72: {  	_ =	shalt  }
0x73: {  	_ =	shalt  }
0x74: {  	_ =	shalt  }
0x75: {  	_ =	shalt  }
0x76: {  	_ =	shalt  }
0x77: {  	_ =	shalt  }
0x78: {  	_ =	shalt  }
0x79: {  	_ =	shalt  }
0x7a: {  	_ =	shalt  }
0x7b: {  	_ =	shalt  }
0x7c: {  	_ =	shalt  }
0x7d: {  	_ =	shalt  }
0x7e: {  	_ =	shalt  }
0x7f: {  	_ =	shalt  }
0x80: {  	_ =	shalt  }
0x81: {  	_ =	shalt  }
0x82: {  	_ =	shalt  }
0x83: {  	_ =	shalt  }
0x84: {  	_ =	shalt  }
0x85: {  	_ =	shalt  }
0x86: {  	_ =	shalt  }
0x87: {  	_ =	shalt  }
.Lfunc_end0:
.L_simem_size_0:
called_computation_lowered:
.L_overlay_start_0:
0x88: {  	s2 =	sld [smem:$0x3FD9]  }
0x89: {  	s3 =	sld [smem:$0x3FFE];
	_ =	sdelay $0x1  }
0x8a: {  	s1 =	srdreg.scid  }
0x8b: {  	s0 =	sand.u32 $0x1, s1  }
0x8c: {  	s17 =	sshll.u32 s0, $0xA;
	s2 =	sadd.s32 s3, s2  }
0x8d: {  	s2 =	sadd.s32 s2, s17  }
0x8e: {  	[smem:$0x3FC2] =	sst s2  }
0x8f: {  	_ = 	snop  }
0x90: {  	s2 =	sld [smem:$0x3FD0];
	(tm) =	ssettm $0x1  }
0x91: {  	s18 =	sld [smem:$0x3FFB];
	_ =	sdelay $0x3  }
0x92: {  	_ =	strace s18  }
0x93: {  	s3 =	sld [smem:$0x3FFC];
	_ =	sdelay $0x3  }
0x94: {  	_ =	strace s3  }
0x95: {  	s3 =	sld [smem:$0x3FFD];
	_ =	sdelay $0x3  }
0x96: {  	_ =	strace s3  }
0x97: {  	_ =	strace $0x8FFFFFFF  }
0x98: {  	s19 =	sld [smem:$0x3FDB];
	_ =	sdelay $0x1  }
0x99: {  	s4 =	simm.s32 $_scs_section_size  }
0x9a: {  	s5 =	simm.s32 $_size__tile_overlayer_lowered;
	s6 =	simm.s32 $_tile_overlayer_lowered  }
0x9b: {  	s22 =	simm.s32 $0x1BFF;
	s21 =	sshll.u32 s6, $0x1;
	s3 =	sadd.s32 s4, s19  }
0x9c: {  	s7 =	simm.s32 $0x0;
	s20 =	sshll.u32 s5, $0x1;
	s5 =	sadd.s32 s21, s3  }
0x9d: {  	[timem:s7], [sflag:s22] =	dma.local [hbm:s5], s20  }
0x9e: {  	_ =	swait.ge [sflag:s22], s20  }
0x9f: {  	s4 =	ssub.s32 $0x0, s20;
	[sflag:s22] =	ssyncset.done $0x0  }
0xa0: {  	[sflag:s22] =	ssyncadd.s32 s4;
	_ =	sdelay $0x1  }
0xa1: {  	s23 =	simm.s32 $0x1B8B  }
0xa2: {  	_ =	swait.ge [sflag:s23], $0x1  }
0xa3: {  	[sflag:s23] =	ssyncset.done $0x0  }
0xa4: {  	s25 =	simm.s32 $0x1B8E;
	s24 =	sld [smem:$0x3FFE];
	[sflag:s23] =	ssyncadd.s32 $0xFFFFFFFF  }
0xa5: {  	s26 =	simm.s32 $execute0_lowered;
	[smem:$0x3FD2] =	sst s25  }
0xa6: {  	s5 =	sshll.u32 s26, $0x1;
	_ =	strace $0x80000046;
	[dreg:$0x1] =	wrdreg $0xFFFFFFFF  }
0xa7: {  	s28 =	simm.s32 $_size_execute0_lowered;
	s3 =	sadd.s32 s3, s5;
	[dreg:$0x0] =	wrdreg $0x0  }
0xa8: {  	s5 =	sshll.u32 s28, $0x1;
	[dreg:$0x2] =	wrdreg s3  }
0xa9: {  	[dreg:$0x3] =	wrdreg s5  }
0xaa: {  	[dreg:$0x4] =	wrdreg $0xC0  }
0xab: {  	_ =	task [dreg:s7], $0x5FFFF  }
0xac: {  	[dreg:$0x1] =	wrdreg $0xFFFFFFFF  }
0xad: {  	[dreg:$0x0] =	wrdreg $0x60  }
0xae: {  	[dreg:$0x2] =	wrdreg s24  }
0xaf: {  	[dreg:$0x3] =	wrdreg s2  }
0xb0: {  	[dreg:$0x4] =	wrdreg $0x2D600  }
0xb1: {  	[dreg:$0x5] =	wrdreg $0x9  }
0xb2: {  	_ =	task.clear_ibuf [dreg:s7], $0x6FFFF;
	_ =	strace $0x90000046  }
0xb3: {  	s29 =	simm.s32 $0x9;
	_ =	strace $0x80000048  }
0xb4: {  	_ =	swait.ge [sflag:s29], $0x1  }
0xb5: {  	[sflag:s29] =	ssyncadd.s32 $0xFFFFFFFF  }
0xb6: {  	_ =	strace $0x90000048  }
0xb7: {  	_ =	sfence  }
0xb8: {  	s30 =	sld [smem:$0x0];
	_ =	sdelay $0x2  }
0xb9: {  	s31 =	sshll.u32 s1, $0xD;
	s1 =	sshrl.u32 s1, $0x2  }
0xba: {  	s3 =	sand.u32 $0x4000, s31;
	s1 =	sadd.s32 s1, s30  }
0xbb: {  	s0 =	sor.u32 s3, s0;
	s1 =	sshll.u32 s1, $0x11  }
0xbc: {  	s0 =	sor.u32 s1, s0  }
0xbd: {  	s0 =	sadd.s32 $0x8F2B, s0  }
0xbe: {  	[sflag:s0] =	ssyncadd.remote.s32 $0x1  }
0xbf: {  	_ =	sfence.sel $0xFFFF  }
0xc0: {  	[dreg:$0x0] =	wrdreg $0xFFFFFFFF;
	(pc) =	sbr.abs _section_cstart, $3  }
0xc1: {  	[dreg:$0x1] =	wrdreg $0xFFFFFFFF  }
0xc2: {  	_ =	task.clear_ibuf [dreg:s7], $0x2FFFF;
	_ =	strace $0x9FFFFFFF  }
0xc3: {  	(tm) =	ssettm $0x7FFFFFFF  }
tec
execute0_lowered:
.L_overlay_start_1:
0x0: {  	(tag) =	ssettag $0x1  }
0x1: {  	s0 =	srdreg.scid;
	s7 =	rddreg [dreg:$0x0]  }
0x2: {  	s2 =	rddreg [dreg:$0x1];
	s6 =	sand.u32 $0x1, s0;
	s0 =	stileid.u32  }
0x3: {  	s3 =	rddreg [dreg:$0x2];
	s4 =	simm.s32 $0x0;
	s8 =	smul.u32 $0x4EE, s0  }
0x4: {  	s13 =	simm.s32 $0x60;
	s14 =	simm.s32 $0x0;
	s9 =	smul.u32 $0x4EE0, s6  }
0x5: {  	[smem:$0x7FF] =	sst s4;
	s1 =	sshll.u32 s6, $0x4;
	s11 =	smul.u32 $0x9DC0, s0  }
0x6: {  	s6 =	ssub.s32 $0x2, s6;
	s31 =	sshll.u32 s0, $0x6;
	s1 =	sor.u32 s0, s1  }
0x7: {  	s28 =	sshrl.u32 s6, $0x1;
	s5 =	smul.u32 $0x4EC, s1;
	s1 =	rddreg [dreg:$0x3]  }
0x8: {  	_ =	strace $0x80000047;
	s8 =	sadd.s32 s8, s9;
	s29 =	sshrl.u32 s11, $0x2  }
0x9: {  	s30 =	ssub.s32 s6, s28;
	s6 =	sor.u32 $0x1C01, s31;
	s11 =	simm.s32 $0x1  }
0xa: {  	s8 =	sadd.s32 s8, s7;
	s12 =	sadd.s32 s29, s3;
	s9 =	smax.u32 s30, $0x1  }
0xb: {  	s10 =	sadd.s32 s5, s7;
	s5 =	sadd.s32 $0x16000, s7;
	s8 =	sadd.s32 $0x16200, s8  }
0xc: {  	s7 =	sadd.s32 $0x2400, s10;
	s10 =	sshrl.u32 s12, $0x3;
	s12 =	simm.s32 $0x2760  }
.LBB2_1:
0xd: {  	[spmem:s10], [sflag:s6] =	dma.local [hbm:s2], $0x4EE  }
0xe: {  	_ =	swait.ge [sflag:s11], $0x4EE  }
0xf: {  	[sflag:s11] =	ssyncset.done $0x0  }
0x10: {  	[sflag:s11] =	ssyncadd.s32 $0xFFFFFB12  }
0x11: {  	[tilespmem:s12], [sflag:$0x1] =	stream.linear.gather [hbm4b:s5+s4], $0x600, $0x38;
	[tilespmem:$0x54D0] =	vst v63  }
0x12: {  	_ =	swait.ge [sflag:s11], $0x600  }
0x13: {  	[sflag:s11] =	ssyncset.done $0x0  }
0x14: {  	[sflag:s11] =	ssyncadd.s32 $0xFFFFFA00  }
0x15: {  	[tilespmem:s4], [sflag:$0x1] =	stream.linear.gather [hbm4b:s7+s4], $0x2760, $0x38;
	[tilespmem:$0x54D0] =	vst v63  }
0x16: {  	_ =	swait.ge [sflag:s11], $0x2760  }
0x17: {  	[sflag:s11] =	ssyncset.done $0x0  }
0x18: {  	[sflag:s11] =	ssyncadd.s32 $0xFFFFD8A0  }
0x19: {  	s15 =	simm.s32 $0x0;
	[bflag:$0x0] =	sbarrier.arrive $0xFFFF  }
0x1a: {  	[spmem:s3] =	stream.indirect.scatter.add.f32 [tilespmem:s12], [sflag:$0x1], $0x10, s15, s13, $0xb8;
	[tilespmem:$0x54D0] =	vst v63  }
0x1b: {  	_ =	swait.ge [sflag:s11], $0x600  }
0x1c: {  	s15 =	simm.s32 $0x180;
	[sflag:s11] =	ssyncset.done $0x0  }
.LBB2_2:
0x1d: {  	s16 =	sshra.s32 s15, $0x2;
	[sflag:s11] =	ssyncadd.s32 $0xFFFFFA00;
	p0 =	sne.s32 s15, $0x9C00  }
0x1e: {  	[spmem:s3] =	stream.indirect.scatter.add.f32 [tilespmem:s12], [sflag:$0x1], $0x10, s16, s13, $0xb8;
	[tilespmem:$0x54D0] =	vst v63  }
.Ltmp0:
0x1f: {  	_ = 	snop;
	(pc) =	sbr.rel @p0 .LBB2_2-.Ltmp0, $4  }
0x20: {  	_ = 	snop  }
0x21: {  	s15 =	sadd.s32 $0x180, s15  }
0x22: {  	_ =	swait.ge [sflag:s11], $0x600  }
0x23: {  	[sflag:s11] =	ssyncset.done $0x0  }
0x24: {  	s14 =	sadd.s32 $0x1, s14  }
0x25: {  	[sflag:s11] =	ssyncadd.s32 $0xFFFFFA00;
	p0 =	sne.s32 s14, s9  }
.Ltmp1:
0x26: {  	[bflag:$0x0] =	sbarrier.arrive $0xFFFF;
	(pc) =	sbr.rel @p0 .LBB2_1-.Ltmp1, $4  }
0x27: {  	[hbm:s8], [sflag:s6] =	dma.local [spmem:s10], $0x4EE  }
0x28: {  	_ =	swait.ge [sflag:s11], $0x4EE  }
0x29: {  	[sflag:s11] =	ssyncset.done $0x0  }
0x2a: {  	[sflag:s11] =	ssyncadd.s32 $0xFFFFFB12  }
0x2b: {  	_ =	sfence.sel $0x180000  }
0x2c: {  	[bflag:$0x0] =	sbarrier.arrive $0xFFFF  }
0x2d: {  	p0 =	sne.s32 s0, $0x0;
	_ =	strace $0x90000047  }
0x2e: {  	s0 =	sadd.s32 @!p0 $0x100000, s1;
	[bflag:$0x2] =	sbarrier.arrive $0xFFFF  }
0x2f: {  	[sflag:s0] =	ssyncadd.tile.s32 @!p0 $0x1;
	_ =	shalt  }
.Lfunc_end2:
_tile_overlayer_lowered:
.L_overlay_start_2:
0x30: {  	(tag) =	ssettag $0x2  }
0x31: {  	s0 =	rddreg [dreg:$0x0];
	s2 =	stileid.u32  }
0x32: {  	s1 =	rddreg [dreg:$0x1];
	p0 =	sne.s32 s2, $0x0  }
0x33: {  	s3 =	rddreg [dreg:$0x2];
	[bflag:$0x3] =	sbarrier.arrive $0xFFFF;
	s2 =	simm.s32 @!p0 $0x1C01  }
0x34: {  	[timem:s3], [sflag:s2] =	dma.local @!p0 [hbm:s0], s1  }
0x35: {  	s0 =	simm.s32 @!p0 $0x1  }
0x36: {  	_ =	swait.ge @!p0 [sflag:s0], s1  }
0x37: {  	s1 =	ssub.s32 @!p0 $0x0, s1;
	[sflag:s0] =	ssyncset.done @!p0 $0x0  }
0x38: {  	[sflag:s0] =	ssyncadd.s32 @!p0 s1  }
0x39: {  	[bflag:$0x3] =	sbarrier.arrive $0xFFFF  }
0x3a: {  	_ =	shalt  }

// kernel: sc_aggregate_d128.3.cloned.1.call-start
scs
__scs_entry_jumppad:
0x0: {  	(pc) =	sbr.rel $0x88, $3  }
0x1: {  	(tag) =	ssettag $0x0;
	lr =	simm.s32 $0x1  }
0x2: {  	[smem:$0x3F9B] =	sst lr;
	_ =	strace $0xD0000000  }
0x3: {  	_ = 	snop  }
0x4: {  	_ = 	snop  }
0x5: {  	_ = 	snop  }
0x6: {  	_ = 	snop  }
0x7: {  	_ = 	snop  }
__scs_overlays_trampoline_lowered:
0x8: {  	[smem:$0x3FAA] =	sst s0  }
0x9: {  	[smem:$0x3FAB] =	sst s1  }
0xa: {  	[smem:$0x3FAC] =	sst s2  }
0xb: {  	[smem:$0x3FAD] =	sst s3  }
0xc: {  	[smem:$0x3FAE] =	sst s4  }
0xd: {  	[smem:$0x3FAF] =	sst s5  }
0xe: {  	[smem:$0x3FB0] =	sst s6  }
0xf: {  	[smem:$0x3FB1] =	sst s7  }
0x10: {  	[smem:$0x3FB2] =	sst s8  }
0x11: {  	[smem:$0x3FB3] =	sst s9;
	s0 =	simm.s32 @!p0 $0x0  }
0x12: {  	s1 =	sld [smem:$0x3F99];
	s0 =	simm.s32 @p0 $0x1  }
0x13: {  	[smem:$0x3FB4] =	sst s0;
	s0 =	simm.s32 @!p1 $0x0  }
0x14: {  	s2 =	sld [smem:$0x3F98];
	s0 =	simm.s32 @p1 $0x1  }
0x15: {  	[smem:$0x3FB5] =	sst s0;
	s0 =	simm.s32 @!p2 $0x0  }
0x16: {  	s3 =	sld [smem:$0x3FDB];
	s0 =	simm.s32 @p2 $0x1  }
0x17: {  	s4 =	simm.s32 $0x1BF5;
	[smem:$0x3FB7] =	sst s0  }
0x18: {  	s0 =	sld [smem:$0x3F9A];
	_ =	swait.ge [sflag:s4], $0x0  }
0x19: {  	s7 =	sld [smem:$0x3F9B]  }
0x1a: {  	s8 =	sadd.s32 $0xFFFFE003, lr  }
0x1b: {  	s9 =	sadd.s32 $0xFFFFFEF7, lr;
	s5 =	simm.s32 $0xFFFFFFFF;
	p2 =	slt.u32 s8, $0xFFFFF086  }
0x1c: {  	p1 =	slt.u32 s9, $0xF7A;
	s5 =	simm.s32 @!p2 $0x0  }
0x1d: {  	s5 =	simm.s32 @p1 $0x1;
	p0 =	seq.s32 s7, s2  }
0x1e: {  	s7 =	smul.u32 @!p0 $0xF7A, s2;
	p2 =	seq.s32 @!p0 s5, $0x0  }
0x1f: {  	s9 =	smul.u32 $0xF7A, s1;
	s8 =	simm.s32 @!p0 $0x1BF5;
	p2 =	por !p2, p0  }
0x20: {  	[sflag:s8] =	ssyncset.s32 @!p0 $0xFFFFF086;
	s6 =	sadd.s32 @!p0 s3, s7;
	s7 =	simm.s32 @!p0 $0x108  }
0x21: {  	s3 =	sadd.s32 s3, s9;
	s6 =	sadd.s32 @!p0 $0x88, s6;
	s7 =	simm.s32 @p2 $0x1082  }
0x22: {  	[simem:s7], [sflag:s8] =	dma.local @!p0 [hbm:s6], $0xF7A  }
0x23: {  	s9 =	sor.u32 $0xD0000000, s2;
	s6 =	simm.s32 $0x108;
	_ =	swait.ge @!p0 [sflag:s8], $0x0  }
0x24: {  	s3 =	sadd.s32 $0x88, s3;
	s6 =	simm.s32 @!p1 $0x1082;
	[sflag:s4] =	ssyncset.s32 $0xFFFFF086  }
0x25: {  	[simem:s6], [sflag:s4] =	dma.local [hbm:s3], $0xF7A  }
0x26: {  	[smem:$0x3F9B] =	sst s1;
	(tag) =	ssettag s2;
	_ =	strace s9  }
0x27: {  	s1 =	sld [smem:$0x3FAB]  }
0x28: {  	s2 =	sld [smem:$0x3FAC]  }
0x29: {  	s4 =	sld [smem:$0x3FAE]  }
0x2a: {  	p0 =	seq.s32 s5, $0x0;
	s5 =	sld [smem:$0x3FAF]  }
0x2b: {  	s6 =	sld [smem:$0x3FB0]  }
0x2c: {  	s7 =	sld [smem:$0x3FB1]  }
0x2d: {  	s3 =	simm.s32 $0x108;
	s8 =	sld [smem:$0x3FB2]  }
0x2e: {  	s3 =	simm.s32 @!p0 $0x1082;
	s9 =	sld [smem:$0x3FB3]  }
0x2f: {  	lr =	sadd.s32 s0, s3;
	s0 =	sld [smem:$0x3FAA]  }
0x30: {  	s3 =	sld [smem:$0x3FAD]  }
0x31: {  	[smem:$0x3FB6] =	sst s10  }
0x32: {  	s10 =	sld [smem:$0x3FB4];
	_ =	sdelay $0x3  }
0x33: {  	p0 =	seq.s32 s10, $0x1;
	s10 =	sld [smem:$0x3FB6];
	_ =	sdelay $0x3  }
0x34: {  	[smem:$0x3FB6] =	sst s10  }
0x35: {  	s10 =	sld [smem:$0x3FB5];
	_ =	sdelay $0x3  }
0x36: {  	p1 =	seq.s32 s10, $0x1;
	s10 =	sld [smem:$0x3FB6];
	_ =	sdelay $0x3  }
0x37: {  	[smem:$0x3FB6] =	sst s10  }
0x38: {  	s10 =	sld [smem:$0x3FB7]  }
0x39: {  	_ = 	snop;
	(pc) =	sbr.ind lr, $3  }
0x3a: {  	_ = 	snop  }
0x3b: {  	_ = 	snop  }
0x3c: {  	p2 =	seq.s32 s10, $0x1;
	s10 =	sld [smem:$0x3FB6]  }
0x3d: {  	_ =	shalt  }
0x3e: {  	_ =	shalt  }
0x3f: {  	_ =	shalt  }
0x40: {  	_ =	shalt  }
0x41: {  	_ =	shalt  }
0x42: {  	_ =	shalt  }
0x43: {  	_ =	shalt  }
0x44: {  	_ =	shalt  }
0x45: {  	_ =	shalt  }
0x46: {  	_ =	shalt  }
0x47: {  	_ =	shalt  }
0x48: {  	_ =	shalt  }
0x49: {  	_ =	shalt  }
0x4a: {  	_ =	shalt  }
0x4b: {  	_ =	shalt  }
0x4c: {  	_ =	shalt  }
0x4d: {  	_ =	shalt  }
0x4e: {  	_ =	shalt  }
0x4f: {  	_ =	shalt  }
0x50: {  	_ =	shalt  }
0x51: {  	_ =	shalt  }
0x52: {  	_ =	shalt  }
0x53: {  	_ =	shalt  }
0x54: {  	_ =	shalt  }
0x55: {  	_ =	shalt  }
0x56: {  	_ =	shalt  }
0x57: {  	_ =	shalt  }
0x58: {  	_ =	shalt  }
0x59: {  	_ =	shalt  }
0x5a: {  	_ =	shalt  }
0x5b: {  	_ =	shalt  }
0x5c: {  	_ =	shalt  }
0x5d: {  	_ =	shalt  }
0x5e: {  	_ =	shalt  }
0x5f: {  	_ =	shalt  }
0x60: {  	_ =	shalt  }
0x61: {  	_ =	shalt  }
0x62: {  	_ =	shalt  }
0x63: {  	_ =	shalt  }
0x64: {  	_ =	shalt  }
0x65: {  	_ =	shalt  }
0x66: {  	_ =	shalt  }
0x67: {  	_ =	shalt  }
0x68: {  	_ =	shalt  }
0x69: {  	_ =	shalt  }
0x6a: {  	_ =	shalt  }
0x6b: {  	_ =	shalt  }
0x6c: {  	_ =	shalt  }
0x6d: {  	_ =	shalt  }
0x6e: {  	_ =	shalt  }
0x6f: {  	_ =	shalt  }
0x70: {  	_ =	shalt  }
0x71: {  	_ =	shalt  }
0x72: {  	_ =	shalt  }
0x73: {  	_ =	shalt  }
0x74: {  	_ =	shalt  }
0x75: {  	_ =	shalt  }
0x76: {  	_ =	shalt  }
0x77: {  	_ =	shalt  }
0x78: {  	_ =	shalt  }
0x79: {  	_ =	shalt  }
0x7a: {  	_ =	shalt  }
0x7b: {  	_ =	shalt  }
0x7c: {  	_ =	shalt  }
0x7d: {  	_ =	shalt  }
0x7e: {  	_ =	shalt  }
0x7f: {  	_ =	shalt  }
0x80: {  	_ =	shalt  }
0x81: {  	_ =	shalt  }
0x82: {  	_ =	shalt  }
0x83: {  	_ =	shalt  }
0x84: {  	_ =	shalt  }
0x85: {  	_ =	shalt  }
0x86: {  	_ =	shalt  }
0x87: {  	_ =	shalt  }
.Lfunc_end0:
.L_simem_size_0:
called_computation.1_lowered:
.L_overlay_start_0:
0x88: {  	s2 =	sld [smem:$0x3FD9]  }
0x89: {  	s3 =	sld [smem:$0x3FFE];
	_ =	sdelay $0x1  }
0x8a: {  	s1 =	srdreg.scid  }
0x8b: {  	s0 =	sand.u32 $0x1, s1  }
0x8c: {  	s16 =	sshll.u32 s0, $0xA;
	s2 =	sadd.s32 s3, s2  }
0x8d: {  	s2 =	sadd.s32 s2, s16  }
0x8e: {  	[smem:$0x3FC2] =	sst s2  }
0x8f: {  	_ = 	snop  }
0x90: {  	(tm) =	ssettm $0x1  }
0x91: {  	s17 =	sld [smem:$0x3FFB];
	_ =	sdelay $0x3  }
0x92: {  	_ =	strace s17  }
0x93: {  	s2 =	sld [smem:$0x3FFC];
	_ =	sdelay $0x3  }
0x94: {  	_ =	strace s2  }
0x95: {  	s2 =	sld [smem:$0x3FFD];
	_ =	sdelay $0x3  }
0x96: {  	_ =	strace s2  }
0x97: {  	_ =	strace $0x8FFFFFFF  }
0x98: {  	s18 =	sld [smem:$0x3FDB];
	_ =	sdelay $0x1  }
0x99: {  	s19 =	simm.s32 $_scs_section_size  }
0x9a: {  	s4 =	simm.s32 $_size__tile_overlayer_lowered;
	s5 =	simm.s32 $_tile_overlayer_lowered  }
0x9b: {  	s22 =	simm.s32 $0x1BFF;
	s21 =	sshll.u32 s5, $0x1;
	s2 =	sadd.s32 s19, s18  }
0x9c: {  	s6 =	simm.s32 $0x0;
	s20 =	sshll.u32 s4, $0x1;
	s4 =	sadd.s32 s21, s2  }
0x9d: {  	[timem:s6], [sflag:s22] =	dma.local [hbm:s4], s20  }
0x9e: {  	_ =	swait.ge [sflag:s22], s20  }
0x9f: {  	s3 =	ssub.s32 $0x0, s20;
	[sflag:s22] =	ssyncset.done $0x0  }
0xa0: {  	[sflag:s22] =	ssyncadd.s32 s3;
	_ =	sdelay $0x1  }
0xa1: {  	s23 =	simm.s32 $0x1B8B  }
0xa2: {  	_ =	swait.ge [sflag:s23], $0x1  }
0xa3: {  	[sflag:s23] =	ssyncset.done $0x0  }
0xa4: {  	s25 =	simm.s32 $0x1B8E;
	s24 =	sld [smem:$0x3FFE];
	[sflag:s23] =	ssyncadd.s32 $0xFFFFFFFF  }
0xa5: {  	s26 =	simm.s32 $execute0_lowered;
	[smem:$0x3FD2] =	sst s25  }
0xa6: {  	s4 =	sshll.u32 s26, $0x1;
	_ =	strace $0x80000049;
	[dreg:$0x1] =	wrdreg $0xFFFFFFFF  }
0xa7: {  	s28 =	simm.s32 $_size_execute0_lowered;
	s2 =	sadd.s32 s2, s4;
	[dreg:$0x0] =	wrdreg $0x0  }
0xa8: {  	s4 =	sshll.u32 s28, $0x1;
	[dreg:$0x2] =	wrdreg s2  }
0xa9: {  	[dreg:$0x3] =	wrdreg s4  }
0xaa: {  	[dreg:$0x4] =	wrdreg $0xC0  }
0xab: {  	_ =	task [dreg:s6], $0x5FFFF  }
0xac: {  	[dreg:$0x1] =	wrdreg $0xFFFFFFFF  }
0xad: {  	[dreg:$0x0] =	wrdreg $0x60  }
0xae: {  	[dreg:$0x2] =	wrdreg s24  }
0xaf: {  	[dreg:$0x3] =	wrdreg $0x57C00  }
0xb0: {  	[dreg:$0x4] =	wrdreg $0x9  }
0xb1: {  	_ =	task.clear_ibuf [dreg:s6], $0x5FFFF;
	_ =	strace $0x90000049  }
0xb2: {  	s29 =	simm.s32 $0x9;
	_ =	strace $0x8000004D  }
0xb3: {  	_ =	swait.ge [sflag:s29], $0x1  }
0xb4: {  	[sflag:s29] =	ssyncadd.s32 $0xFFFFFFFF  }
0xb5: {  	_ =	strace $0x9000004D  }
0xb6: {  	_ =	sfence  }
0xb7: {  	s30 =	sld [smem:$0x0];
	_ =	sdelay $0x2  }
0xb8: {  	s31 =	sshll.u32 s1, $0xD;
	s1 =	sshrl.u32 s1, $0x2  }
0xb9: {  	s3 =	sand.u32 $0x4000, s31;
	s1 =	sadd.s32 s1, s30  }
0xba: {  	s0 =	sor.u32 s3, s0;
	s1 =	sshll.u32 s1, $0x11  }
0xbb: {  	s0 =	sor.u32 s1, s0  }
0xbc: {  	s0 =	sadd.s32 $0x8F2B, s0  }
0xbd: {  	[sflag:s0] =	ssyncadd.remote.s32 $0x1  }
0xbe: {  	_ =	sfence.sel $0xFFFF  }
0xbf: {  	[dreg:$0x0] =	wrdreg $0xFFFFFFFF;
	(pc) =	sbr.abs _section_cstart, $3  }
0xc0: {  	[dreg:$0x1] =	wrdreg $0xFFFFFFFF  }
0xc1: {  	_ =	task.clear_ibuf [dreg:s6], $0x2FFFF;
	_ =	strace $0x9FFFFFFF  }
0xc2: {  	(tm) =	ssettm $0x7FFFFFFF  }
0xc3: {  	_ =	shalt  }
tec
execute0_lowered:
.L_overlay_start_1:
0x0: {  	(tag) =	ssettag $0x1  }
0x1: {  	s1 =	rddreg [dreg:$0x0]  }
0x2: {  	s2 =	rddreg [dreg:$0x1];
	s3 =	simm.s32 $0x0  }
0x3: {  	s0 =	srdreg.scid;
	s17 =	simm.s32 $0xC0;
	[smem:$0x7FF] =	sst s3  }
0x4: {  	s9 =	sadd.s32 $0x20000, s1;
	_ =	strace $0x8000004A;
	[dreg:$0x5] =	wrdreg s17  }
0x5: {  	s8 =	stileid.u32;
	s18 =	simm.s32 $0x120;
	[dreg:$0x1d] =	wrdreg s9  }
0x6: {  	s19 =	simm.s32 $0x840;
	s20 =	simm.s32 $0x180;
	[dreg:$0x6] =	wrdreg s18  }
0x7: {  	s21 =	simm.s32 $0x8A0;
	s22 =	simm.s32 $0x1E0;
	[dreg:$0x7] =	wrdreg s19  }
0x8: {  	s24 =	simm.s32 $0x900;
	s26 =	simm.s32 $0x240;
	[dreg:$0x8] =	wrdreg s20  }
0x9: {  	s11 =	simm.s32 $0x2A0;
	s12 =	simm.s32 $0x9C0;
	[dreg:$0x9] =	wrdreg s21  }
0xa: {  	s13 =	simm.s32 $0x300;
	s14 =	simm.s32 $0xA20;
	[dreg:$0xa] =	wrdreg s22  }
0xb: {  	s28 =	simm.s32 $0xDE0;
	s29 =	simm.s32 $0x720;
	[dreg:$0xb] =	wrdreg s24  }
0xc: {  	s30 =	simm.s32 $0xE40;
	s5 =	smul.u32 $0x4EC, s8;
	[dreg:$0xc] =	wrdreg s26  }
0xd: {  	s31 =	simm.s32 $0x780;
	s16 =	smul.u32 $0x13B8, s8;
	[dreg:$0xe] =	wrdreg s11  }
0xe: {  	s0 =	sand.u32 $0x1, s0;
	s25 =	smul.u32 $0x27700, s8;
	[dreg:$0xf] =	wrdreg s12  }
0xf: {  	s15 =	sshll.u32 s8, $0x6;
	s4 =	smul.u32 $0x4EC0, s0;
	[dreg:$0x10] =	wrdreg s13  }
0x10: {  	s7 =	smul.u32 $0x13B80, s0;
	s9 =	simm.s32 $0x960;
	[dreg:$0x11] =	wrdreg s14  }
0x11: {  	s0 =	ssub.s32 $0x2, s0;
	s17 =	simm.s32 $0xA80;
	[dreg:$0xd] =	wrdreg s9  }
0x12: {  	s18 =	simm.s32 $0x3C0;
	s19 =	simm.s32 $0xAE0;
	[dreg:$0x13] =	wrdreg s17  }
0x13: {  	s11 =	simm.s32 $0x7E0;
	s20 =	simm.s32 $0x420;
	[dreg:$0x14] =	wrdreg s18  }
0x14: {  	s12 =	simm.s32 $0x60;
	s21 =	simm.s32 $0xB40;
	[dreg:$0x15] =	wrdreg s19  }
0x15: {  	s13 =	simm.s32 $0xFC0;
	s22 =	simm.s32 $0x480;
	[dreg:$0x16] =	wrdreg s20  }
0x16: {  	s14 =	simm.s32 $0x27C0;
	s24 =	simm.s32 $0x4E0;
	[dreg:$0x17] =	wrdreg s21  }
0x17: {  	s26 =	simm.s32 $0x540;
	s23 =	sshrl.u32 s0, $0x1;
	[dreg:$0x18] =	wrdreg s22  }
0x18: {  	s10 =	sshrl.u32 s25, $0x2;
	[dreg:$0x1a] =	wrdreg s24;
	s25 =	simm.s32 $0xC00  }
0x19: {  	s17 =	simm.s32 $0x2;
	s18 =	simm.s32 $0x3;
	[dreg:$0x1c] =	wrdreg s26  }
0x1a: {  	s19 =	simm.s32 $0xC60;
	s20 =	simm.s32 $0x5A0;
	s21 =	simm.s32 $0xCC0  }
0x1b: {  	s22 =	simm.s32 $0x600;
	s24 =	simm.s32 $0x660;
	s26 =	simm.s32 $0x6C0  }
0x1c: {  	s9 =	simm.s32 $0x0;
	s4 =	sadd.s32 s4, s1;
	s0 =	ssub.s32 s0, s23  }
0x1d: {  	s23 =	simm.s32 $0xBA0;
	[dreg:$0x1b] =	wrdreg s25;
	s25 =	simm.s32 $0xD80  }
0x1e: {  	s5 =	sadd.s32 s5, s4;
	s0 =	smax.u32 s0, $0x1;
	[dreg:$0x19] =	wrdreg s23  }
0x1f: {  	s4 =	sadd.s32 $0x96800, s1;
	s6 =	sadd.s32 $0xC200, s5;
	[dreg:$0x1f] =	wrdreg s0  }
0x20: {  	s23 =	simm.s32 $0xD20;
	s5 =	sadd.s32 $0x2400, s5;
	[dreg:$0x3] =	wrdreg s6  }
0x21: {  	s0 =	simm.s32 $0xF00;
	[dreg:$0x4] =	wrdreg s5;
	s6 =	sadd.s32 s16, s7  }
0x22: {  	s16 =	simm.s32 $0x360;
	s7 =	sor.u32 $0x1C04, s15;
	s15 =	simm.s32 $0x3FC0  }
0x23: {  	s5 =	simm.s32 $0xF60;
	s1 =	sadd.s32 s6, s1;
	[dreg:$0x12] =	wrdreg s16  }
0x24: {  	s6 =	sadd.s32 s10, s2;
	[smem:$0x7FC] =	sst s7;
	s1 =	sadd.s32 $0xAA200, s1  }
0x25: {  	s10 =	simm.s32 $0x4;
	s8 =	sshrl.u32 s6, $0x3;
	[dreg:$0x1e] =	wrdreg s1  }
0x26: {  	s16 =	simm.s32 $0x1;
	s1 =	simm.s32 $0xEA0;
	[smem:$0x7FD] =	sst s8  }
.LBB2_1:
0x27: {  	[smem:$0x7FB] =	sst s9  }
0x28: {  	_ =	strace $0x8000004B  }
0x29: {  	s6 =	rddreg [dreg:$0x1d]  }
0x2a: {  	[spmem:s8], [sflag:s7] =	dma.local [hbm:s6], $0x13B8  }
0x2b: {  	_ =	swait.ge [sflag:s10], $0x13B8  }
0x2c: {  	[sflag:s10] =	ssyncset.done $0x0  }
0x2d: {  	[sflag:s10] =	ssyncadd.s32 $0xFFFFEC48  }
0x2e: {  	[bflag:$0x0] =	sbarrier.arrive $0xFFFF  }
0x2f: {  	_ =	strace $0x9000004B  }
0x30: {  	s8 =	rddreg [dreg:$0x3]  }
0x31: {  	s7 =	sadd.s32 $0x0, s8  }
0x32: {  	[tilespmem:s3], [sflag:$0x4] =	stream.linear.gather [hbm4b:s7+s3], $0x7E0, $0x38;
	[tilespmem:$0xF580] =	vst v63  }
0x33: {  	_ =	swait.ge [sflag:s10], $0x7E0  }
0x34: {  	s9 =	rddreg [dreg:$0x4];
	[sflag:s10] =	ssyncset.done $0x0  }
0x35: {  	[sflag:s10] =	ssyncadd.s32 $0xFFFFF820;
	s7 =	sadd.s32 $0x0, s9  }
0x36: {  	[tilespmem:s11], [sflag:$0x4] =	stream.linear.gather [hbm4b:s7+s3], $0x7E0, $0x38;
	[tilespmem:$0xF580] =	vst v63  }
0x37: {  	_ =	swait.ge [sflag:s10], $0x7E0  }
0x38: {  	[sflag:s10] =	ssyncset.done $0x0  }
0x39: {  	[sflag:s10] =	ssyncadd.s32 $0xFFFFF820  }
0x3a: {  	[tilespmem:s13], [sflag:$0x1] =	stream.indirect.gather [hbm4b:s4+s12], $0x40, s3, s12, $0xb8;
	[tilespmem:$0xF580] =	vst v63  }
0x3b: {  	_ = 	snop  }
0x3c: {  	[tilespmem:s14], [sflag:$0x2] =	stream.indirect.gather [hbm4b:s4+s12], $0x40, s12, s12, $0xb8;
	[tilespmem:$0xF580] =	vst v63  }
0x3d: {  	s6 =	rddreg [dreg:$0x5]  }
0x3e: {  	[tilespmem:s15], [sflag:$0x3] =	stream.indirect.gather [hbm4b:s4+s12], $0x40, s6, s12, $0xb8;
	[tilespmem:$0xF580] =	vst v63  }
0x3f: {  	_ =	swait.ge [sflag:s16], $0x1800  }
0x40: {  	[sflag:s16] =	ssyncset.done $0x0  }
0x41: {  	[sflag:s16] =	ssyncadd.s32 $0xFFFFE800  }
0x42: {  	[spmem:s2] =	stream.indirect.scatter.add.bf16 [tilespmem:s13], [sflag:$0x4], $0x40, s11, s12, $0xb8;
	[tilespmem:$0xF580] =	vst v63  }
0x43: {  	_ =	swait.ge [sflag:s10], $0x1800  }
0x44: {  	[sflag:s10] =	ssyncset.done $0x0  }
0x45: {  	s8 =	rddreg [dreg:$0x6];
	[sflag:s10] =	ssyncadd.s32 $0xFFFFE800  }
0x46: {  	[tilespmem:s13], [sflag:$0x1] =	stream.indirect.gather [hbm4b:s4+s12], $0x40, s8, s12, $0xb8;
	[tilespmem:$0xF580] =	vst v63  }
0x47: {  	_ =	swait.ge [sflag:s17], $0x1800  }
0x48: {  	[sflag:s17] =	ssyncset.done $0x0  }
0x49: {  	s9 =	rddreg [dreg:$0x7];
	[sflag:s17] =	ssyncadd.s32 $0xFFFFE800  }
0x4a: {  	[spmem:s2] =	stream.indirect.scatter.add.bf16 [tilespmem:s14], [sflag:$0x4], $0x40, s9, s12, $0xb8;
	[tilespmem:$0xF580] =	vst v63  }
0x4b: {  	_ =	swait.ge [sflag:s10], $0x1800  }
0x4c: {  	[sflag:s10] =	ssyncset.done $0x0  }
0x4d: {  	s6 =	rddreg [dreg:$0x8];
	[sflag:s10] =	ssyncadd.s32 $0xFFFFE800  }
0x4e: {  	[tilespmem:s14], [sflag:$0x2] =	stream.indirect.gather [hbm4b:s4+s12], $0x40, s6, s12, $0xb8;
	[tilespmem:$0xF580] =	vst v63  }
0x4f: {  	_ =	swait.ge [sflag:s18], $0x1800  }
0x50: {  	[sflag:s18] =	ssyncset.done $0x0  }
0x51: {  	s8 =	rddreg [dreg:$0x9];
	[sflag:s18] =	ssyncadd.s32 $0xFFFFE800  }
0x52: {  	[spmem:s2] =	stream.indirect.scatter.add.bf16 [tilespmem:s15], [sflag:$0x4], $0x40, s8, s12, $0xb8;
	[tilespmem:$0xF580] =	vst v63  }
0x53: {  	_ =	swait.ge [sflag:s10], $0x1800  }
0x54: {  	[sflag:s10] =	ssyncset.done $0x0  }
0x55: {  	s9 =	rddreg [dreg:$0xa];
	[sflag:s10] =	ssyncadd.s32 $0xFFFFE800  }
0x56: {  	[tilespmem:s15], [sflag:$0x3] =	stream.indirect.gather [hbm4b:s4+s12], $0x40, s9, s12, $0xb8;
	[tilespmem:$0xF580] =	vst v63  }
0x57: {  	_ =	swait.ge [sflag:s16], $0x1800  }
0x58: {  	[sflag:s16] =	ssyncset.done $0x0  }
0x59: {  	s6 =	rddreg [dreg:$0xb];
	[sflag:s16] =	ssyncadd.s32 $0xFFFFE800  }
0x5a: {  	[spmem:s2] =	stream.indirect.scatter.add.bf16 [tilespmem:s13], [sflag:$0x4], $0x40, s6, s12, $0xb8;
	[tilespmem:$0xF580] =	vst v63  }
0x5b: {  	_ =	swait.ge [sflag:s10], $0x1800  }
0x5c: {  	[sflag:s10] =	ssyncset.done $0x0  }
0x5d: {  	s8 =	rddreg [dreg:$0xc];
	[sflag:s10] =	ssyncadd.s32 $0xFFFFE800  }
0x5e: {  	[tilespmem:s13], [sflag:$0x1] =	stream.indirect.gather [hbm4b:s4+s12], $0x40, s8, s12, $0xb8;
	[tilespmem:$0xF580] =	vst v63  }
0x5f: {  	_ =	swait.ge [sflag:s17], $0x1800  }
0x60: {  	[sflag:s17] =	ssyncset.done $0x0  }
0x61: {  	s9 =	rddreg [dreg:$0xd];
	[sflag:s17] =	ssyncadd.s32 $0xFFFFE800  }
0x62: {  	[spmem:s2] =	stream.indirect.scatter.add.bf16 [tilespmem:s14], [sflag:$0x4], $0x40, s9, s12, $0xb8;
	[tilespmem:$0xF580] =	vst v63  }
0x63: {  	_ =	swait.ge [sflag:s10], $0x1800  }
0x64: {  	[sflag:s10] =	ssyncset.done $0x0  }
0x65: {  	s6 =	rddreg [dreg:$0xe];
	[sflag:s10] =	ssyncadd.s32 $0xFFFFE800  }
0x66: {  	[tilespmem:s14], [sflag:$0x2] =	stream.indirect.gather [hbm4b:s4+s12], $0x40, s6, s12, $0xb8;
	[tilespmem:$0xF580] =	vst v63  }
0x67: {  	_ =	swait.ge [sflag:s18], $0x1800  }
0x68: {  	[sflag:s18] =	ssyncset.done $0x0  }
0x69: {  	s8 =	rddreg [dreg:$0xf];
	[sflag:s18] =	ssyncadd.s32 $0xFFFFE800  }
0x6a: {  	[spmem:s2] =	stream.indirect.scatter.add.bf16 [tilespmem:s15], [sflag:$0x4], $0x40, s8, s12, $0xb8;
	[tilespmem:$0xF580] =	vst v63  }
0x6b: {  	_ =	swait.ge [sflag:s10], $0x1800  }
0x6c: {  	[sflag:s10] =	ssyncset.done $0x0  }
0x6d: {  	s9 =	rddreg [dreg:$0x10];
	[sflag:s10] =	ssyncadd.s32 $0xFFFFE800  }
0x6e: {  	[tilespmem:s15], [sflag:$0x3] =	stream.indirect.gather [hbm4b:s4+s12], $0x40, s9, s12, $0xb8;
	[tilespmem:$0xF580] =	vst v63  }
0x6f: {  	_ =	swait.ge [sflag:s16], $0x1800  }
0x70: {  	[sflag:s16] =	ssyncset.done $0x0  }
0x71: {  	s6 =	rddreg [dreg:$0x11];
	[sflag:s16] =	ssyncadd.s32 $0xFFFFE800  }
0x72: {  	[spmem:s2] =	stream.indirect.scatter.add.bf16 [tilespmem:s13], [sflag:$0x4], $0x40, s6, s12, $0xb8;
	[tilespmem:$0xF580] =	vst v63  }
0x73: {  	_ =	swait.ge [sflag:s10], $0x1800  }
0x74: {  	[sflag:s10] =	ssyncset.done $0x0  }
0x75: {  	s8 =	rddreg [dreg:$0x12];
	[sflag:s10] =	ssyncadd.s32 $0xFFFFE800  }
0x76: {  	[tilespmem:s13], [sflag:$0x1] =	stream.indirect.gather [hbm4b:s4+s12], $0x40, s8, s12, $0xb8;
	[tilespmem:$0xF580] =	vst v63  }
0x77: {  	_ =	swait.ge [sflag:s17], $0x1800  }
0x78: {  	[sflag:s17] =	ssyncset.done $0x0  }
0x79: {  	s9 =	rddreg [dreg:$0x13];
	[sflag:s17] =	ssyncadd.s32 $0xFFFFE800  }
0x7a: {  	[spmem:s2] =	stream.indirect.scatter.add.bf16 [tilespmem:s14], [sflag:$0x4], $0x40, s9, s12, $0xb8;
	[tilespmem:$0xF580] =	vst v63  }
0x7b: {  	_ =	swait.ge [sflag:s10], $0x1800  }
0x7c: {  	[sflag:s10] =	ssyncset.done $0x0  }
0x7d: {  	s6 =	rddreg [dreg:$0x14];
	[sflag:s10] =	ssyncadd.s32 $0xFFFFE800  }
0x7e: {  	[tilespmem:s14], [sflag:$0x2] =	stream.indirect.gather [hbm4b:s4+s12], $0x40, s6, s12, $0xb8;
	[tilespmem:$0xF580] =	vst v63  }
0x7f: {  	_ =	swait.ge [sflag:s18], $0x1800  }
0x80: {  	[sflag:s18] =	ssyncset.done $0x0  }
0x81: {  	s8 =	rddreg [dreg:$0x15];
	[sflag:s18] =	ssyncadd.s32 $0xFFFFE800  }
0x82: {  	[spmem:s2] =	stream.indirect.scatter.add.bf16 [tilespmem:s15], [sflag:$0x4], $0x40, s8, s12, $0xb8;
	[tilespmem:$0xF580] =	vst v63  }
0x83: {  	_ =	swait.ge [sflag:s10], $0x1800  }
0x84: {  	[sflag:s10] =	ssyncset.done $0x0  }
0x85: {  	s9 =	rddreg [dreg:$0x16];
	[sflag:s10] =	ssyncadd.s32 $0xFFFFE800  }
0x86: {  	[tilespmem:s15], [sflag:$0x3] =	stream.indirect.gather [hbm4b:s4+s12], $0x40, s9, s12, $0xb8;
	[tilespmem:$0xF580] =	vst v63  }
0x87: {  	_ =	swait.ge [sflag:s16], $0x1800  }
0x88: {  	[sflag:s16] =	ssyncset.done $0x0  }
0x89: {  	s6 =	rddreg [dreg:$0x17];
	[sflag:s16] =	ssyncadd.s32 $0xFFFFE800  }
0x8a: {  	[spmem:s2] =	stream.indirect.scatter.add.bf16 [tilespmem:s13], [sflag:$0x4], $0x40, s6, s12, $0xb8;
	[tilespmem:$0xF580] =	vst v63  }
0x8b: {  	_ =	swait.ge [sflag:s10], $0x1800  }
0x8c: {  	[sflag:s10] =	ssyncset.done $0x0  }
0x8d: {  	s8 =	rddreg [dreg:$0x18];
	[sflag:s10] =	ssyncadd.s32 $0xFFFFE800  }
0x8e: {  	[tilespmem:s13], [sflag:$0x1] =	stream.indirect.gather [hbm4b:s4+s12], $0x40, s8, s12, $0xb8;
	[tilespmem:$0xF580] =	vst v63  }
0x8f: {  	_ =	swait.ge [sflag:s17], $0x1800  }
0x90: {  	[sflag:s17] =	ssyncset.done $0x0  }
0x91: {  	s9 =	rddreg [dreg:$0x19];
	[sflag:s17] =	ssyncadd.s32 $0xFFFFE800  }
0x92: {  	[spmem:s2] =	stream.indirect.scatter.add.bf16 [tilespmem:s14], [sflag:$0x4], $0x40, s9, s12, $0xb8;
	[tilespmem:$0xF580] =	vst v63  }
0x93: {  	_ =	swait.ge [sflag:s10], $0x1800  }
0x94: {  	[sflag:s10] =	ssyncset.done $0x0  }
0x95: {  	s6 =	rddreg [dreg:$0x1a];
	[sflag:s10] =	ssyncadd.s32 $0xFFFFE800  }
0x96: {  	[tilespmem:s14], [sflag:$0x2] =	stream.indirect.gather [hbm4b:s4+s12], $0x40, s6, s12, $0xb8;
	[tilespmem:$0xF580] =	vst v63  }
0x97: {  	_ =	swait.ge [sflag:s18], $0x1800  }
0x98: {  	[sflag:s18] =	ssyncset.done $0x0  }
0x99: {  	s8 =	rddreg [dreg:$0x1b];
	[sflag:s18] =	ssyncadd.s32 $0xFFFFE800  }
0x9a: {  	[spmem:s2] =	stream.indirect.scatter.add.bf16 [tilespmem:s15], [sflag:$0x4], $0x40, s8, s12, $0xb8;
	[tilespmem:$0xF580] =	vst v63  }
0x9b: {  	_ =	swait.ge [sflag:s10], $0x1800  }
0x9c: {  	[sflag:s10] =	ssyncset.done $0x0  }
0x9d: {  	s9 =	rddreg [dreg:$0x1c];
	[sflag:s10] =	ssyncadd.s32 $0xFFFFE800  }
0x9e: {  	[tilespmem:s15], [sflag:$0x3] =	stream.indirect.gather [hbm4b:s4+s12], $0x40, s9, s12, $0xb8;
	[tilespmem:$0xF580] =	vst v63  }
0x9f: {  	_ =	swait.ge [sflag:s16], $0x1800  }
0xa0: {  	[sflag:s16] =	ssyncset.done $0x0  }
0xa1: {  	[sflag:s16] =	ssyncadd.s32 $0xFFFFE800  }
0xa2: {  	[spmem:s2] =	stream.indirect.scatter.add.bf16 [tilespmem:s13], [sflag:$0x4], $0x40, s19, s12, $0xb8;
	[tilespmem:$0xF580] =	vst v63  }
0xa3: {  	_ =	swait.ge [sflag:s10], $0x1800  }
0xa4: {  	[sflag:s10] =	ssyncset.done $0x0  }
0xa5: {  	[sflag:s10] =	ssyncadd.s32 $0xFFFFE800  }
0xa6: {  	[tilespmem:s13], [sflag:$0x1] =	stream.indirect.gather [hbm4b:s4+s12], $0x40, s20, s12, $0xb8;
	[tilespmem:$0xF580] =	vst v63  }
0xa7: {  	_ =	swait.ge [sflag:s17], $0x1800  }
0xa8: {  	[sflag:s17] =	ssyncset.done $0x0  }
0xa9: {  	[sflag:s17] =	ssyncadd.s32 $0xFFFFE800  }
0xaa: {  	[spmem:s2] =	stream.indirect.scatter.add.bf16 [tilespmem:s14], [sflag:$0x4], $0x40, s21, s12, $0xb8;
	[tilespmem:$0xF580] =	vst v63  }
0xab: {  	_ =	swait.ge [sflag:s10], $0x1800  }
0xac: {  	[sflag:s10] =	ssyncset.done $0x0  }
0xad: {  	[sflag:s10] =	ssyncadd.s32 $0xFFFFE800  }
0xae: {  	[tilespmem:s14], [sflag:$0x2] =	stream.indirect.gather [hbm4b:s4+s12], $0x40, s22, s12, $0xb8;
	[tilespmem:$0xF580] =	vst v63  }
0xaf: {  	_ =	swait.ge [sflag:s18], $0x1800  }
0xb0: {  	[sflag:s18] =	ssyncset.done $0x0  }
0xb1: {  	[sflag:s18] =	ssyncadd.s32 $0xFFFFE800  }
0xb2: {  	[spmem:s2] =	stream.indirect.scatter.add.bf16 [tilespmem:s15], [sflag:$0x4], $0x40, s23, s12, $0xb8;
	[tilespmem:$0xF580] =	vst v63  }
0xb3: {  	_ =	swait.ge [sflag:s10], $0x1800  }
0xb4: {  	[sflag:s10] =	ssyncset.done $0x0  }
0xb5: {  	[sflag:s10] =	ssyncadd.s32 $0xFFFFE800  }
0xb6: {  	[tilespmem:s15], [sflag:$0x3] =	stream.indirect.gather [hbm4b:s4+s12], $0x40, s24, s12, $0xb8;
	[tilespmem:$0xF580] =	vst v63  }
0xb7: {  	_ =	swait.ge [sflag:s16], $0x1800  }
0xb8: {  	[sflag:s16] =	ssyncset.done $0x0  }
0xb9: {  	[sflag:s16] =	ssyncadd.s32 $0xFFFFE800  }
0xba: {  	[spmem:s2] =	stream.indirect.scatter.add.bf16 [tilespmem:s13], [sflag:$0x4], $0x40, s25, s12, $0xb8;
	[tilespmem:$0xF580] =	vst v63  }
0xbb: {  	_ =	swait.ge [sflag:s10], $0x1800  }
0xbc: {  	[sflag:s10] =	ssyncset.done $0x0  }
0xbd: {  	[sflag:s10] =	ssyncadd.s32 $0xFFFFE800  }
0xbe: {  	[tilespmem:s13], [sflag:$0x1] =	stream.indirect.gather [hbm4b:s4+s12], $0x40, s26, s12, $0xb8;
	[tilespmem:$0xF580] =	vst v63  }
0xbf: {  	_ =	swait.ge [sflag:s17], $0x1800  }
0xc0: {  	[sflag:s17] =	ssyncset.done $0x0  }
0xc1: {  	[sflag:s17] =	ssyncadd.s32 $0xFFFFE800  }
0xc2: {  	[spmem:s2] =	stream.indirect.scatter.add.bf16 [tilespmem:s14], [sflag:$0x4], $0x40, s28, s12, $0xb8;
	[tilespmem:$0xF580] =	vst v63  }
0xc3: {  	_ =	swait.ge [sflag:s10], $0x1800  }
0xc4: {  	[sflag:s10] =	ssyncset.done $0x0  }
0xc5: {  	[sflag:s10] =	ssyncadd.s32 $0xFFFFE800  }
0xc6: {  	[tilespmem:s14], [sflag:$0x2] =	stream.indirect.gather [hbm4b:s4+s12], $0x40, s29, s12, $0xb8;
	[tilespmem:$0xF580] =	vst v63  }
0xc7: {  	_ =	swait.ge [sflag:s18], $0x1800  }
0xc8: {  	[sflag:s18] =	ssyncset.done $0x0  }
0xc9: {  	[sflag:s18] =	ssyncadd.s32 $0xFFFFE800  }
0xca: {  	[spmem:s2] =	stream.indirect.scatter.add.bf16 [tilespmem:s15], [sflag:$0x4], $0x40, s30, s12, $0xb8;
	[tilespmem:$0xF580] =	vst v63  }
0xcb: {  	_ =	swait.ge [sflag:s10], $0x1800  }
0xcc: {  	[sflag:s10] =	ssyncset.done $0x0  }
0xcd: {  	[sflag:s10] =	ssyncadd.s32 $0xFFFFE800  }
0xce: {  	[tilespmem:s15], [sflag:$0x3] =	stream.indirect.gather [hbm4b:s4+s12], $0x40, s31, s12, $0xb8;
	[tilespmem:$0xF580] =	vst v63  }
0xcf: {  	_ =	swait.ge [sflag:s16], $0x1800  }
0xd0: {  	[sflag:s16] =	ssyncset.done $0x0  }
0xd1: {  	[sflag:s16] =	ssyncadd.s32 $0xFFFFE800  }
0xd2: {  	[spmem:s2] =	stream.indirect.scatter.add.bf16 [tilespmem:s13], [sflag:$0x4], $0x40, s1, s12, $0xb8;
	[tilespmem:$0xF580] =	vst v63  }
0xd3: {  	_ =	swait.ge [sflag:s10], $0x1800  }
0xd4: {  	[sflag:s10] =	ssyncset.done $0x0  }
0xd5: {  	[sflag:s10] =	ssyncadd.s32 $0xFFFFE800  }
0xd6: {  	_ =	swait.ge [sflag:s17], $0x1800  }
0xd7: {  	[sflag:s17] =	ssyncset.done $0x0  }
0xd8: {  	[sflag:s17] =	ssyncadd.s32 $0xFFFFE800  }
0xd9: {  	[spmem:s2] =	stream.indirect.scatter.add.bf16 [tilespmem:s14], [sflag:$0x4], $0x40, s0, s12, $0xb8;
	[tilespmem:$0xF580] =	vst v63  }
0xda: {  	_ =	swait.ge [sflag:s10], $0x1800  }
0xdb: {  	[sflag:s10] =	ssyncset.done $0x0  }
0xdc: {  	[sflag:s10] =	ssyncadd.s32 $0xFFFFE800  }
0xdd: {  	_ =	swait.ge [sflag:s18], $0x1800  }
0xde: {  	[sflag:s18] =	ssyncset.done $0x0  }
0xdf: {  	[sflag:s18] =	ssyncadd.s32 $0xFFFFE800  }
0xe0: {  	[spmem:s2] =	stream.indirect.scatter.add.bf16 [tilespmem:s15], [sflag:$0x4], $0x40, s5, s12, $0xb8;
	[tilespmem:$0xF580] =	vst v63  }
0xe1: {  	s7 =	simm.s32 $0xFC;
	_ =	swait.ge [sflag:s10], $0x1800  }
0xe2: {  	s8 =	simm.s32 $0x1F8;
	s9 =	rddreg [dreg:$0x3];
	[sflag:s10] =	ssyncset.done $0x0  }
.LBB2_2:
0xe3: {  	[sflag:s10] =	ssyncadd.s32 $0xFFFFE800;
	s9 =	sadd.s32 s7, s9  }
0xe4: {  	[tilespmem:s3], [sflag:$0x4] =	stream.linear.gather [hbm4b:s9+s3], $0x7E0, $0x38;
	[tilespmem:$0xF580] =	vst v63  }
0xe5: {  	_ =	swait.ge [sflag:s10], $0x7E0  }
0xe6: {  	s9 =	rddreg [dreg:$0x4];
	[sflag:s10] =	ssyncset.done $0x0  }
0xe7: {  	[sflag:s10] =	ssyncadd.s32 $0xFFFFF820;
	s9 =	sadd.s32 s7, s9  }
0xe8: {  	[tilespmem:s11], [sflag:$0x4] =	stream.linear.gather [hbm4b:s9+s3], $0x7E0, $0x38;
	[tilespmem:$0xF580] =	vst v63  }
0xe9: {  	_ =	swait.ge [sflag:s10], $0x7E0  }
0xea: {  	[sflag:s10] =	ssyncset.done $0x0  }
0xeb: {  	[sflag:s10] =	ssyncadd.s32 $0xFFFFF820  }
0xec: {  	[tilespmem:s13], [sflag:$0x1] =	stream.indirect.gather [hbm4b:s4+s12], $0x40, s3, s12, $0xb8;
	[tilespmem:$0xF580] =	vst v63  }
0xed: {  	_ = 	snop  }
0xee: {  	[tilespmem:s14], [sflag:$0x2] =	stream.indirect.gather [hbm4b:s4+s12], $0x40, s12, s12, $0xb8;
	[tilespmem:$0xF580] =	vst v63  }
0xef: {  	s9 =	rddreg [dreg:$0x5]  }
0xf0: {  	[tilespmem:s15], [sflag:$0x3] =	stream.indirect.gather [hbm4b:s4+s12], $0x40, s9, s12, $0xb8;
	[tilespmem:$0xF580] =	vst v63  }
0xf1: {  	_ =	swait.ge [sflag:s16], $0x1800  }
0xf2: {  	[sflag:s16] =	ssyncset.done $0x0  }
0xf3: {  	[sflag:s16] =	ssyncadd.s32 $0xFFFFE800  }
0xf4: {  	[spmem:s2] =	stream.indirect.scatter.add.bf16 [tilespmem:s13], [sflag:$0x4], $0x40, s11, s12, $0xb8;
	[tilespmem:$0xF580] =	vst v63  }
0xf5: {  	_ =	swait.ge [sflag:s10], $0x1800  }
0xf6: {  	[sflag:s10] =	ssyncset.done $0x0  }
0xf7: {  	s9 =	rddreg [dreg:$0x6];
	[sflag:s10] =	ssyncadd.s32 $0xFFFFE800  }
0xf8: {  	[tilespmem:s13], [sflag:$0x1] =	stream.indirect.gather [hbm4b:s4+s12], $0x40, s9, s12, $0xb8;
	[tilespmem:$0xF580] =	vst v63  }
0xf9: {  	_ =	swait.ge [sflag:s17], $0x1800  }
0xfa: {  	[sflag:s17] =	ssyncset.done $0x0  }
0xfb: {  	s9 =	rddreg [dreg:$0x7];
	[sflag:s17] =	ssyncadd.s32 $0xFFFFE800  }
0xfc: {  	[spmem:s2] =	stream.indirect.scatter.add.bf16 [tilespmem:s14], [sflag:$0x4], $0x40, s9, s12, $0xb8;
	[tilespmem:$0xF580] =	vst v63  }
0xfd: {  	_ =	swait.ge [sflag:s10], $0x1800  }
0xfe: {  	[sflag:s10] =	ssyncset.done $0x0  }
0xff: {  	s9 =	rddreg [dreg:$0x8];
	[sflag:s10] =	ssyncadd.s32 $0xFFFFE800  }
0x100: {  	[tilespmem:s14], [sflag:$0x2] =	stream.indirect.gather [hbm4b:s4+s12], $0x40, s9, s12, $0xb8;
	[tilespmem:$0xF580] =	vst v63  }
0x101: {  	_ =	swait.ge [sflag:s18], $0x1800  }
0x102: {  	[sflag:s18] =	ssyncset.done $0x0  }
0x103: {  	s9 =	rddreg [dreg:$0x9];
	[sflag:s18] =	ssyncadd.s32 $0xFFFFE800  }
0x104: {  	[spmem:s2] =	stream.indirect.scatter.add.bf16 [tilespmem:s15], [sflag:$0x4], $0x40, s9, s12, $0xb8;
	[tilespmem:$0xF580] =	vst v63  }
0x105: {  	_ =	swait.ge [sflag:s10], $0x1800  }
0x106: {  	[sflag:s10] =	ssyncset.done $0x0  }
0x107: {  	s9 =	rddreg [dreg:$0xa];
	[sflag:s10] =	ssyncadd.s32 $0xFFFFE800  }
0x108: {  	[tilespmem:s15], [sflag:$0x3] =	stream.indirect.gather [hbm4b:s4+s12], $0x40, s9, s12, $0xb8;
	[tilespmem:$0xF580] =	vst v63  }
0x109: {  	_ =	swait.ge [sflag:s16], $0x1800  }
0x10a: {  	[sflag:s16] =	ssyncset.done $0x0  }
0x10b: {  	s9 =	rddreg [dreg:$0xb];
	[sflag:s16] =	ssyncadd.s32 $0xFFFFE800  }
0x10c: {  	[spmem:s2] =	stream.indirect.scatter.add.bf16 [tilespmem:s13], [sflag:$0x4], $0x40, s9, s12, $0xb8;
	[tilespmem:$0xF580] =	vst v63  }
0x10d: {  	_ =	swait.ge [sflag:s10], $0x1800  }
0x10e: {  	[sflag:s10] =	ssyncset.done $0x0  }
0x10f: {  	s9 =	rddreg [dreg:$0xc];
	[sflag:s10] =	ssyncadd.s32 $0xFFFFE800  }
0x110: {  	[tilespmem:s13], [sflag:$0x1] =	stream.indirect.gather [hbm4b:s4+s12], $0x40, s9, s12, $0xb8;
	[tilespmem:$0xF580] =	vst v63  }
0x111: {  	_ =	swait.ge [sflag:s17], $0x1800  }
0x112: {  	[sflag:s17] =	ssyncset.done $0x0  }
0x113: {  	s9 =	rddreg [dreg:$0xd];
	[sflag:s17] =	ssyncadd.s32 $0xFFFFE800  }
0x114: {  	[spmem:s2] =	stream.indirect.scatter.add.bf16 [tilespmem:s14], [sflag:$0x4], $0x40, s9, s12, $0xb8;
	[tilespmem:$0xF580] =	vst v63  }
0x115: {  	_ =	swait.ge [sflag:s10], $0x1800  }
0x116: {  	[sflag:s10] =	ssyncset.done $0x0  }
0x117: {  	s9 =	rddreg [dreg:$0xe];
	[sflag:s10] =	ssyncadd.s32 $0xFFFFE800  }
0x118: {  	[tilespmem:s14], [sflag:$0x2] =	stream.indirect.gather [hbm4b:s4+s12], $0x40, s9, s12, $0xb8;
	[tilespmem:$0xF580] =	vst v63  }
0x119: {  	_ =	swait.ge [sflag:s18], $0x1800  }
0x11a: {  	[sflag:s18] =	ssyncset.done $0x0  }
0x11b: {  	s9 =	rddreg [dreg:$0xf];
	[sflag:s18] =	ssyncadd.s32 $0xFFFFE800  }
0x11c: {  	[spmem:s2] =	stream.indirect.scatter.add.bf16 [tilespmem:s15], [sflag:$0x4], $0x40, s9, s12, $0xb8;
	[tilespmem:$0xF580] =	vst v63  }
0x11d: {  	_ =	swait.ge [sflag:s10], $0x1800  }
0x11e: {  	[sflag:s10] =	ssyncset.done $0x0  }
0x11f: {  	s9 =	rddreg [dreg:$0x10];
	[sflag:s10] =	ssyncadd.s32 $0xFFFFE800  }
0x120: {  	[tilespmem:s15], [sflag:$0x3] =	stream.indirect.gather [hbm4b:s4+s12], $0x40, s9, s12, $0xb8;
	[tilespmem:$0xF580] =	vst v63  }
0x121: {  	_ =	swait.ge [sflag:s16], $0x1800  }
0x122: {  	[sflag:s16] =	ssyncset.done $0x0  }
0x123: {  	s9 =	rddreg [dreg:$0x11];
	[sflag:s16] =	ssyncadd.s32 $0xFFFFE800  }
0x124: {  	[spmem:s2] =	stream.indirect.scatter.add.bf16 [tilespmem:s13], [sflag:$0x4], $0x40, s9, s12, $0xb8;
	[tilespmem:$0xF580] =	vst v63  }
0x125: {  	_ =	swait.ge [sflag:s10], $0x1800  }
0x126: {  	[sflag:s10] =	ssyncset.done $0x0  }
0x127: {  	s9 =	rddreg [dreg:$0x12];
	[sflag:s10] =	ssyncadd.s32 $0xFFFFE800  }
0x128: {  	[tilespmem:s13], [sflag:$0x1] =	stream.indirect.gather [hbm4b:s4+s12], $0x40, s9, s12, $0xb8;
	[tilespmem:$0xF580] =	vst v63  }
0x129: {  	_ =	swait.ge [sflag:s17], $0x1800  }
0x12a: {  	[sflag:s17] =	ssyncset.done $0x0  }
0x12b: {  	s9 =	rddreg [dreg:$0x13];
	[sflag:s17] =	ssyncadd.s32 $0xFFFFE800  }
0x12c: {  	[spmem:s2] =	stream.indirect.scatter.add.bf16 [tilespmem:s14], [sflag:$0x4], $0x40, s9, s12, $0xb8;
	[tilespmem:$0xF580] =	vst v63  }
0x12d: {  	_ =	swait.ge [sflag:s10], $0x1800  }
0x12e: {  	[sflag:s10] =	ssyncset.done $0x0  }
0x12f: {  	s9 =	rddreg [dreg:$0x14];
	[sflag:s10] =	ssyncadd.s32 $0xFFFFE800  }
0x130: {  	[tilespmem:s14], [sflag:$0x2] =	stream.indirect.gather [hbm4b:s4+s12], $0x40, s9, s12, $0xb8;
	[tilespmem:$0xF580] =	vst v63  }
0x131: {  	_ =	swait.ge [sflag:s18], $0x1800  }
0x132: {  	[sflag:s18] =	ssyncset.done $0x0  }
0x133: {  	s9 =	rddreg [dreg:$0x15];
	[sflag:s18] =	ssyncadd.s32 $0xFFFFE800  }
0x134: {  	[spmem:s2] =	stream.indirect.scatter.add.bf16 [tilespmem:s15], [sflag:$0x4], $0x40, s9, s12, $0xb8;
	[tilespmem:$0xF580] =	vst v63  }
0x135: {  	_ =	swait.ge [sflag:s10], $0x1800  }
0x136: {  	[sflag:s10] =	ssyncset.done $0x0  }
0x137: {  	s9 =	rddreg [dreg:$0x16];
	[sflag:s10] =	ssyncadd.s32 $0xFFFFE800  }
0x138: {  	[tilespmem:s15], [sflag:$0x3] =	stream.indirect.gather [hbm4b:s4+s12], $0x40, s9, s12, $0xb8;
	[tilespmem:$0xF580] =	vst v63  }
0x139: {  	_ =	swait.ge [sflag:s16], $0x1800  }
0x13a: {  	[sflag:s16] =	ssyncset.done $0x0  }
0x13b: {  	s9 =	rddreg [dreg:$0x17];
	[sflag:s16] =	ssyncadd.s32 $0xFFFFE800  }
0x13c: {  	[spmem:s2] =	stream.indirect.scatter.add.bf16 [tilespmem:s13], [sflag:$0x4], $0x40, s9, s12, $0xb8;
	[tilespmem:$0xF580] =	vst v63  }
0x13d: {  	_ =	swait.ge [sflag:s10], $0x1800  }
0x13e: {  	[sflag:s10] =	ssyncset.done $0x0  }
0x13f: {  	s9 =	rddreg [dreg:$0x18];
	[sflag:s10] =	ssyncadd.s32 $0xFFFFE800  }
0x140: {  	[tilespmem:s13], [sflag:$0x1] =	stream.indirect.gather [hbm4b:s4+s12], $0x40, s9, s12, $0xb8;
	[tilespmem:$0xF580] =	vst v63  }
0x141: {  	_ =	swait.ge [sflag:s17], $0x1800  }
0x142: {  	[sflag:s17] =	ssyncset.done $0x0  }
0x143: {  	s9 =	rddreg [dreg:$0x19];
	[sflag:s17] =	ssyncadd.s32 $0xFFFFE800  }
0x144: {  	[spmem:s2] =	stream.indirect.scatter.add.bf16 [tilespmem:s14], [sflag:$0x4], $0x40, s9, s12, $0xb8;
	[tilespmem:$0xF580] =	vst v63  }
0x145: {  	_ =	swait.ge [sflag:s10], $0x1800  }
0x146: {  	[sflag:s10] =	ssyncset.done $0x0  }
0x147: {  	s9 =	rddreg [dreg:$0x1a];
	[sflag:s10] =	ssyncadd.s32 $0xFFFFE800  }
0x148: {  	[tilespmem:s14], [sflag:$0x2] =	stream.indirect.gather [hbm4b:s4+s12], $0x40, s9, s12, $0xb8;
	[tilespmem:$0xF580] =	vst v63  }
0x149: {  	_ =	swait.ge [sflag:s18], $0x1800  }
0x14a: {  	[sflag:s18] =	ssyncset.done $0x0  }
0x14b: {  	s9 =	rddreg [dreg:$0x1b];
	[sflag:s18] =	ssyncadd.s32 $0xFFFFE800  }
0x14c: {  	[spmem:s2] =	stream.indirect.scatter.add.bf16 [tilespmem:s15], [sflag:$0x4], $0x40, s9, s12, $0xb8;
	[tilespmem:$0xF580] =	vst v63  }
0x14d: {  	_ =	swait.ge [sflag:s10], $0x1800  }
0x14e: {  	[sflag:s10] =	ssyncset.done $0x0  }
0x14f: {  	s9 =	rddreg [dreg:$0x1c];
	[sflag:s10] =	ssyncadd.s32 $0xFFFFE800  }
0x150: {  	[tilespmem:s15], [sflag:$0x3] =	stream.indirect.gather [hbm4b:s4+s12], $0x40, s9, s12, $0xb8;
	[tilespmem:$0xF580] =	vst v63  }
0x151: {  	_ =	swait.ge [sflag:s16], $0x1800  }
0x152: {  	[sflag:s16] =	ssyncset.done $0x0  }
0x153: {  	[sflag:s16] =	ssyncadd.s32 $0xFFFFE800  }
0x154: {  	[spmem:s2] =	stream.indirect.scatter.add.bf16 [tilespmem:s13], [sflag:$0x4], $0x40, s19, s12, $0xb8;
	[tilespmem:$0xF580] =	vst v63  }
0x155: {  	_ =	swait.ge [sflag:s10], $0x1800  }
0x156: {  	[sflag:s10] =	ssyncset.done $0x0  }
0x157: {  	[sflag:s10] =	ssyncadd.s32 $0xFFFFE800  }
0x158: {  	[tilespmem:s13], [sflag:$0x1] =	stream.indirect.gather [hbm4b:s4+s12], $0x40, s20, s12, $0xb8;
	[tilespmem:$0xF580] =	vst v63  }
0x159: {  	_ =	swait.ge [sflag:s17], $0x1800  }
0x15a: {  	[sflag:s17] =	ssyncset.done $0x0  }
0x15b: {  	[sflag:s17] =	ssyncadd.s32 $0xFFFFE800  }
0x15c: {  	[spmem:s2] =	stream.indirect.scatter.add.bf16 [tilespmem:s14], [sflag:$0x4], $0x40, s21, s12, $0xb8;
	[tilespmem:$0xF580] =	vst v63  }
0x15d: {  	_ =	swait.ge [sflag:s10], $0x1800  }
0x15e: {  	[sflag:s10] =	ssyncset.done $0x0  }
0x15f: {  	[sflag:s10] =	ssyncadd.s32 $0xFFFFE800  }
0x160: {  	[tilespmem:s14], [sflag:$0x2] =	stream.indirect.gather [hbm4b:s4+s12], $0x40, s22, s12, $0xb8;
	[tilespmem:$0xF580] =	vst v63  }
0x161: {  	_ =	swait.ge [sflag:s18], $0x1800  }
0x162: {  	[sflag:s18] =	ssyncset.done $0x0  }
0x163: {  	[sflag:s18] =	ssyncadd.s32 $0xFFFFE800  }
0x164: {  	[spmem:s2] =	stream.indirect.scatter.add.bf16 [tilespmem:s15], [sflag:$0x4], $0x40, s23, s12, $0xb8;
	[tilespmem:$0xF580] =	vst v63  }
0x165: {  	_ =	swait.ge [sflag:s10], $0x1800  }
0x166: {  	[sflag:s10] =	ssyncset.done $0x0  }
0x167: {  	[sflag:s10] =	ssyncadd.s32 $0xFFFFE800  }
0x168: {  	[tilespmem:s15], [sflag:$0x3] =	stream.indirect.gather [hbm4b:s4+s12], $0x40, s24, s12, $0xb8;
	[tilespmem:$0xF580] =	vst v63  }
0x169: {  	_ =	swait.ge [sflag:s16], $0x1800  }
0x16a: {  	[sflag:s16] =	ssyncset.done $0x0  }
0x16b: {  	[sflag:s16] =	ssyncadd.s32 $0xFFFFE800  }
0x16c: {  	[spmem:s2] =	stream.indirect.scatter.add.bf16 [tilespmem:s13], [sflag:$0x4], $0x40, s25, s12, $0xb8;
	[tilespmem:$0xF580] =	vst v63  }
0x16d: {  	_ =	swait.ge [sflag:s10], $0x1800  }
0x16e: {  	[sflag:s10] =	ssyncset.done $0x0  }
0x16f: {  	[sflag:s10] =	ssyncadd.s32 $0xFFFFE800  }
0x170: {  	[tilespmem:s13], [sflag:$0x1] =	stream.indirect.gather [hbm4b:s4+s12], $0x40, s26, s12, $0xb8;
	[tilespmem:$0xF580] =	vst v63  }
0x171: {  	_ =	swait.ge [sflag:s17], $0x1800  }
0x172: {  	[sflag:s17] =	ssyncset.done $0x0  }
0x173: {  	[sflag:s17] =	ssyncadd.s32 $0xFFFFE800  }
0x174: {  	[spmem:s2] =	stream.indirect.scatter.add.bf16 [tilespmem:s14], [sflag:$0x4], $0x40, s28, s12, $0xb8;
	[tilespmem:$0xF580] =	vst v63  }
0x175: {  	_ =	swait.ge [sflag:s10], $0x1800  }
0x176: {  	[sflag:s10] =	ssyncset.done $0x0  }
0x177: {  	[sflag:s10] =	ssyncadd.s32 $0xFFFFE800  }
0x178: {  	[tilespmem:s14], [sflag:$0x2] =	stream.indirect.gather [hbm4b:s4+s12], $0x40, s29, s12, $0xb8;
	[tilespmem:$0xF580] =	vst v63  }
0x179: {  	_ =	swait.ge [sflag:s18], $0x1800  }
0x17a: {  	[sflag:s18] =	ssyncset.done $0x0  }
0x17b: {  	[sflag:s18] =	ssyncadd.s32 $0xFFFFE800  }
0x17c: {  	[spmem:s2] =	stream.indirect.scatter.add.bf16 [tilespmem:s15], [sflag:$0x4], $0x40, s30, s12, $0xb8;
	[tilespmem:$0xF580] =	vst v63  }
0x17d: {  	_ =	swait.ge [sflag:s10], $0x1800  }
0x17e: {  	[sflag:s10] =	ssyncset.done $0x0  }
0x17f: {  	[sflag:s10] =	ssyncadd.s32 $0xFFFFE800  }
0x180: {  	[tilespmem:s15], [sflag:$0x3] =	stream.indirect.gather [hbm4b:s4+s12], $0x40, s31, s12, $0xb8;
	[tilespmem:$0xF580] =	vst v63  }
0x181: {  	_ =	swait.ge [sflag:s16], $0x1800  }
0x182: {  	[sflag:s16] =	ssyncset.done $0x0  }
0x183: {  	[sflag:s16] =	ssyncadd.s32 $0xFFFFE800  }
0x184: {  	[spmem:s2] =	stream.indirect.scatter.add.bf16 [tilespmem:s13], [sflag:$0x4], $0x40, s1, s12, $0xb8;
	[tilespmem:$0xF580] =	vst v63  }
0x185: {  	_ =	swait.ge [sflag:s10], $0x1800  }
0x186: {  	[sflag:s10] =	ssyncset.done $0x0  }
0x187: {  	[sflag:s10] =	ssyncadd.s32 $0xFFFFE800  }
0x188: {  	_ =	swait.ge [sflag:s17], $0x1800  }
0x189: {  	[sflag:s17] =	ssyncset.done $0x0  }
0x18a: {  	[sflag:s17] =	ssyncadd.s32 $0xFFFFE800  }
0x18b: {  	[spmem:s2] =	stream.indirect.scatter.add.bf16 [tilespmem:s14], [sflag:$0x4], $0x40, s0, s12, $0xb8;
	[tilespmem:$0xF580] =	vst v63  }
0x18c: {  	_ =	swait.ge [sflag:s10], $0x1800  }
0x18d: {  	[sflag:s10] =	ssyncset.done $0x0  }
0x18e: {  	[sflag:s10] =	ssyncadd.s32 $0xFFFFE800  }
0x18f: {  	p0 =	sne.s32 s8, $0x3F0;
	_ =	swait.ge [sflag:s18], $0x1800  }
.Ltmp0:
0x190: {  	[sflag:s18] =	ssyncset.done $0x0;
	(pc) =	sbr.rel @p0 .LBB2_2-.Ltmp0, $4  }
0x191: {  	[sflag:s18] =	ssyncadd.s32 $0xFFFFE800  }
0x192: {  	[spmem:s2] =	stream.indirect.scatter.add.bf16 [tilespmem:s15], [sflag:$0x4], $0x40, s5, s12, $0xb8;
	[tilespmem:$0xF580] =	vst v63  }
0x193: {  	s6 =	smov.u32 s8;
	s8 =	sadd.s32 $0xFC, s8;
	_ =	swait.ge [sflag:s10], $0x1800  }
0x194: {  	s7 =	smov.u32 s6;
	s9 =	rddreg [dreg:$0x3];
	[sflag:s10] =	ssyncset.done $0x0  }
0x195: {  	[sflag:s10] =	ssyncadd.s32 $0xFFFFE800;
	s6 =	sadd.s32 s7, s9  }
0x196: {  	[tilespmem:s3], [sflag:$0x4] =	stream.linear.gather [hbm4b:s6+s3], $0x7E0, $0x38;
	[tilespmem:$0xF580] =	vst v63  }
0x197: {  	_ =	swait.ge [sflag:s10], $0x7E0  }
0x198: {  	s8 =	rddreg [dreg:$0x4];
	[sflag:s10] =	ssyncset.done $0x0  }
0x199: {  	s6 =	sadd.s32 s7, s8;
	[sflag:s10] =	ssyncadd.s32 $0xFFFFF820  }
0x19a: {  	[tilespmem:s11], [sflag:$0x4] =	stream.linear.gather [hbm4b:s6+s3], $0x7E0, $0x38;
	[tilespmem:$0xF580] =	vst v63  }
0x19b: {  	_ =	swait.ge [sflag:s10], $0x7E0  }
0x19c: {  	[sflag:s10] =	ssyncset.done $0x0  }
0x19d: {  	[sflag:s10] =	ssyncadd.s32 $0xFFFFF820  }
0x19e: {  	[tilespmem:s13], [sflag:$0x1] =	stream.indirect.gather [hbm4b:s4+s12], $0x40, s3, s12, $0xb8;
	[tilespmem:$0xF580] =	vst v63  }
0x19f: {  	_ = 	snop  }
0x1a0: {  	[tilespmem:s14], [sflag:$0x2] =	stream.indirect.gather [hbm4b:s4+s12], $0x40, s12, s12, $0xb8;
	[tilespmem:$0xF580] =	vst v63  }
0x1a1: {  	s9 =	rddreg [dreg:$0x5]  }
0x1a2: {  	[tilespmem:s15], [sflag:$0x3] =	stream.indirect.gather [hbm4b:s4+s12], $0x40, s9, s12, $0xb8;
	[tilespmem:$0xF580] =	vst v63  }
0x1a3: {  	_ =	swait.ge [sflag:s16], $0x1800  }
0x1a4: {  	[sflag:s16] =	ssyncset.done $0x0  }
0x1a5: {  	[sflag:s16] =	ssyncadd.s32 $0xFFFFE800  }
0x1a6: {  	[spmem:s2] =	stream.indirect.scatter.add.bf16 [tilespmem:s13], [sflag:$0x4], $0x40, s11, s12, $0xb8;
	[tilespmem:$0xF580] =	vst v63  }
0x1a7: {  	_ =	swait.ge [sflag:s10], $0x1800  }
0x1a8: {  	[sflag:s10] =	ssyncset.done $0x0  }
0x1a9: {  	s7 =	rddreg [dreg:$0x6];
	[sflag:s10] =	ssyncadd.s32 $0xFFFFE800  }
0x1aa: {  	[tilespmem:s13], [sflag:$0x1] =	stream.indirect.gather [hbm4b:s4+s12], $0x40, s7, s12, $0xb8;
	[tilespmem:$0xF580] =	vst v63  }
0x1ab: {  	_ =	swait.ge [sflag:s17], $0x1800  }
0x1ac: {  	[sflag:s17] =	ssyncset.done $0x0  }
0x1ad: {  	s8 =	rddreg [dreg:$0x7];
	[sflag:s17] =	ssyncadd.s32 $0xFFFFE800  }
0x1ae: {  	[spmem:s2] =	stream.indirect.scatter.add.bf16 [tilespmem:s14], [sflag:$0x4], $0x40, s8, s12, $0xb8;
	[tilespmem:$0xF580] =	vst v63  }
0x1af: {  	_ =	swait.ge [sflag:s10], $0x1800  }
0x1b0: {  	[sflag:s10] =	ssyncset.done $0x0  }
0x1b1: {  	s9 =	rddreg [dreg:$0x8];
	[sflag:s10] =	ssyncadd.s32 $0xFFFFE800  }
0x1b2: {  	[tilespmem:s14], [sflag:$0x2] =	stream.indirect.gather [hbm4b:s4+s12], $0x40, s9, s12, $0xb8;
	[tilespmem:$0xF580] =	vst v63  }
0x1b3: {  	_ =	swait.ge [sflag:s18], $0x1800  }
0x1b4: {  	[sflag:s18] =	ssyncset.done $0x0  }
0x1b5: {  	s7 =	rddreg [dreg:$0x9];
	[sflag:s18] =	ssyncadd.s32 $0xFFFFE800  }
0x1b6: {  	[spmem:s2] =	stream.indirect.scatter.add.bf16 [tilespmem:s15], [sflag:$0x4], $0x40, s7, s12, $0xb8;
	[tilespmem:$0xF580] =	vst v63  }
0x1b7: {  	_ =	swait.ge [sflag:s10], $0x1800  }
0x1b8: {  	[sflag:s10] =	ssyncset.done $0x0  }
0x1b9: {  	s8 =	rddreg [dreg:$0xa];
	[sflag:s10] =	ssyncadd.s32 $0xFFFFE800  }
0x1ba: {  	[tilespmem:s15], [sflag:$0x3] =	stream.indirect.gather [hbm4b:s4+s12], $0x40, s8, s12, $0xb8;
	[tilespmem:$0xF580] =	vst v63  }
0x1bb: {  	_ =	swait.ge [sflag:s16], $0x1800  }
0x1bc: {  	[sflag:s16] =	ssyncset.done $0x0  }
0x1bd: {  	s9 =	rddreg [dreg:$0xb];
	[sflag:s16] =	ssyncadd.s32 $0xFFFFE800  }
0x1be: {  	[spmem:s2] =	stream.indirect.scatter.add.bf16 [tilespmem:s13], [sflag:$0x4], $0x40, s9, s12, $0xb8;
	[tilespmem:$0xF580] =	vst v63  }
0x1bf: {  	_ =	swait.ge [sflag:s10], $0x1800  }
0x1c0: {  	[sflag:s10] =	ssyncset.done $0x0  }
0x1c1: {  	s7 =	rddreg [dreg:$0xc];
	[sflag:s10] =	ssyncadd.s32 $0xFFFFE800  }
0x1c2: {  	[tilespmem:s13], [sflag:$0x1] =	stream.indirect.gather [hbm4b:s4+s12], $0x40, s7, s12, $0xb8;
	[tilespmem:$0xF580] =	vst v63  }
0x1c3: {  	_ =	swait.ge [sflag:s17], $0x1800  }
0x1c4: {  	[sflag:s17] =	ssyncset.done $0x0  }
0x1c5: {  	s8 =	rddreg [dreg:$0xd];
	[sflag:s17] =	ssyncadd.s32 $0xFFFFE800  }
0x1c6: {  	[spmem:s2] =	stream.indirect.scatter.add.bf16 [tilespmem:s14], [sflag:$0x4], $0x40, s8, s12, $0xb8;
	[tilespmem:$0xF580] =	vst v63  }
0x1c7: {  	_ =	swait.ge [sflag:s10], $0x1800  }
0x1c8: {  	[sflag:s10] =	ssyncset.done $0x0  }
0x1c9: {  	s9 =	rddreg [dreg:$0xe];
	[sflag:s10] =	ssyncadd.s32 $0xFFFFE800  }
0x1ca: {  	[tilespmem:s14], [sflag:$0x2] =	stream.indirect.gather [hbm4b:s4+s12], $0x40, s9, s12, $0xb8;
	[tilespmem:$0xF580] =	vst v63  }
0x1cb: {  	_ =	swait.ge [sflag:s18], $0x1800  }
0x1cc: {  	[sflag:s18] =	ssyncset.done $0x0  }
0x1cd: {  	s7 =	rddreg [dreg:$0xf];
	[sflag:s18] =	ssyncadd.s32 $0xFFFFE800  }
0x1ce: {  	[spmem:s2] =	stream.indirect.scatter.add.bf16 [tilespmem:s15], [sflag:$0x4], $0x40, s7, s12, $0xb8;
	[tilespmem:$0xF580] =	vst v63  }
0x1cf: {  	_ =	swait.ge [sflag:s10], $0x1800  }
0x1d0: {  	[sflag:s10] =	ssyncset.done $0x0  }
0x1d1: {  	s8 =	rddreg [dreg:$0x10];
	[sflag:s10] =	ssyncadd.s32 $0xFFFFE800  }
0x1d2: {  	[tilespmem:s15], [sflag:$0x3] =	stream.indirect.gather [hbm4b:s4+s12], $0x40, s8, s12, $0xb8;
	[tilespmem:$0xF580] =	vst v63  }
0x1d3: {  	_ =	swait.ge [sflag:s16], $0x1800  }
0x1d4: {  	[sflag:s16] =	ssyncset.done $0x0  }
0x1d5: {  	s9 =	rddreg [dreg:$0x11];
	[sflag:s16] =	ssyncadd.s32 $0xFFFFE800  }
0x1d6: {  	[spmem:s2] =	stream.indirect.scatter.add.bf16 [tilespmem:s13], [sflag:$0x4], $0x40, s9, s12, $0xb8;
	[tilespmem:$0xF580] =	vst v63  }
0x1d7: {  	_ =	swait.ge [sflag:s10], $0x1800  }
0x1d8: {  	[sflag:s10] =	ssyncset.done $0x0  }
0x1d9: {  	s7 =	rddreg [dreg:$0x12];
	[sflag:s10] =	ssyncadd.s32 $0xFFFFE800  }
0x1da: {  	[tilespmem:s13], [sflag:$0x1] =	stream.indirect.gather [hbm4b:s4+s12], $0x40, s7, s12, $0xb8;
	[tilespmem:$0xF580] =	vst v63  }
0x1db: {  	_ =	swait.ge [sflag:s17], $0x1800  }
0x1dc: {  	[sflag:s17] =	ssyncset.done $0x0  }
0x1dd: {  	s8 =	rddreg [dreg:$0x13];
	[sflag:s17] =	ssyncadd.s32 $0xFFFFE800  }
0x1de: {  	[spmem:s2] =	stream.indirect.scatter.add.bf16 [tilespmem:s14], [sflag:$0x4], $0x40, s8, s12, $0xb8;
	[tilespmem:$0xF580] =	vst v63  }
0x1df: {  	_ =	swait.ge [sflag:s10], $0x1800  }
0x1e0: {  	[sflag:s10] =	ssyncset.done $0x0  }
0x1e1: {  	s9 =	rddreg [dreg:$0x14];
	[sflag:s10] =	ssyncadd.s32 $0xFFFFE800  }
0x1e2: {  	[tilespmem:s14], [sflag:$0x2] =	stream.indirect.gather [hbm4b:s4+s12], $0x40, s9, s12, $0xb8;
	[tilespmem:$0xF580] =	vst v63  }
0x1e3: {  	_ =	swait.ge [sflag:s18], $0x1800  }
0x1e4: {  	[sflag:s18] =	ssyncset.done $0x0  }
0x1e5: {  	s7 =	rddreg [dreg:$0x15];
	[sflag:s18] =	ssyncadd.s32 $0xFFFFE800  }
0x1e6: {  	[spmem:s2] =	stream.indirect.scatter.add.bf16 [tilespmem:s15], [sflag:$0x4], $0x40, s7, s12, $0xb8;
	[tilespmem:$0xF580] =	vst v63  }
0x1e7: {  	_ =	swait.ge [sflag:s10], $0x1800  }
0x1e8: {  	[sflag:s10] =	ssyncset.done $0x0  }
0x1e9: {  	s8 =	rddreg [dreg:$0x16];
	[sflag:s10] =	ssyncadd.s32 $0xFFFFE800  }
0x1ea: {  	[tilespmem:s15], [sflag:$0x3] =	stream.indirect.gather [hbm4b:s4+s12], $0x40, s8, s12, $0xb8;
	[tilespmem:$0xF580] =	vst v63  }
0x1eb: {  	_ =	swait.ge [sflag:s16], $0x1800  }
0x1ec: {  	[sflag:s16] =	ssyncset.done $0x0  }
0x1ed: {  	s9 =	rddreg [dreg:$0x17];
	[sflag:s16] =	ssyncadd.s32 $0xFFFFE800  }
0x1ee: {  	[spmem:s2] =	stream.indirect.scatter.add.bf16 [tilespmem:s13], [sflag:$0x4], $0x40, s9, s12, $0xb8;
	[tilespmem:$0xF580] =	vst v63  }
0x1ef: {  	_ =	swait.ge [sflag:s10], $0x1800  }
0x1f0: {  	[sflag:s10] =	ssyncset.done $0x0  }
0x1f1: {  	s7 =	rddreg [dreg:$0x18];
	[sflag:s10] =	ssyncadd.s32 $0xFFFFE800  }
0x1f2: {  	[tilespmem:s13], [sflag:$0x1] =	stream.indirect.gather [hbm4b:s4+s12], $0x40, s7, s12, $0xb8;
	[tilespmem:$0xF580] =	vst v63  }
0x1f3: {  	_ =	swait.ge [sflag:s17], $0x1800  }
0x1f4: {  	[sflag:s17] =	ssyncset.done $0x0  }
0x1f5: {  	s8 =	rddreg [dreg:$0x19];
	[sflag:s17] =	ssyncadd.s32 $0xFFFFE800  }
0x1f6: {  	[spmem:s2] =	stream.indirect.scatter.add.bf16 [tilespmem:s14], [sflag:$0x4], $0x40, s8, s12, $0xb8;
	[tilespmem:$0xF580] =	vst v63  }
0x1f7: {  	_ =	swait.ge [sflag:s10], $0x1800  }
0x1f8: {  	[sflag:s10] =	ssyncset.done $0x0  }
0x1f9: {  	s9 =	rddreg [dreg:$0x1a];
	[sflag:s10] =	ssyncadd.s32 $0xFFFFE800  }
0x1fa: {  	[tilespmem:s14], [sflag:$0x2] =	stream.indirect.gather [hbm4b:s4+s12], $0x40, s9, s12, $0xb8;
	[tilespmem:$0xF580] =	vst v63  }
0x1fb: {  	_ =	swait.ge [sflag:s18], $0x1800  }
0x1fc: {  	[sflag:s18] =	ssyncset.done $0x0  }
0x1fd: {  	s7 =	rddreg [dreg:$0x1b];
	[sflag:s18] =	ssyncadd.s32 $0xFFFFE800  }
0x1fe: {  	[spmem:s2] =	stream.indirect.scatter.add.bf16 [tilespmem:s15], [sflag:$0x4], $0x40, s7, s12, $0xb8;
	[tilespmem:$0xF580] =	vst v63  }
0x1ff: {  	_ =	swait.ge [sflag:s10], $0x1800  }
0x200: {  	[sflag:s10] =	ssyncset.done $0x0  }
0x201: {  	s8 =	rddreg [dreg:$0x1c];
	[sflag:s10] =	ssyncadd.s32 $0xFFFFE800  }
0x202: {  	[tilespmem:s15], [sflag:$0x3] =	stream.indirect.gather [hbm4b:s4+s12], $0x40, s8, s12, $0xb8;
	[tilespmem:$0xF580] =	vst v63  }
0x203: {  	_ =	swait.ge [sflag:s16], $0x1800  }
0x204: {  	[sflag:s16] =	ssyncset.done $0x0  }
0x205: {  	[sflag:s16] =	ssyncadd.s32 $0xFFFFE800  }
0x206: {  	[spmem:s2] =	stream.indirect.scatter.add.bf16 [tilespmem:s13], [sflag:$0x4], $0x40, s19, s12, $0xb8;
	[tilespmem:$0xF580] =	vst v63  }
0x207: {  	_ =	swait.ge [sflag:s10], $0x1800  }
0x208: {  	[sflag:s10] =	ssyncset.done $0x0  }
0x209: {  	[sflag:s10] =	ssyncadd.s32 $0xFFFFE800  }
0x20a: {  	[tilespmem:s13], [sflag:$0x1] =	stream.indirect.gather [hbm4b:s4+s12], $0x40, s20, s12, $0xb8;
	[tilespmem:$0xF580] =	vst v63  }
0x20b: {  	_ =	swait.ge [sflag:s17], $0x1800  }
0x20c: {  	[sflag:s17] =	ssyncset.done $0x0  }
0x20d: {  	[sflag:s17] =	ssyncadd.s32 $0xFFFFE800  }
0x20e: {  	[spmem:s2] =	stream.indirect.scatter.add.bf16 [tilespmem:s14], [sflag:$0x4], $0x40, s21, s12, $0xb8;
	[tilespmem:$0xF580] =	vst v63  }
0x20f: {  	_ =	swait.ge [sflag:s10], $0x1800  }
0x210: {  	[sflag:s10] =	ssyncset.done $0x0  }
0x211: {  	[sflag:s10] =	ssyncadd.s32 $0xFFFFE800  }
0x212: {  	[tilespmem:s14], [sflag:$0x2] =	stream.indirect.gather [hbm4b:s4+s12], $0x40, s22, s12, $0xb8;
	[tilespmem:$0xF580] =	vst v63  }
0x213: {  	_ =	swait.ge [sflag:s18], $0x1800  }
0x214: {  	[sflag:s18] =	ssyncset.done $0x0  }
0x215: {  	[sflag:s18] =	ssyncadd.s32 $0xFFFFE800  }
0x216: {  	[spmem:s2] =	stream.indirect.scatter.add.bf16 [tilespmem:s15], [sflag:$0x4], $0x40, s23, s12, $0xb8;
	[tilespmem:$0xF580] =	vst v63  }
0x217: {  	_ =	swait.ge [sflag:s10], $0x1800  }
0x218: {  	[sflag:s10] =	ssyncset.done $0x0  }
0x219: {  	[sflag:s10] =	ssyncadd.s32 $0xFFFFE800  }
0x21a: {  	[tilespmem:s15], [sflag:$0x3] =	stream.indirect.gather [hbm4b:s4+s12], $0x40, s24, s12, $0xb8;
	[tilespmem:$0xF580] =	vst v63  }
0x21b: {  	_ =	swait.ge [sflag:s16], $0x1800  }
0x21c: {  	[sflag:s16] =	ssyncset.done $0x0  }
0x21d: {  	[sflag:s16] =	ssyncadd.s32 $0xFFFFE800  }
0x21e: {  	[spmem:s2] =	stream.indirect.scatter.add.bf16 [tilespmem:s13], [sflag:$0x4], $0x40, s25, s12, $0xb8;
	[tilespmem:$0xF580] =	vst v63  }
0x21f: {  	_ =	swait.ge [sflag:s10], $0x1800  }
0x220: {  	[sflag:s10] =	ssyncset.done $0x0  }
0x221: {  	[sflag:s10] =	ssyncadd.s32 $0xFFFFE800  }
0x222: {  	[tilespmem:s13], [sflag:$0x1] =	stream.indirect.gather [hbm4b:s4+s12], $0x40, s26, s12, $0xb8;
	[tilespmem:$0xF580] =	vst v63  }
0x223: {  	_ =	swait.ge [sflag:s17], $0x1800  }
0x224: {  	[sflag:s17] =	ssyncset.done $0x0  }
0x225: {  	[sflag:s17] =	ssyncadd.s32 $0xFFFFE800  }
0x226: {  	[spmem:s2] =	stream.indirect.scatter.add.bf16 [tilespmem:s14], [sflag:$0x4], $0x40, s28, s12, $0xb8;
	[tilespmem:$0xF580] =	vst v63  }
0x227: {  	_ =	swait.ge [sflag:s10], $0x1800  }
0x228: {  	[sflag:s10] =	ssyncset.done $0x0  }
0x229: {  	[sflag:s10] =	ssyncadd.s32 $0xFFFFE800  }
0x22a: {  	[tilespmem:s14], [sflag:$0x2] =	stream.indirect.gather [hbm4b:s4+s12], $0x40, s29, s12, $0xb8;
	[tilespmem:$0xF580] =	vst v63  }
0x22b: {  	_ =	swait.ge [sflag:s18], $0x1800  }
0x22c: {  	[sflag:s18] =	ssyncset.done $0x0  }
0x22d: {  	[sflag:s18] =	ssyncadd.s32 $0xFFFFE800  }
0x22e: {  	[spmem:s2] =	stream.indirect.scatter.add.bf16 [tilespmem:s15], [sflag:$0x4], $0x40, s30, s12, $0xb8;
	[tilespmem:$0xF580] =	vst v63  }
0x22f: {  	_ =	swait.ge [sflag:s10], $0x1800  }
0x230: {  	[sflag:s10] =	ssyncset.done $0x0  }
0x231: {  	[sflag:s10] =	ssyncadd.s32 $0xFFFFE800  }
0x232: {  	[tilespmem:s15], [sflag:$0x3] =	stream.indirect.gather [hbm4b:s4+s12], $0x40, s31, s12, $0xb8;
	[tilespmem:$0xF580] =	vst v63  }
0x233: {  	_ =	swait.ge [sflag:s16], $0x1800  }
0x234: {  	[sflag:s16] =	ssyncset.done $0x0  }
0x235: {  	[sflag:s16] =	ssyncadd.s32 $0xFFFFE800  }
0x236: {  	[spmem:s2] =	stream.indirect.scatter.add.bf16 [tilespmem:s13], [sflag:$0x4], $0x40, s1, s12, $0xb8;
	[tilespmem:$0xF580] =	vst v63  }
0x237: {  	_ =	swait.ge [sflag:s10], $0x1800  }
0x238: {  	[sflag:s10] =	ssyncset.done $0x0  }
0x239: {  	[sflag:s10] =	ssyncadd.s32 $0xFFFFE800  }
0x23a: {  	_ =	swait.ge [sflag:s17], $0x1800  }
0x23b: {  	[sflag:s17] =	ssyncset.done $0x0  }
0x23c: {  	[sflag:s17] =	ssyncadd.s32 $0xFFFFE800  }
0x23d: {  	[spmem:s2] =	stream.indirect.scatter.add.bf16 [tilespmem:s14], [sflag:$0x4], $0x40, s0, s12, $0xb8;
	[tilespmem:$0xF580] =	vst v63  }
0x23e: {  	_ =	swait.ge [sflag:s10], $0x1800  }
0x23f: {  	[sflag:s10] =	ssyncset.done $0x0  }
0x240: {  	[sflag:s10] =	ssyncadd.s32 $0xFFFFE800  }
0x241: {  	_ =	swait.ge [sflag:s18], $0x1800  }
0x242: {  	[sflag:s18] =	ssyncset.done $0x0  }
0x243: {  	[sflag:s18] =	ssyncadd.s32 $0xFFFFE800  }
0x244: {  	[spmem:s2] =	stream.indirect.scatter.add.bf16 [tilespmem:s15], [sflag:$0x4], $0x40, s5, s12, $0xb8;
	[tilespmem:$0xF580] =	vst v63  }
0x245: {  	_ =	swait.ge [sflag:s10], $0x1800  }
0x246: {  	[sflag:s10] =	ssyncset.done $0x0  }
0x247: {  	[sflag:s10] =	ssyncadd.s32 $0xFFFFE800  }
0x248: {  	_ =	strace $0x8000004C  }
0x249: {  	[bflag:$0x0] =	sbarrier.arrive $0xFFFF  }
0x24a: {  	s7 =	sld [smem:$0x7FC]  }
0x24b: {  	s8 =	sld [smem:$0x7FD];
	_ =	sdelay $0x1  }
0x24c: {  	s9 =	rddreg [dreg:$0x1e]  }
0x24d: {  	[hbm:s9], [sflag:s7] =	dma.local [spmem:s8], $0x13B8  }
0x24e: {  	_ =	swait.ge [sflag:s10], $0x13B8  }
0x24f: {  	s6 =	sld [smem:$0x7FB];
	_ =	sdelay $0x2  }
0x250: {  	s9 =	sadd.s32 $0x1, s6;
	s6 =	rddreg [dreg:$0x1f]  }
0x251: {  	p0 =	sne.s32 s9, s6  }
.Ltmp1:
0x252: {  	_ = 	snop;
	(pc) =	sbr.rel @p0 .LBB2_1-.Ltmp1, $4  }
0x253: {  	_ = 	snop  }
0x254: {  	[sflag:s10] =	ssyncset.done $0x0  }
0x255: {  	[sflag:s10] =	ssyncadd.s32 $0xFFFFEC48  }
0x256: {  	_ =	strace $0x9000004C  }
0x257: {  	_ =	sfence.sel $0x180000  }
0x258: {  	[bflag:$0x0] =	sbarrier.arrive $0xFFFF  }
0x259: {  	_ =	strace $0x9000004A  }
0x25a: {  	s0 =	stileid.u32;
	[bflag:$0x2] =	sbarrier.arrive $0xFFFF  }
0x25b: {  	p0 =	sne.s32 s0, $0x0;
	s0 =	rddreg [dreg:$0x2]  }
0x25c: {  	s0 =	sadd.s32 @!p0 $0x100000, s0  }
0x25d: {  	[sflag:s0] =	ssyncadd.tile.s32 @!p0 $0x1;
	_ =	shalt  }
.Lfunc_end2:
_tile_overlayer_lowered:
.L_overlay_start_2:
0x25e: {  	(tag) =	ssettag $0x2  }
0x25f: {  	s0 =	rddreg [dreg:$0x0];
	s2 =	stileid.u32  }
0x260: {  	s1 =	rddreg [dreg:$0x1];
	p0 =	sne.s32 s2, $0x0  }
0x261: {  	s3 =	rddreg [dreg:$0x2];
	[bflag:$0x3] =	sbarrier.arrive $0xFFFF;
	s2 =	simm.s32 @!p0 $0x1C04  }
0x262: {  	[timem:s3], [sflag:s2] =	dma.local @!p0 [hbm:s0], s1  }
0x263: {  	s0 =	simm.s32 @!p0 $0x4  }
0x264: {  	_ =	swait.ge @!p0 [sflag:s0], s1  }
0x265: {  	s1 =	ssub.s32 @!p0 $0x0, s1;
	[sflag:s0] =	ssyncset.done @!p0 $0x0  }
0x266: {  	[sflag:s0] =	ssyncadd.s32 @!p0 s1  }
0x267: {  	[bflag:$0x3] =	sbarrier.arrive $0xFFFF  }
0x268: {  	_ =	shalt  }

// kernel: sc_aggregate_d16.3.cloned.1.call-start
scs
__scs_entry_jumppad:
0x0: {  	(pc) =	sbr.rel $0x88, $3  }
0x1: {  	(tag) =	ssettag $0x0;
	lr =	simm.s32 $0x1  }
0x2: {  	[smem:$0x3F9B] =	sst lr;
	_ =	strace $0xD0000000  }
0x3: {  	_ = 	snop  }
0x4: {  	_ = 	snop  }
0x5: {  	_ = 	snop  }
0x6: {  	_ = 	snop  }
0x7: {  	_ = 	snop  }
__scs_overlays_trampoline_lowered:
0x8: {  	[smem:$0x3FAA] =	sst s0  }
0x9: {  	[smem:$0x3FAB] =	sst s1  }
0xa: {  	[smem:$0x3FAC] =	sst s2  }
0xb: {  	[smem:$0x3FAD] =	sst s3  }
0xc: {  	[smem:$0x3FAE] =	sst s4  }
0xd: {  	[smem:$0x3FAF] =	sst s5  }
0xe: {  	[smem:$0x3FB0] =	sst s6  }
0xf: {  	[smem:$0x3FB1] =	sst s7  }
0x10: {  	[smem:$0x3FB2] =	sst s8  }
0x11: {  	[smem:$0x3FB3] =	sst s9;
	s0 =	simm.s32 @!p0 $0x0  }
0x12: {  	s1 =	sld [smem:$0x3F99];
	s0 =	simm.s32 @p0 $0x1  }
0x13: {  	[smem:$0x3FB4] =	sst s0;
	s0 =	simm.s32 @!p1 $0x0  }
0x14: {  	s2 =	sld [smem:$0x3F98];
	s0 =	simm.s32 @p1 $0x1  }
0x15: {  	[smem:$0x3FB5] =	sst s0;
	s0 =	simm.s32 @!p2 $0x0  }
0x16: {  	s3 =	sld [smem:$0x3FDB];
	s0 =	simm.s32 @p2 $0x1  }
0x17: {  	s4 =	simm.s32 $0x1BF5;
	[smem:$0x3FB7] =	sst s0  }
0x18: {  	s0 =	sld [smem:$0x3F9A];
	_ =	swait.ge [sflag:s4], $0x0  }
0x19: {  	s7 =	sld [smem:$0x3F9B]  }
0x1a: {  	s8 =	sadd.s32 $0xFFFFE003, lr  }
0x1b: {  	s9 =	sadd.s32 $0xFFFFFEF7, lr;
	s5 =	simm.s32 $0xFFFFFFFF;
	p2 =	slt.u32 s8, $0xFFFFF086  }
0x1c: {  	p1 =	slt.u32 s9, $0xF7A;
	s5 =	simm.s32 @!p2 $0x0  }
0x1d: {  	s5 =	simm.s32 @p1 $0x1;
	p0 =	seq.s32 s7, s2  }
0x1e: {  	s7 =	smul.u32 @!p0 $0xF7A, s2;
	p2 =	seq.s32 @!p0 s5, $0x0  }
0x1f: {  	s9 =	smul.u32 $0xF7A, s1;
	s8 =	simm.s32 @!p0 $0x1BF5;
	p2 =	por !p2, p0  }
0x20: {  	[sflag:s8] =	ssyncset.s32 @!p0 $0xFFFFF086;
	s6 =	sadd.s32 @!p0 s3, s7;
	s7 =	simm.s32 @!p0 $0x108  }
0x21: {  	s3 =	sadd.s32 s3, s9;
	s6 =	sadd.s32 @!p0 $0x88, s6;
	s7 =	simm.s32 @p2 $0x1082  }
0x22: {  	[simem:s7], [sflag:s8] =	dma.local @!p0 [hbm:s6], $0xF7A  }
0x23: {  	s9 =	sor.u32 $0xD0000000, s2;
	s6 =	simm.s32 $0x108;
	_ =	swait.ge @!p0 [sflag:s8], $0x0  }
0x24: {  	s3 =	sadd.s32 $0x88, s3;
	s6 =	simm.s32 @!p1 $0x1082;
	[sflag:s4] =	ssyncset.s32 $0xFFFFF086  }
0x25: {  	[simem:s6], [sflag:s4] =	dma.local [hbm:s3], $0xF7A  }
0x26: {  	[smem:$0x3F9B] =	sst s1;
	(tag) =	ssettag s2;
	_ =	strace s9  }
0x27: {  	s1 =	sld [smem:$0x3FAB]  }
0x28: {  	s2 =	sld [smem:$0x3FAC]  }
0x29: {  	s4 =	sld [smem:$0x3FAE]  }
0x2a: {  	p0 =	seq.s32 s5, $0x0;
	s5 =	sld [smem:$0x3FAF]  }
0x2b: {  	s6 =	sld [smem:$0x3FB0]  }
0x2c: {  	s7 =	sld [smem:$0x3FB1]  }
0x2d: {  	s3 =	simm.s32 $0x108;
	s8 =	sld [smem:$0x3FB2]  }
0x2e: {  	s3 =	simm.s32 @!p0 $0x1082;
	s9 =	sld [smem:$0x3FB3]  }
0x2f: {  	lr =	sadd.s32 s0, s3;
	s0 =	sld [smem:$0x3FAA]  }
0x30: {  	s3 =	sld [smem:$0x3FAD]  }
0x31: {  	[smem:$0x3FB6] =	sst s10  }
0x32: {  	s10 =	sld [smem:$0x3FB4];
	_ =	sdelay $0x3  }
0x33: {  	p0 =	seq.s32 s10, $0x1;
	s10 =	sld [smem:$0x3FB6];
	_ =	sdelay $0x3  }
0x34: {  	[smem:$0x3FB6] =	sst s10  }
0x35: {  	s10 =	sld [smem:$0x3FB5];
	_ =	sdelay $0x3  }
0x36: {  	p1 =	seq.s32 s10, $0x1;
	s10 =	sld [smem:$0x3FB6];
	_ =	sdelay $0x3  }
0x37: {  	[smem:$0x3FB6] =	sst s10  }
0x38: {  	s10 =	sld [smem:$0x3FB7]  }
0x39: {  	_ = 	snop;
	(pc) =	sbr.ind lr, $3  }
0x3a: {  	_ = 	snop  }
0x3b: {  	_ = 	snop  }
0x3c: {  	p2 =	seq.s32 s10, $0x1;
	s10 =	sld [smem:$0x3FB6]  }
0x3d: {  	_ =	shalt  }
0x3e: {  	_ =	shalt  }
0x3f: {  	_ =	shalt  }
0x40: {  	_ =	shalt  }
0x41: {  	_ =	shalt  }
0x42: {  	_ =	shalt  }
0x43: {  	_ =	shalt  }
0x44: {  	_ =	shalt  }
0x45: {  	_ =	shalt  }
0x46: {  	_ =	shalt  }
0x47: {  	_ =	shalt  }
0x48: {  	_ =	shalt  }
0x49: {  	_ =	shalt  }
0x4a: {  	_ =	shalt  }
0x4b: {  	_ =	shalt  }
0x4c: {  	_ =	shalt  }
0x4d: {  	_ =	shalt  }
0x4e: {  	_ =	shalt  }
0x4f: {  	_ =	shalt  }
0x50: {  	_ =	shalt  }
0x51: {  	_ =	shalt  }
0x52: {  	_ =	shalt  }
0x53: {  	_ =	shalt  }
0x54: {  	_ =	shalt  }
0x55: {  	_ =	shalt  }
0x56: {  	_ =	shalt  }
0x57: {  	_ =	shalt  }
0x58: {  	_ =	shalt  }
0x59: {  	_ =	shalt  }
0x5a: {  	_ =	shalt  }
0x5b: {  	_ =	shalt  }
0x5c: {  	_ =	shalt  }
0x5d: {  	_ =	shalt  }
0x5e: {  	_ =	shalt  }
0x5f: {  	_ =	shalt  }
0x60: {  	_ =	shalt  }
0x61: {  	_ =	shalt  }
0x62: {  	_ =	shalt  }
0x63: {  	_ =	shalt  }
0x64: {  	_ =	shalt  }
0x65: {  	_ =	shalt  }
0x66: {  	_ =	shalt  }
0x67: {  	_ =	shalt  }
0x68: {  	_ =	shalt  }
0x69: {  	_ =	shalt  }
0x6a: {  	_ =	shalt  }
0x6b: {  	_ =	shalt  }
0x6c: {  	_ =	shalt  }
0x6d: {  	_ =	shalt  }
0x6e: {  	_ =	shalt  }
0x6f: {  	_ =	shalt  }
0x70: {  	_ =	shalt  }
0x71: {  	_ =	shalt  }
0x72: {  	_ =	shalt  }
0x73: {  	_ =	shalt  }
0x74: {  	_ =	shalt  }
0x75: {  	_ =	shalt  }
0x76: {  	_ =	shalt  }
0x77: {  	_ =	shalt  }
0x78: {  	_ =	shalt  }
0x79: {  	_ =	shalt  }
0x7a: {  	_ =	shalt  }
0x7b: {  	_ =	shalt  }
0x7c: {  	_ =	shalt  }
0x7d: {  	_ =	shalt  }
0x7e: {  	_ =	shalt  }
0x7f: {  	_ =	shalt  }
0x80: {  	_ =	shalt  }
0x81: {  	_ =	shalt  }
0x82: {  	_ =	shalt  }
0x83: {  	_ =	shalt  }
0x84: {  	_ =	shalt  }
0x85: {  	_ =	shalt  }
0x86: {  	_ =	shalt  }
0x87: {  	_ =	shalt  }
.Lfunc_end0:
.L_simem_size_0:
called_computation.2_lowered:
.L_overlay_start_0:
0x88: {  	s2 =	sld [smem:$0x3FD9]  }
0x89: {  	s3 =	sld [smem:$0x3FFE];
	_ =	sdelay $0x1  }
0x8a: {  	s1 =	srdreg.scid  }
0x8b: {  	s0 =	sand.u32 $0x1, s1  }
0x8c: {  	s17 =	sshll.u32 s0, $0xA;
	s2 =	sadd.s32 s3, s2  }
0x8d: {  	s2 =	sadd.s32 s2, s17  }
0x8e: {  	[smem:$0x3FC2] =	sst s2  }
0x8f: {  	_ = 	snop  }
0x90: {  	s2 =	sld [smem:$0x3FD0];
	(tm) =	ssettm $0x1  }
0x91: {  	s18 =	sld [smem:$0x3FFB];
	_ =	sdelay $0x3  }
0x92: {  	_ =	strace s18  }
0x93: {  	s3 =	sld [smem:$0x3FFC];
	_ =	sdelay $0x3  }
0x94: {  	_ =	strace s3  }
0x95: {  	s3 =	sld [smem:$0x3FFD];
	_ =	sdelay $0x3  }
0x96: {  	_ =	strace s3  }
0x97: {  	_ =	strace $0x8FFFFFFF  }
0x98: {  	s19 =	sld [smem:$0x3FDB];
	_ =	sdelay $0x1  }
0x99: {  	s4 =	simm.s32 $_scs_section_size  }
0x9a: {  	s5 =	simm.s32 $_size__tile_overlayer_lowered;
	s6 =	simm.s32 $_tile_overlayer_lowered  }
0x9b: {  	s22 =	simm.s32 $0x1BFF;
	s21 =	sshll.u32 s6, $0x1;
	s3 =	sadd.s32 s4, s19  }
0x9c: {  	s7 =	simm.s32 $0x0;
	s20 =	sshll.u32 s5, $0x1;
	s5 =	sadd.s32 s21, s3  }
0x9d: {  	[timem:s7], [sflag:s22] =	dma.local [hbm:s5], s20  }
0x9e: {  	_ =	swait.ge [sflag:s22], s20  }
0x9f: {  	s4 =	ssub.s32 $0x0, s20;
	[sflag:s22] =	ssyncset.done $0x0  }
0xa0: {  	[sflag:s22] =	ssyncadd.s32 s4;
	_ =	sdelay $0x1  }
0xa1: {  	s23 =	simm.s32 $0x1B8B  }
0xa2: {  	_ =	swait.ge [sflag:s23], $0x1  }
0xa3: {  	[sflag:s23] =	ssyncset.done $0x0  }
0xa4: {  	s25 =	simm.s32 $0x1B8E;
	s24 =	sld [smem:$0x3FFE];
	[sflag:s23] =	ssyncadd.s32 $0xFFFFFFFF  }
0xa5: {  	s26 =	simm.s32 $execute0_lowered;
	[smem:$0x3FD2] =	sst s25  }
0xa6: {  	s5 =	sshll.u32 s26, $0x1;
	_ =	strace $0x8000004E;
	[dreg:$0x1] =	wrdreg $0xFFFFFFFF  }
0xa7: {  	s28 =	simm.s32 $_size_execute0_lowered;
	s3 =	sadd.s32 s3, s5;
	[dreg:$0x0] =	wrdreg $0x0  }
0xa8: {  	s5 =	sshll.u32 s28, $0x1;
	[dreg:$0x2] =	wrdreg s3  }
0xa9: {  	[dreg:$0x3] =	wrdreg s5  }
0xaa: {  	[dreg:$0x4] =	wrdreg $0xC0  }
0xab: {  	_ =	task [dreg:s7], $0x5FFFF  }
0xac: {  	[dreg:$0x1] =	wrdreg $0xFFFFFFFF  }
0xad: {  	[dreg:$0x0] =	wrdreg $0x60  }
0xae: {  	[dreg:$0x2] =	wrdreg s24  }
0xaf: {  	[dreg:$0x3] =	wrdreg s2  }
0xb0: {  	[dreg:$0x4] =	wrdreg $0x21C00  }
0xb1: {  	[dreg:$0x5] =	wrdreg $0x9  }
0xb2: {  	_ =	task.clear_ibuf [dreg:s7], $0x6FFFF;
	_ =	strace $0x9000004E  }
0xb3: {  	s29 =	simm.s32 $0x9;
	_ =	strace $0x80000052  }
0xb4: {  	_ =	swait.ge [sflag:s29], $0x1  }
0xb5: {  	[sflag:s29] =	ssyncadd.s32 $0xFFFFFFFF  }
0xb6: {  	_ =	strace $0x90000052  }
0xb7: {  	_ =	sfence  }
0xb8: {  	s30 =	sld [smem:$0x0];
	_ =	sdelay $0x2  }
0xb9: {  	s31 =	sshll.u32 s1, $0xD;
	s1 =	sshrl.u32 s1, $0x2  }
0xba: {  	s3 =	sand.u32 $0x4000, s31;
	s1 =	sadd.s32 s1, s30  }
0xbb: {  	s0 =	sor.u32 s3, s0;
	s1 =	sshll.u32 s1, $0x11  }
0xbc: {  	s0 =	sor.u32 s1, s0  }
0xbd: {  	s0 =	sadd.s32 $0x8F2B, s0  }
0xbe: {  	[sflag:s0] =	ssyncadd.remote.s32 $0x1  }
0xbf: {  	_ =	sfence.sel $0xFFFF  }
0xc0: {  	[dreg:$0x0] =	wrdreg $0xFFFFFFFF;
	(pc) =	sbr.abs _section_cstart, $3  }
0xc1: {  	[dreg:$0x1] =	wrdreg $0xFFFFFFFF  }
0xc2: {  	_ =	task.clear_ibuf [dreg:s7], $0x2FFFF;
	_ =	strace $0x9FFFFFFF  }
0xc3: {  	(tm) =	ssettm $0x7FFFFFFF  }
tec
execute0_lowered:
.L_overlay_start_1:
0x0: {  	(tag) =	ssettag $0x1  }
0x1: {  	s0 =	rddreg [dreg:$0x0]  }
0x2: {  	s1 =	srdreg.scid;
	s3 =	rddreg [dreg:$0x2];
	s4 =	simm.s32 $0x0  }
0x3: {  	s8 =	stileid.u32;
	s17 =	simm.s32 $0xC0;
	[smem:$0x7FF] =	sst s4  }
0x4: {  	s18 =	simm.s32 $0x120;
	_ =	strace $0x8000004F;
	[dreg:$0x6] =	wrdreg s17  }
0x5: {  	s19 =	simm.s32 $0x840;
	s20 =	simm.s32 $0x180;
	[dreg:$0x7] =	wrdreg s18  }
0x6: {  	s21 =	simm.s32 $0x8A0;
	s22 =	simm.s32 $0x1E0;
	[dreg:$0x8] =	wrdreg s19  }
0x7: {  	s24 =	simm.s32 $0x900;
	s26 =	simm.s32 $0x240;
	[dreg:$0x9] =	wrdreg s20  }
0x8: {  	s9 =	simm.s32 $0x960;
	s11 =	simm.s32 $0x2A0;
	[dreg:$0xa] =	wrdreg s21  }
0x9: {  	s12 =	simm.s32 $0x9C0;
	s13 =	simm.s32 $0x300;
	[dreg:$0xb] =	wrdreg s22  }
0xa: {  	s14 =	simm.s32 $0xA20;
	s16 =	simm.s32 $0x360;
	[dreg:$0xc] =	wrdreg s24  }
0xb: {  	s28 =	simm.s32 $0xDE0;
	s29 =	simm.s32 $0x720;
	[dreg:$0xd] =	wrdreg s26  }
0xc: {  	s30 =	simm.s32 $0xE40;
	s5 =	smul.u32 $0x4EC, s8;
	[dreg:$0xe] =	wrdreg s9  }
0xd: {  	s31 =	simm.s32 $0x780;
	s6 =	smul.u32 $0x4EE, s8;
	[dreg:$0xf] =	wrdreg s11  }
0xe: {  	s1 =	sand.u32 $0x1, s1;
	s25 =	smul.u32 $0x9DC0, s8;
	[dreg:$0x10] =	wrdreg s12  }
0xf: {  	s15 =	sshll.u32 s8, $0x6;
	s2 =	smul.u32 $0x4EC0, s1;
	[dreg:$0x11] =	wrdreg s13  }
0x10: {  	s7 =	smul.u32 $0x4EE0, s1;
	s1 =	ssub.s32 $0x2, s1;
	[dreg:$0x12] =	wrdreg s14  }
0x11: {  	[dreg:$0x13] =	wrdreg s16;
	s17 =	simm.s32 $0xA80;
	s18 =	simm.s32 $0x3C0  }
0x12: {  	s19 =	simm.s32 $0xAE0;
	s11 =	simm.s32 $0x7E0;
	[dreg:$0x14] =	wrdreg s17  }
0x13: {  	s20 =	simm.s32 $0x420;
	s12 =	simm.s32 $0x60;
	[dreg:$0x15] =	wrdreg s18  }
0x14: {  	s21 =	simm.s32 $0xB40;
	s13 =	simm.s32 $0xFC0;
	[dreg:$0x16] =	wrdreg s19  }
0x15: {  	s22 =	simm.s32 $0x480;
	s14 =	simm.s32 $0x15C0;
	[dreg:$0x17] =	wrdreg s20  }
0x16: {  	s24 =	simm.s32 $0x4E0;
	s16 =	simm.s32 $0x1;
	[dreg:$0x18] =	wrdreg s21  }
0x17: {  	s26 =	simm.s32 $0x540;
	s9 =	simm.s32 $0x0;
	[dreg:$0x19] =	wrdreg s22  }
0x18: {  	s23 =	sshrl.u32 s1, $0x1;
	s10 =	sshrl.u32 s25, $0x2;
	[dreg:$0x1b] =	wrdreg s24  }
0x19: {  	s25 =	simm.s32 $0xC00;
	s17 =	simm.s32 $0x2;
	s18 =	simm.s32 $0x3  }
0x1a: {  	[dreg:$0x1d] =	wrdreg s26;
	s19 =	simm.s32 $0xC60;
	s20 =	simm.s32 $0x5A0  }
0x1b: {  	s21 =	simm.s32 $0xCC0;
	s22 =	simm.s32 $0x600;
	s24 =	simm.s32 $0x660  }
0x1c: {  	s26 =	simm.s32 $0x6C0;
	s2 =	sadd.s32 s2, s0;
	s6 =	sadd.s32 s6, s7  }
0x1d: {  	s1 =	ssub.s32 s1, s23;
	s7 =	sor.u32 $0x1C04, s15;
	s23 =	simm.s32 $0xBA0  }
0x1e: {  	s15 =	simm.s32 $0x1BC0;
	[dreg:$0x1c] =	wrdreg s25;
	s25 =	simm.s32 $0xD80  }
0x1f: {  	s2 =	sadd.s32 s5, s2;
	s1 =	smax.u32 s1, $0x1;
	[dreg:$0x1a] =	wrdreg s23  }
0x20: {  	s23 =	simm.s32 $0xD20;
	[smem:$0x7FC] =	sst s7;
	s5 =	sadd.s32 $0xC200, s2  }
0x21: {  	s2 =	sadd.s32 $0x2400, s2;
	[dreg:$0x1f] =	wrdreg s1;
	s1 =	simm.s32 $0xEA0  }
0x22: {  	[dreg:$0x4] =	wrdreg s5;
	s5 =	sadd.s32 $0x16000, s0;
	s0 =	sadd.s32 s6, s0  }
0x23: {  	[dreg:$0x5] =	wrdreg s2;
	s6 =	sadd.s32 s10, s3;
	s0 =	sadd.s32 $0x1B000, s0  }
0x24: {  	s10 =	simm.s32 $0x4;
	s8 =	sshrl.u32 s6, $0x3;
	[dreg:$0x1e] =	wrdreg s0  }
0x25: {  	s2 =	simm.s32 $0xF60;
	s0 =	simm.s32 $0xF00;
	[smem:$0x7FD] =	sst s8  }
.LBB2_1:
0x26: {  	[smem:$0x7FB] =	sst s9  }
0x27: {  	_ =	strace $0x80000050  }
0x28: {  	s6 =	rddreg [dreg:$0x1]  }
0x29: {  	[spmem:s8], [sflag:s7] =	dma.local [hbm:s6], $0x4EE  }
0x2a: {  	_ =	swait.ge [sflag:s10], $0x4EE  }
0x2b: {  	[sflag:s10] =	ssyncset.done $0x0  }
0x2c: {  	[sflag:s10] =	ssyncadd.s32 $0xFFFFFB12  }
0x2d: {  	[bflag:$0x0] =	sbarrier.arrive $0xFFFF  }
0x2e: {  	_ =	strace $0x90000050  }
0x2f: {  	s8 =	rddreg [dreg:$0x4]  }
0x30: {  	s7 =	sadd.s32 $0x0, s8  }
0x31: {  	[tilespmem:s4], [sflag:$0x4] =	stream.linear.gather [hbm4b:s7+s4], $0x7E0, $0x38;
	[tilespmem:$0x4930] =	vst v63  }
0x32: {  	_ =	swait.ge [sflag:s10], $0x7E0  }
0x33: {  	s9 =	rddreg [dreg:$0x5];
	[sflag:s10] =	ssyncset.done $0x0  }
0x34: {  	[sflag:s10] =	ssyncadd.s32 $0xFFFFF820;
	s7 =	sadd.s32 $0x0, s9  }
0x35: {  	[tilespmem:s11], [sflag:$0x4] =	stream.linear.gather [hbm4b:s7+s4], $0x7E0, $0x38;
	[tilespmem:$0x4930] =	vst v63  }
0x36: {  	_ =	swait.ge [sflag:s10], $0x7E0  }
0x37: {  	[sflag:s10] =	ssyncset.done $0x0  }
0x38: {  	[sflag:s10] =	ssyncadd.s32 $0xFFFFF820  }
0x39: {  	[tilespmem:s13], [sflag:$0x1] =	stream.indirect.gather [hbm4b:s5+s12], $0x10, s4, s12, $0xb8;
	[tilespmem:$0x4930] =	vst v63  }
0x3a: {  	_ = 	snop  }
0x3b: {  	[tilespmem:s14], [sflag:$0x2] =	stream.indirect.gather [hbm4b:s5+s12], $0x10, s12, s12, $0xb8;
	[tilespmem:$0x4930] =	vst v63  }
0x3c: {  	s6 =	rddreg [dreg:$0x6]  }
0x3d: {  	[tilespmem:s15], [sflag:$0x3] =	stream.indirect.gather [hbm4b:s5+s12], $0x10, s6, s12, $0xb8;
	[tilespmem:$0x4930] =	vst v63  }
0x3e: {  	_ =	swait.ge [sflag:s16], $0x600  }
0x3f: {  	[sflag:s16] =	ssyncset.done $0x0  }
0x40: {  	[sflag:s16] =	ssyncadd.s32 $0xFFFFFA00  }
0x41: {  	[spmem:s3] =	stream.indirect.scatter.add.f32 [tilespmem:s13], [sflag:$0x4], $0x10, s11, s12, $0xb8;
	[tilespmem:$0x4930] =	vst v63  }
0x42: {  	_ =	swait.ge [sflag:s10], $0x600  }
0x43: {  	[sflag:s10] =	ssyncset.done $0x0  }
0x44: {  	s8 =	rddreg [dreg:$0x7];
	[sflag:s10] =	ssyncadd.s32 $0xFFFFFA00  }
0x45: {  	[tilespmem:s13], [sflag:$0x1] =	stream.indirect.gather [hbm4b:s5+s12], $0x10, s8, s12, $0xb8;
	[tilespmem:$0x4930] =	vst v63  }
0x46: {  	_ =	swait.ge [sflag:s17], $0x600  }
0x47: {  	[sflag:s17] =	ssyncset.done $0x0  }
0x48: {  	s9 =	rddreg [dreg:$0x8];
	[sflag:s17] =	ssyncadd.s32 $0xFFFFFA00  }
0x49: {  	[spmem:s3] =	stream.indirect.scatter.add.f32 [tilespmem:s14], [sflag:$0x4], $0x10, s9, s12, $0xb8;
	[tilespmem:$0x4930] =	vst v63  }
0x4a: {  	_ =	swait.ge [sflag:s10], $0x600  }
0x4b: {  	[sflag:s10] =	ssyncset.done $0x0  }
0x4c: {  	s6 =	rddreg [dreg:$0x9];
	[sflag:s10] =	ssyncadd.s32 $0xFFFFFA00  }
0x4d: {  	[tilespmem:s14], [sflag:$0x2] =	stream.indirect.gather [hbm4b:s5+s12], $0x10, s6, s12, $0xb8;
	[tilespmem:$0x4930] =	vst v63  }
0x4e: {  	_ =	swait.ge [sflag:s18], $0x600  }
0x4f: {  	[sflag:s18] =	ssyncset.done $0x0  }
0x50: {  	s8 =	rddreg [dreg:$0xa];
	[sflag:s18] =	ssyncadd.s32 $0xFFFFFA00  }
0x51: {  	[spmem:s3] =	stream.indirect.scatter.add.f32 [tilespmem:s15], [sflag:$0x4], $0x10, s8, s12, $0xb8;
	[tilespmem:$0x4930] =	vst v63  }
0x52: {  	_ =	swait.ge [sflag:s10], $0x600  }
0x53: {  	[sflag:s10] =	ssyncset.done $0x0  }
0x54: {  	s9 =	rddreg [dreg:$0xb];
	[sflag:s10] =	ssyncadd.s32 $0xFFFFFA00  }
0x55: {  	[tilespmem:s15], [sflag:$0x3] =	stream.indirect.gather [hbm4b:s5+s12], $0x10, s9, s12, $0xb8;
	[tilespmem:$0x4930] =	vst v63  }
0x56: {  	_ =	swait.ge [sflag:s16], $0x600  }
0x57: {  	[sflag:s16] =	ssyncset.done $0x0  }
0x58: {  	s6 =	rddreg [dreg:$0xc];
	[sflag:s16] =	ssyncadd.s32 $0xFFFFFA00  }
0x59: {  	[spmem:s3] =	stream.indirect.scatter.add.f32 [tilespmem:s13], [sflag:$0x4], $0x10, s6, s12, $0xb8;
	[tilespmem:$0x4930] =	vst v63  }
0x5a: {  	_ =	swait.ge [sflag:s10], $0x600  }
0x5b: {  	[sflag:s10] =	ssyncset.done $0x0  }
0x5c: {  	s8 =	rddreg [dreg:$0xd];
	[sflag:s10] =	ssyncadd.s32 $0xFFFFFA00  }
0x5d: {  	[tilespmem:s13], [sflag:$0x1] =	stream.indirect.gather [hbm4b:s5+s12], $0x10, s8, s12, $0xb8;
	[tilespmem:$0x4930] =	vst v63  }
0x5e: {  	_ =	swait.ge [sflag:s17], $0x600  }
0x5f: {  	[sflag:s17] =	ssyncset.done $0x0  }
0x60: {  	s9 =	rddreg [dreg:$0xe];
	[sflag:s17] =	ssyncadd.s32 $0xFFFFFA00  }
0x61: {  	[spmem:s3] =	stream.indirect.scatter.add.f32 [tilespmem:s14], [sflag:$0x4], $0x10, s9, s12, $0xb8;
	[tilespmem:$0x4930] =	vst v63  }
0x62: {  	_ =	swait.ge [sflag:s10], $0x600  }
0x63: {  	[sflag:s10] =	ssyncset.done $0x0  }
0x64: {  	s6 =	rddreg [dreg:$0xf];
	[sflag:s10] =	ssyncadd.s32 $0xFFFFFA00  }
0x65: {  	[tilespmem:s14], [sflag:$0x2] =	stream.indirect.gather [hbm4b:s5+s12], $0x10, s6, s12, $0xb8;
	[tilespmem:$0x4930] =	vst v63  }
0x66: {  	_ =	swait.ge [sflag:s18], $0x600  }
0x67: {  	[sflag:s18] =	ssyncset.done $0x0  }
0x68: {  	s8 =	rddreg [dreg:$0x10];
	[sflag:s18] =	ssyncadd.s32 $0xFFFFFA00  }
0x69: {  	[spmem:s3] =	stream.indirect.scatter.add.f32 [tilespmem:s15], [sflag:$0x4], $0x10, s8, s12, $0xb8;
	[tilespmem:$0x4930] =	vst v63  }
0x6a: {  	_ =	swait.ge [sflag:s10], $0x600  }
0x6b: {  	[sflag:s10] =	ssyncset.done $0x0  }
0x6c: {  	s9 =	rddreg [dreg:$0x11];
	[sflag:s10] =	ssyncadd.s32 $0xFFFFFA00  }
0x6d: {  	[tilespmem:s15], [sflag:$0x3] =	stream.indirect.gather [hbm4b:s5+s12], $0x10, s9, s12, $0xb8;
	[tilespmem:$0x4930] =	vst v63  }
0x6e: {  	_ =	swait.ge [sflag:s16], $0x600  }
0x6f: {  	[sflag:s16] =	ssyncset.done $0x0  }
0x70: {  	s6 =	rddreg [dreg:$0x12];
	[sflag:s16] =	ssyncadd.s32 $0xFFFFFA00  }
0x71: {  	[spmem:s3] =	stream.indirect.scatter.add.f32 [tilespmem:s13], [sflag:$0x4], $0x10, s6, s12, $0xb8;
	[tilespmem:$0x4930] =	vst v63  }
0x72: {  	_ =	swait.ge [sflag:s10], $0x600  }
0x73: {  	[sflag:s10] =	ssyncset.done $0x0  }
0x74: {  	s8 =	rddreg [dreg:$0x13];
	[sflag:s10] =	ssyncadd.s32 $0xFFFFFA00  }
0x75: {  	[tilespmem:s13], [sflag:$0x1] =	stream.indirect.gather [hbm4b:s5+s12], $0x10, s8, s12, $0xb8;
	[tilespmem:$0x4930] =	vst v63  }
0x76: {  	_ =	swait.ge [sflag:s17], $0x600  }
0x77: {  	[sflag:s17] =	ssyncset.done $0x0  }
0x78: {  	s9 =	rddreg [dreg:$0x14];
	[sflag:s17] =	ssyncadd.s32 $0xFFFFFA00  }
0x79: {  	[spmem:s3] =	stream.indirect.scatter.add.f32 [tilespmem:s14], [sflag:$0x4], $0x10, s9, s12, $0xb8;
	[tilespmem:$0x4930] =	vst v63  }
0x7a: {  	_ =	swait.ge [sflag:s10], $0x600  }
0x7b: {  	[sflag:s10] =	ssyncset.done $0x0  }
0x7c: {  	s6 =	rddreg [dreg:$0x15];
	[sflag:s10] =	ssyncadd.s32 $0xFFFFFA00  }
0x7d: {  	[tilespmem:s14], [sflag:$0x2] =	stream.indirect.gather [hbm4b:s5+s12], $0x10, s6, s12, $0xb8;
	[tilespmem:$0x4930] =	vst v63  }
0x7e: {  	_ =	swait.ge [sflag:s18], $0x600  }
0x7f: {  	[sflag:s18] =	ssyncset.done $0x0  }
0x80: {  	s8 =	rddreg [dreg:$0x16];
	[sflag:s18] =	ssyncadd.s32 $0xFFFFFA00  }
0x81: {  	[spmem:s3] =	stream.indirect.scatter.add.f32 [tilespmem:s15], [sflag:$0x4], $0x10, s8, s12, $0xb8;
	[tilespmem:$0x4930] =	vst v63  }
0x82: {  	_ =	swait.ge [sflag:s10], $0x600  }
0x83: {  	[sflag:s10] =	ssyncset.done $0x0  }
0x84: {  	s9 =	rddreg [dreg:$0x17];
	[sflag:s10] =	ssyncadd.s32 $0xFFFFFA00  }
0x85: {  	[tilespmem:s15], [sflag:$0x3] =	stream.indirect.gather [hbm4b:s5+s12], $0x10, s9, s12, $0xb8;
	[tilespmem:$0x4930] =	vst v63  }
0x86: {  	_ =	swait.ge [sflag:s16], $0x600  }
0x87: {  	[sflag:s16] =	ssyncset.done $0x0  }
0x88: {  	s6 =	rddreg [dreg:$0x18];
	[sflag:s16] =	ssyncadd.s32 $0xFFFFFA00  }
0x89: {  	[spmem:s3] =	stream.indirect.scatter.add.f32 [tilespmem:s13], [sflag:$0x4], $0x10, s6, s12, $0xb8;
	[tilespmem:$0x4930] =	vst v63  }
0x8a: {  	_ =	swait.ge [sflag:s10], $0x600  }
0x8b: {  	[sflag:s10] =	ssyncset.done $0x0  }
0x8c: {  	s8 =	rddreg [dreg:$0x19];
	[sflag:s10] =	ssyncadd.s32 $0xFFFFFA00  }
0x8d: {  	[tilespmem:s13], [sflag:$0x1] =	stream.indirect.gather [hbm4b:s5+s12], $0x10, s8, s12, $0xb8;
	[tilespmem:$0x4930] =	vst v63  }
0x8e: {  	_ =	swait.ge [sflag:s17], $0x600  }
0x8f: {  	[sflag:s17] =	ssyncset.done $0x0  }
0x90: {  	s9 =	rddreg [dreg:$0x1a];
	[sflag:s17] =	ssyncadd.s32 $0xFFFFFA00  }
0x91: {  	[spmem:s3] =	stream.indirect.scatter.add.f32 [tilespmem:s14], [sflag:$0x4], $0x10, s9, s12, $0xb8;
	[tilespmem:$0x4930] =	vst v63  }
0x92: {  	_ =	swait.ge [sflag:s10], $0x600  }
0x93: {  	[sflag:s10] =	ssyncset.done $0x0  }
0x94: {  	s6 =	rddreg [dreg:$0x1b];
	[sflag:s10] =	ssyncadd.s32 $0xFFFFFA00  }
0x95: {  	[tilespmem:s14], [sflag:$0x2] =	stream.indirect.gather [hbm4b:s5+s12], $0x10, s6, s12, $0xb8;
	[tilespmem:$0x4930] =	vst v63  }
0x96: {  	_ =	swait.ge [sflag:s18], $0x600  }
0x97: {  	[sflag:s18] =	ssyncset.done $0x0  }
0x98: {  	s8 =	rddreg [dreg:$0x1c];
	[sflag:s18] =	ssyncadd.s32 $0xFFFFFA00  }
0x99: {  	[spmem:s3] =	stream.indirect.scatter.add.f32 [tilespmem:s15], [sflag:$0x4], $0x10, s8, s12, $0xb8;
	[tilespmem:$0x4930] =	vst v63  }
0x9a: {  	_ =	swait.ge [sflag:s10], $0x600  }
0x9b: {  	[sflag:s10] =	ssyncset.done $0x0  }
0x9c: {  	s9 =	rddreg [dreg:$0x1d];
	[sflag:s10] =	ssyncadd.s32 $0xFFFFFA00  }
0x9d: {  	[tilespmem:s15], [sflag:$0x3] =	stream.indirect.gather [hbm4b:s5+s12], $0x10, s9, s12, $0xb8;
	[tilespmem:$0x4930] =	vst v63  }
0x9e: {  	_ =	swait.ge [sflag:s16], $0x600  }
0x9f: {  	[sflag:s16] =	ssyncset.done $0x0  }
0xa0: {  	[sflag:s16] =	ssyncadd.s32 $0xFFFFFA00  }
0xa1: {  	[spmem:s3] =	stream.indirect.scatter.add.f32 [tilespmem:s13], [sflag:$0x4], $0x10, s19, s12, $0xb8;
	[tilespmem:$0x4930] =	vst v63  }
0xa2: {  	_ =	swait.ge [sflag:s10], $0x600  }
0xa3: {  	[sflag:s10] =	ssyncset.done $0x0  }
0xa4: {  	[sflag:s10] =	ssyncadd.s32 $0xFFFFFA00  }
0xa5: {  	[tilespmem:s13], [sflag:$0x1] =	stream.indirect.gather [hbm4b:s5+s12], $0x10, s20, s12, $0xb8;
	[tilespmem:$0x4930] =	vst v63  }
0xa6: {  	_ =	swait.ge [sflag:s17], $0x600  }
0xa7: {  	[sflag:s17] =	ssyncset.done $0x0  }
0xa8: {  	[sflag:s17] =	ssyncadd.s32 $0xFFFFFA00  }
0xa9: {  	[spmem:s3] =	stream.indirect.scatter.add.f32 [tilespmem:s14], [sflag:$0x4], $0x10, s21, s12, $0xb8;
	[tilespmem:$0x4930] =	vst v63  }
0xaa: {  	_ =	swait.ge [sflag:s10], $0x600  }
0xab: {  	[sflag:s10] =	ssyncset.done $0x0  }
0xac: {  	[sflag:s10] =	ssyncadd.s32 $0xFFFFFA00  }
0xad: {  	[tilespmem:s14], [sflag:$0x2] =	stream.indirect.gather [hbm4b:s5+s12], $0x10, s22, s12, $0xb8;
	[tilespmem:$0x4930] =	vst v63  }
0xae: {  	_ =	swait.ge [sflag:s18], $0x600  }
0xaf: {  	[sflag:s18] =	ssyncset.done $0x0  }
0xb0: {  	[sflag:s18] =	ssyncadd.s32 $0xFFFFFA00  }
0xb1: {  	[spmem:s3] =	stream.indirect.scatter.add.f32 [tilespmem:s15], [sflag:$0x4], $0x10, s23, s12, $0xb8;
	[tilespmem:$0x4930] =	vst v63  }
0xb2: {  	_ =	swait.ge [sflag:s10], $0x600  }
0xb3: {  	[sflag:s10] =	ssyncset.done $0x0  }
0xb4: {  	[sflag:s10] =	ssyncadd.s32 $0xFFFFFA00  }
0xb5: {  	[tilespmem:s15], [sflag:$0x3] =	stream.indirect.gather [hbm4b:s5+s12], $0x10, s24, s12, $0xb8;
	[tilespmem:$0x4930] =	vst v63  }
0xb6: {  	_ =	swait.ge [sflag:s16], $0x600  }
0xb7: {  	[sflag:s16] =	ssyncset.done $0x0  }
0xb8: {  	[sflag:s16] =	ssyncadd.s32 $0xFFFFFA00  }
0xb9: {  	[spmem:s3] =	stream.indirect.scatter.add.f32 [tilespmem:s13], [sflag:$0x4], $0x10, s25, s12, $0xb8;
	[tilespmem:$0x4930] =	vst v63  }
0xba: {  	_ =	swait.ge [sflag:s10], $0x600  }
0xbb: {  	[sflag:s10] =	ssyncset.done $0x0  }
0xbc: {  	[sflag:s10] =	ssyncadd.s32 $0xFFFFFA00  }
0xbd: {  	[tilespmem:s13], [sflag:$0x1] =	stream.indirect.gather [hbm4b:s5+s12], $0x10, s26, s12, $0xb8;
	[tilespmem:$0x4930] =	vst v63  }
0xbe: {  	_ =	swait.ge [sflag:s17], $0x600  }
0xbf: {  	[sflag:s17] =	ssyncset.done $0x0  }
0xc0: {  	[sflag:s17] =	ssyncadd.s32 $0xFFFFFA00  }
0xc1: {  	[spmem:s3] =	stream.indirect.scatter.add.f32 [tilespmem:s14], [sflag:$0x4], $0x10, s28, s12, $0xb8;
	[tilespmem:$0x4930] =	vst v63  }
0xc2: {  	_ =	swait.ge [sflag:s10], $0x600  }
0xc3: {  	[sflag:s10] =	ssyncset.done $0x0  }
0xc4: {  	[sflag:s10] =	ssyncadd.s32 $0xFFFFFA00  }
0xc5: {  	[tilespmem:s14], [sflag:$0x2] =	stream.indirect.gather [hbm4b:s5+s12], $0x10, s29, s12, $0xb8;
	[tilespmem:$0x4930] =	vst v63  }
0xc6: {  	_ =	swait.ge [sflag:s18], $0x600  }
0xc7: {  	[sflag:s18] =	ssyncset.done $0x0  }
0xc8: {  	[sflag:s18] =	ssyncadd.s32 $0xFFFFFA00  }
0xc9: {  	[spmem:s3] =	stream.indirect.scatter.add.f32 [tilespmem:s15], [sflag:$0x4], $0x10, s30, s12, $0xb8;
	[tilespmem:$0x4930] =	vst v63  }
0xca: {  	_ =	swait.ge [sflag:s10], $0x600  }
0xcb: {  	[sflag:s10] =	ssyncset.done $0x0  }
0xcc: {  	[sflag:s10] =	ssyncadd.s32 $0xFFFFFA00  }
0xcd: {  	[tilespmem:s15], [sflag:$0x3] =	stream.indirect.gather [hbm4b:s5+s12], $0x10, s31, s12, $0xb8;
	[tilespmem:$0x4930] =	vst v63  }
0xce: {  	_ =	swait.ge [sflag:s16], $0x600  }
0xcf: {  	[sflag:s16] =	ssyncset.done $0x0  }
0xd0: {  	[sflag:s16] =	ssyncadd.s32 $0xFFFFFA00  }
0xd1: {  	[spmem:s3] =	stream.indirect.scatter.add.f32 [tilespmem:s13], [sflag:$0x4], $0x10, s1, s12, $0xb8;
	[tilespmem:$0x4930] =	vst v63  }
0xd2: {  	_ =	swait.ge [sflag:s10], $0x600  }
0xd3: {  	[sflag:s10] =	ssyncset.done $0x0  }
0xd4: {  	[sflag:s10] =	ssyncadd.s32 $0xFFFFFA00  }
0xd5: {  	_ =	swait.ge [sflag:s17], $0x600  }
0xd6: {  	[sflag:s17] =	ssyncset.done $0x0  }
0xd7: {  	[sflag:s17] =	ssyncadd.s32 $0xFFFFFA00  }
0xd8: {  	[spmem:s3] =	stream.indirect.scatter.add.f32 [tilespmem:s14], [sflag:$0x4], $0x10, s0, s12, $0xb8;
	[tilespmem:$0x4930] =	vst v63  }
0xd9: {  	_ =	swait.ge [sflag:s10], $0x600  }
0xda: {  	[sflag:s10] =	ssyncset.done $0x0  }
0xdb: {  	[sflag:s10] =	ssyncadd.s32 $0xFFFFFA00  }
0xdc: {  	_ =	swait.ge [sflag:s18], $0x600  }
0xdd: {  	[sflag:s18] =	ssyncset.done $0x0  }
0xde: {  	[sflag:s18] =	ssyncadd.s32 $0xFFFFFA00  }
0xdf: {  	[spmem:s3] =	stream.indirect.scatter.add.f32 [tilespmem:s15], [sflag:$0x4], $0x10, s2, s12, $0xb8;
	[tilespmem:$0x4930] =	vst v63  }
0xe0: {  	s7 =	simm.s32 $0xFC;
	_ =	swait.ge [sflag:s10], $0x600  }
0xe1: {  	s8 =	simm.s32 $0x1F8;
	s9 =	rddreg [dreg:$0x4];
	[sflag:s10] =	ssyncset.done $0x0  }
.LBB2_2:
0xe2: {  	[sflag:s10] =	ssyncadd.s32 $0xFFFFFA00;
	s9 =	sadd.s32 s7, s9  }
0xe3: {  	[tilespmem:s4], [sflag:$0x4] =	stream.linear.gather [hbm4b:s9+s4], $0x7E0, $0x38;
	[tilespmem:$0x4930] =	vst v63  }
0xe4: {  	_ =	swait.ge [sflag:s10], $0x7E0  }
0xe5: {  	s9 =	rddreg [dreg:$0x5];
	[sflag:s10] =	ssyncset.done $0x0  }
0xe6: {  	[sflag:s10] =	ssyncadd.s32 $0xFFFFF820;
	s9 =	sadd.s32 s7, s9  }
0xe7: {  	[tilespmem:s11], [sflag:$0x4] =	stream.linear.gather [hbm4b:s9+s4], $0x7E0, $0x38;
	[tilespmem:$0x4930] =	vst v63  }
0xe8: {  	_ =	swait.ge [sflag:s10], $0x7E0  }
0xe9: {  	[sflag:s10] =	ssyncset.done $0x0  }
0xea: {  	[sflag:s10] =	ssyncadd.s32 $0xFFFFF820  }
0xeb: {  	[tilespmem:s13], [sflag:$0x1] =	stream.indirect.gather [hbm4b:s5+s12], $0x10, s4, s12, $0xb8;
	[tilespmem:$0x4930] =	vst v63  }
0xec: {  	_ = 	snop  }
0xed: {  	[tilespmem:s14], [sflag:$0x2] =	stream.indirect.gather [hbm4b:s5+s12], $0x10, s12, s12, $0xb8;
	[tilespmem:$0x4930] =	vst v63  }
0xee: {  	s9 =	rddreg [dreg:$0x6]  }
0xef: {  	[tilespmem:s15], [sflag:$0x3] =	stream.indirect.gather [hbm4b:s5+s12], $0x10, s9, s12, $0xb8;
	[tilespmem:$0x4930] =	vst v63  }
0xf0: {  	_ =	swait.ge [sflag:s16], $0x600  }
0xf1: {  	[sflag:s16] =	ssyncset.done $0x0  }
0xf2: {  	[sflag:s16] =	ssyncadd.s32 $0xFFFFFA00  }
0xf3: {  	[spmem:s3] =	stream.indirect.scatter.add.f32 [tilespmem:s13], [sflag:$0x4], $0x10, s11, s12, $0xb8;
	[tilespmem:$0x4930] =	vst v63  }
0xf4: {  	_ =	swait.ge [sflag:s10], $0x600  }
0xf5: {  	[sflag:s10] =	ssyncset.done $0x0  }
0xf6: {  	s9 =	rddreg [dreg:$0x7];
	[sflag:s10] =	ssyncadd.s32 $0xFFFFFA00  }
0xf7: {  	[tilespmem:s13], [sflag:$0x1] =	stream.indirect.gather [hbm4b:s5+s12], $0x10, s9, s12, $0xb8;
	[tilespmem:$0x4930] =	vst v63  }
0xf8: {  	_ =	swait.ge [sflag:s17], $0x600  }
0xf9: {  	[sflag:s17] =	ssyncset.done $0x0  }
0xfa: {  	s9 =	rddreg [dreg:$0x8];
	[sflag:s17] =	ssyncadd.s32 $0xFFFFFA00  }
0xfb: {  	[spmem:s3] =	stream.indirect.scatter.add.f32 [tilespmem:s14], [sflag:$0x4], $0x10, s9, s12, $0xb8;
	[tilespmem:$0x4930] =	vst v63  }
0xfc: {  	_ =	swait.ge [sflag:s10], $0x600  }
0xfd: {  	[sflag:s10] =	ssyncset.done $0x0  }
0xfe: {  	s9 =	rddreg [dreg:$0x9];
	[sflag:s10] =	ssyncadd.s32 $0xFFFFFA00  }
0xff: {  	[tilespmem:s14], [sflag:$0x2] =	stream.indirect.gather [hbm4b:s5+s12], $0x10, s9, s12, $0xb8;
	[tilespmem:$0x4930] =	vst v63  }
0x100: {  	_ =	swait.ge [sflag:s18], $0x600  }
0x101: {  	[sflag:s18] =	ssyncset.done $0x0  }
0x102: {  	s9 =	rddreg [dreg:$0xa];
	[sflag:s18] =	ssyncadd.s32 $0xFFFFFA00  }
0x103: {  	[spmem:s3] =	stream.indirect.scatter.add.f32 [tilespmem:s15], [sflag:$0x4], $0x10, s9, s12, $0xb8;
	[tilespmem:$0x4930] =	vst v63  }
0x104: {  	_ =	swait.ge [sflag:s10], $0x600  }
0x105: {  	[sflag:s10] =	ssyncset.done $0x0  }
0x106: {  	s9 =	rddreg [dreg:$0xb];
	[sflag:s10] =	ssyncadd.s32 $0xFFFFFA00  }
0x107: {  	[tilespmem:s15], [sflag:$0x3] =	stream.indirect.gather [hbm4b:s5+s12], $0x10, s9, s12, $0xb8;
	[tilespmem:$0x4930] =	vst v63  }
0x108: {  	_ =	swait.ge [sflag:s16], $0x600  }
0x109: {  	[sflag:s16] =	ssyncset.done $0x0  }
0x10a: {  	s9 =	rddreg [dreg:$0xc];
	[sflag:s16] =	ssyncadd.s32 $0xFFFFFA00  }
0x10b: {  	[spmem:s3] =	stream.indirect.scatter.add.f32 [tilespmem:s13], [sflag:$0x4], $0x10, s9, s12, $0xb8;
	[tilespmem:$0x4930] =	vst v63  }
0x10c: {  	_ =	swait.ge [sflag:s10], $0x600  }
0x10d: {  	[sflag:s10] =	ssyncset.done $0x0  }
0x10e: {  	s9 =	rddreg [dreg:$0xd];
	[sflag:s10] =	ssyncadd.s32 $0xFFFFFA00  }
0x10f: {  	[tilespmem:s13], [sflag:$0x1] =	stream.indirect.gather [hbm4b:s5+s12], $0x10, s9, s12, $0xb8;
	[tilespmem:$0x4930] =	vst v63  }
0x110: {  	_ =	swait.ge [sflag:s17], $0x600  }
0x111: {  	[sflag:s17] =	ssyncset.done $0x0  }
0x112: {  	s9 =	rddreg [dreg:$0xe];
	[sflag:s17] =	ssyncadd.s32 $0xFFFFFA00  }
0x113: {  	[spmem:s3] =	stream.indirect.scatter.add.f32 [tilespmem:s14], [sflag:$0x4], $0x10, s9, s12, $0xb8;
	[tilespmem:$0x4930] =	vst v63  }
0x114: {  	_ =	swait.ge [sflag:s10], $0x600  }
0x115: {  	[sflag:s10] =	ssyncset.done $0x0  }
0x116: {  	s9 =	rddreg [dreg:$0xf];
	[sflag:s10] =	ssyncadd.s32 $0xFFFFFA00  }
0x117: {  	[tilespmem:s14], [sflag:$0x2] =	stream.indirect.gather [hbm4b:s5+s12], $0x10, s9, s12, $0xb8;
	[tilespmem:$0x4930] =	vst v63  }
0x118: {  	_ =	swait.ge [sflag:s18], $0x600  }
0x119: {  	[sflag:s18] =	ssyncset.done $0x0  }
0x11a: {  	s9 =	rddreg [dreg:$0x10];
	[sflag:s18] =	ssyncadd.s32 $0xFFFFFA00  }
0x11b: {  	[spmem:s3] =	stream.indirect.scatter.add.f32 [tilespmem:s15], [sflag:$0x4], $0x10, s9, s12, $0xb8;
	[tilespmem:$0x4930] =	vst v63  }
0x11c: {  	_ =	swait.ge [sflag:s10], $0x600  }
0x11d: {  	[sflag:s10] =	ssyncset.done $0x0  }
0x11e: {  	s9 =	rddreg [dreg:$0x11];
	[sflag:s10] =	ssyncadd.s32 $0xFFFFFA00  }
0x11f: {  	[tilespmem:s15], [sflag:$0x3] =	stream.indirect.gather [hbm4b:s5+s12], $0x10, s9, s12, $0xb8;
	[tilespmem:$0x4930] =	vst v63  }
0x120: {  	_ =	swait.ge [sflag:s16], $0x600  }
0x121: {  	[sflag:s16] =	ssyncset.done $0x0  }
0x122: {  	s9 =	rddreg [dreg:$0x12];
	[sflag:s16] =	ssyncadd.s32 $0xFFFFFA00  }
0x123: {  	[spmem:s3] =	stream.indirect.scatter.add.f32 [tilespmem:s13], [sflag:$0x4], $0x10, s9, s12, $0xb8;
	[tilespmem:$0x4930] =	vst v63  }
0x124: {  	_ =	swait.ge [sflag:s10], $0x600  }
0x125: {  	[sflag:s10] =	ssyncset.done $0x0  }
0x126: {  	s9 =	rddreg [dreg:$0x13];
	[sflag:s10] =	ssyncadd.s32 $0xFFFFFA00  }
0x127: {  	[tilespmem:s13], [sflag:$0x1] =	stream.indirect.gather [hbm4b:s5+s12], $0x10, s9, s12, $0xb8;
	[tilespmem:$0x4930] =	vst v63  }
0x128: {  	_ =	swait.ge [sflag:s17], $0x600  }
0x129: {  	[sflag:s17] =	ssyncset.done $0x0  }
0x12a: {  	s9 =	rddreg [dreg:$0x14];
	[sflag:s17] =	ssyncadd.s32 $0xFFFFFA00  }
0x12b: {  	[spmem:s3] =	stream.indirect.scatter.add.f32 [tilespmem:s14], [sflag:$0x4], $0x10, s9, s12, $0xb8;
	[tilespmem:$0x4930] =	vst v63  }
0x12c: {  	_ =	swait.ge [sflag:s10], $0x600  }
0x12d: {  	[sflag:s10] =	ssyncset.done $0x0  }
0x12e: {  	s9 =	rddreg [dreg:$0x15];
	[sflag:s10] =	ssyncadd.s32 $0xFFFFFA00  }
0x12f: {  	[tilespmem:s14], [sflag:$0x2] =	stream.indirect.gather [hbm4b:s5+s12], $0x10, s9, s12, $0xb8;
	[tilespmem:$0x4930] =	vst v63  }
0x130: {  	_ =	swait.ge [sflag:s18], $0x600  }
0x131: {  	[sflag:s18] =	ssyncset.done $0x0  }
0x132: {  	s9 =	rddreg [dreg:$0x16];
	[sflag:s18] =	ssyncadd.s32 $0xFFFFFA00  }
0x133: {  	[spmem:s3] =	stream.indirect.scatter.add.f32 [tilespmem:s15], [sflag:$0x4], $0x10, s9, s12, $0xb8;
	[tilespmem:$0x4930] =	vst v63  }
0x134: {  	_ =	swait.ge [sflag:s10], $0x600  }
0x135: {  	[sflag:s10] =	ssyncset.done $0x0  }
0x136: {  	s9 =	rddreg [dreg:$0x17];
	[sflag:s10] =	ssyncadd.s32 $0xFFFFFA00  }
0x137: {  	[tilespmem:s15], [sflag:$0x3] =	stream.indirect.gather [hbm4b:s5+s12], $0x10, s9, s12, $0xb8;
	[tilespmem:$0x4930] =	vst v63  }
0x138: {  	_ =	swait.ge [sflag:s16], $0x600  }
0x139: {  	[sflag:s16] =	ssyncset.done $0x0  }
0x13a: {  	s9 =	rddreg [dreg:$0x18];
	[sflag:s16] =	ssyncadd.s32 $0xFFFFFA00  }
0x13b: {  	[spmem:s3] =	stream.indirect.scatter.add.f32 [tilespmem:s13], [sflag:$0x4], $0x10, s9, s12, $0xb8;
	[tilespmem:$0x4930] =	vst v63  }
0x13c: {  	_ =	swait.ge [sflag:s10], $0x600  }
0x13d: {  	[sflag:s10] =	ssyncset.done $0x0  }
0x13e: {  	s9 =	rddreg [dreg:$0x19];
	[sflag:s10] =	ssyncadd.s32 $0xFFFFFA00  }
0x13f: {  	[tilespmem:s13], [sflag:$0x1] =	stream.indirect.gather [hbm4b:s5+s12], $0x10, s9, s12, $0xb8;
	[tilespmem:$0x4930] =	vst v63  }
0x140: {  	_ =	swait.ge [sflag:s17], $0x600  }
0x141: {  	[sflag:s17] =	ssyncset.done $0x0  }
0x142: {  	s9 =	rddreg [dreg:$0x1a];
	[sflag:s17] =	ssyncadd.s32 $0xFFFFFA00  }
0x143: {  	[spmem:s3] =	stream.indirect.scatter.add.f32 [tilespmem:s14], [sflag:$0x4], $0x10, s9, s12, $0xb8;
	[tilespmem:$0x4930] =	vst v63  }
0x144: {  	_ =	swait.ge [sflag:s10], $0x600  }
0x145: {  	[sflag:s10] =	ssyncset.done $0x0  }
0x146: {  	s9 =	rddreg [dreg:$0x1b];
	[sflag:s10] =	ssyncadd.s32 $0xFFFFFA00  }
0x147: {  	[tilespmem:s14], [sflag:$0x2] =	stream.indirect.gather [hbm4b:s5+s12], $0x10, s9, s12, $0xb8;
	[tilespmem:$0x4930] =	vst v63  }
0x148: {  	_ =	swait.ge [sflag:s18], $0x600  }
0x149: {  	[sflag:s18] =	ssyncset.done $0x0  }
0x14a: {  	s9 =	rddreg [dreg:$0x1c];
	[sflag:s18] =	ssyncadd.s32 $0xFFFFFA00  }
0x14b: {  	[spmem:s3] =	stream.indirect.scatter.add.f32 [tilespmem:s15], [sflag:$0x4], $0x10, s9, s12, $0xb8;
	[tilespmem:$0x4930] =	vst v63  }
0x14c: {  	_ =	swait.ge [sflag:s10], $0x600  }
0x14d: {  	[sflag:s10] =	ssyncset.done $0x0  }
0x14e: {  	s9 =	rddreg [dreg:$0x1d];
	[sflag:s10] =	ssyncadd.s32 $0xFFFFFA00  }
0x14f: {  	[tilespmem:s15], [sflag:$0x3] =	stream.indirect.gather [hbm4b:s5+s12], $0x10, s9, s12, $0xb8;
	[tilespmem:$0x4930] =	vst v63  }
0x150: {  	_ =	swait.ge [sflag:s16], $0x600  }
0x151: {  	[sflag:s16] =	ssyncset.done $0x0  }
0x152: {  	[sflag:s16] =	ssyncadd.s32 $0xFFFFFA00  }
0x153: {  	[spmem:s3] =	stream.indirect.scatter.add.f32 [tilespmem:s13], [sflag:$0x4], $0x10, s19, s12, $0xb8;
	[tilespmem:$0x4930] =	vst v63  }
0x154: {  	_ =	swait.ge [sflag:s10], $0x600  }
0x155: {  	[sflag:s10] =	ssyncset.done $0x0  }
0x156: {  	[sflag:s10] =	ssyncadd.s32 $0xFFFFFA00  }
0x157: {  	[tilespmem:s13], [sflag:$0x1] =	stream.indirect.gather [hbm4b:s5+s12], $0x10, s20, s12, $0xb8;
	[tilespmem:$0x4930] =	vst v63  }
0x158: {  	_ =	swait.ge [sflag:s17], $0x600  }
0x159: {  	[sflag:s17] =	ssyncset.done $0x0  }
0x15a: {  	[sflag:s17] =	ssyncadd.s32 $0xFFFFFA00  }
0x15b: {  	[spmem:s3] =	stream.indirect.scatter.add.f32 [tilespmem:s14], [sflag:$0x4], $0x10, s21, s12, $0xb8;
	[tilespmem:$0x4930] =	vst v63  }
0x15c: {  	_ =	swait.ge [sflag:s10], $0x600  }
0x15d: {  	[sflag:s10] =	ssyncset.done $0x0  }
0x15e: {  	[sflag:s10] =	ssyncadd.s32 $0xFFFFFA00  }
0x15f: {  	[tilespmem:s14], [sflag:$0x2] =	stream.indirect.gather [hbm4b:s5+s12], $0x10, s22, s12, $0xb8;
	[tilespmem:$0x4930] =	vst v63  }
0x160: {  	_ =	swait.ge [sflag:s18], $0x600  }
0x161: {  	[sflag:s18] =	ssyncset.done $0x0  }
0x162: {  	[sflag:s18] =	ssyncadd.s32 $0xFFFFFA00  }
0x163: {  	[spmem:s3] =	stream.indirect.scatter.add.f32 [tilespmem:s15], [sflag:$0x4], $0x10, s23, s12, $0xb8;
	[tilespmem:$0x4930] =	vst v63  }
0x164: {  	_ =	swait.ge [sflag:s10], $0x600  }
0x165: {  	[sflag:s10] =	ssyncset.done $0x0  }
0x166: {  	[sflag:s10] =	ssyncadd.s32 $0xFFFFFA00  }
0x167: {  	[tilespmem:s15], [sflag:$0x3] =	stream.indirect.gather [hbm4b:s5+s12], $0x10, s24, s12, $0xb8;
	[tilespmem:$0x4930] =	vst v63  }
0x168: {  	_ =	swait.ge [sflag:s16], $0x600  }
0x169: {  	[sflag:s16] =	ssyncset.done $0x0  }
0x16a: {  	[sflag:s16] =	ssyncadd.s32 $0xFFFFFA00  }
0x16b: {  	[spmem:s3] =	stream.indirect.scatter.add.f32 [tilespmem:s13], [sflag:$0x4], $0x10, s25, s12, $0xb8;
	[tilespmem:$0x4930] =	vst v63  }
0x16c: {  	_ =	swait.ge [sflag:s10], $0x600  }
0x16d: {  	[sflag:s10] =	ssyncset.done $0x0  }
0x16e: {  	[sflag:s10] =	ssyncadd.s32 $0xFFFFFA00  }
0x16f: {  	[tilespmem:s13], [sflag:$0x1] =	stream.indirect.gather [hbm4b:s5+s12], $0x10, s26, s12, $0xb8;
	[tilespmem:$0x4930] =	vst v63  }
0x170: {  	_ =	swait.ge [sflag:s17], $0x600  }
0x171: {  	[sflag:s17] =	ssyncset.done $0x0  }
0x172: {  	[sflag:s17] =	ssyncadd.s32 $0xFFFFFA00  }
0x173: {  	[spmem:s3] =	stream.indirect.scatter.add.f32 [tilespmem:s14], [sflag:$0x4], $0x10, s28, s12, $0xb8;
	[tilespmem:$0x4930] =	vst v63  }
0x174: {  	_ =	swait.ge [sflag:s10], $0x600  }
0x175: {  	[sflag:s10] =	ssyncset.done $0x0  }
0x176: {  	[sflag:s10] =	ssyncadd.s32 $0xFFFFFA00  }
0x177: {  	[tilespmem:s14], [sflag:$0x2] =	stream.indirect.gather [hbm4b:s5+s12], $0x10, s29, s12, $0xb8;
	[tilespmem:$0x4930] =	vst v63  }
0x178: {  	_ =	swait.ge [sflag:s18], $0x600  }
0x179: {  	[sflag:s18] =	ssyncset.done $0x0  }
0x17a: {  	[sflag:s18] =	ssyncadd.s32 $0xFFFFFA00  }
0x17b: {  	[spmem:s3] =	stream.indirect.scatter.add.f32 [tilespmem:s15], [sflag:$0x4], $0x10, s30, s12, $0xb8;
	[tilespmem:$0x4930] =	vst v63  }
0x17c: {  	_ =	swait.ge [sflag:s10], $0x600  }
0x17d: {  	[sflag:s10] =	ssyncset.done $0x0  }
0x17e: {  	[sflag:s10] =	ssyncadd.s32 $0xFFFFFA00  }
0x17f: {  	[tilespmem:s15], [sflag:$0x3] =	stream.indirect.gather [hbm4b:s5+s12], $0x10, s31, s12, $0xb8;
	[tilespmem:$0x4930] =	vst v63  }
0x180: {  	_ =	swait.ge [sflag:s16], $0x600  }
0x181: {  	[sflag:s16] =	ssyncset.done $0x0  }
0x182: {  	[sflag:s16] =	ssyncadd.s32 $0xFFFFFA00  }
0x183: {  	[spmem:s3] =	stream.indirect.scatter.add.f32 [tilespmem:s13], [sflag:$0x4], $0x10, s1, s12, $0xb8;
	[tilespmem:$0x4930] =	vst v63  }
0x184: {  	_ =	swait.ge [sflag:s10], $0x600  }
0x185: {  	[sflag:s10] =	ssyncset.done $0x0  }
0x186: {  	[sflag:s10] =	ssyncadd.s32 $0xFFFFFA00  }
0x187: {  	_ =	swait.ge [sflag:s17], $0x600  }
0x188: {  	[sflag:s17] =	ssyncset.done $0x0  }
0x189: {  	[sflag:s17] =	ssyncadd.s32 $0xFFFFFA00  }
0x18a: {  	[spmem:s3] =	stream.indirect.scatter.add.f32 [tilespmem:s14], [sflag:$0x4], $0x10, s0, s12, $0xb8;
	[tilespmem:$0x4930] =	vst v63  }
0x18b: {  	_ =	swait.ge [sflag:s10], $0x600  }
0x18c: {  	[sflag:s10] =	ssyncset.done $0x0  }
0x18d: {  	[sflag:s10] =	ssyncadd.s32 $0xFFFFFA00  }
0x18e: {  	p0 =	sne.s32 s8, $0x3F0;
	_ =	swait.ge [sflag:s18], $0x600  }
.Ltmp0:
0x18f: {  	[sflag:s18] =	ssyncset.done $0x0;
	(pc) =	sbr.rel @p0 .LBB2_2-.Ltmp0, $4  }
0x190: {  	[sflag:s18] =	ssyncadd.s32 $0xFFFFFA00  }
0x191: {  	[spmem:s3] =	stream.indirect.scatter.add.f32 [tilespmem:s15], [sflag:$0x4], $0x10, s2, s12, $0xb8;
	[tilespmem:$0x4930] =	vst v63  }
0x192: {  	s6 =	smov.u32 s8;
	s8 =	sadd.s32 $0xFC, s8;
	_ =	swait.ge [sflag:s10], $0x600  }
0x193: {  	s7 =	smov.u32 s6;
	s9 =	rddreg [dreg:$0x4];
	[sflag:s10] =	ssyncset.done $0x0  }
0x194: {  	[sflag:s10] =	ssyncadd.s32 $0xFFFFFA00;
	s6 =	sadd.s32 s7, s9  }
0x195: {  	[tilespmem:s4], [sflag:$0x4] =	stream.linear.gather [hbm4b:s6+s4], $0x7E0, $0x38;
	[tilespmem:$0x4930] =	vst v63  }
0x196: {  	_ =	swait.ge [sflag:s10], $0x7E0  }
0x197: {  	s8 =	rddreg [dreg:$0x5];
	[sflag:s10] =	ssyncset.done $0x0  }
0x198: {  	s6 =	sadd.s32 s7, s8;
	[sflag:s10] =	ssyncadd.s32 $0xFFFFF820  }
0x199: {  	[tilespmem:s11], [sflag:$0x4] =	stream.linear.gather [hbm4b:s6+s4], $0x7E0, $0x38;
	[tilespmem:$0x4930] =	vst v63  }
0x19a: {  	_ =	swait.ge [sflag:s10], $0x7E0  }
0x19b: {  	[sflag:s10] =	ssyncset.done $0x0  }
0x19c: {  	[sflag:s10] =	ssyncadd.s32 $0xFFFFF820  }
0x19d: {  	[tilespmem:s13], [sflag:$0x1] =	stream.indirect.gather [hbm4b:s5+s12], $0x10, s4, s12, $0xb8;
	[tilespmem:$0x4930] =	vst v63  }
0x19e: {  	_ = 	snop  }
0x19f: {  	[tilespmem:s14], [sflag:$0x2] =	stream.indirect.gather [hbm4b:s5+s12], $0x10, s12, s12, $0xb8;
	[tilespmem:$0x4930] =	vst v63  }
0x1a0: {  	s9 =	rddreg [dreg:$0x6]  }
0x1a1: {  	[tilespmem:s15], [sflag:$0x3] =	stream.indirect.gather [hbm4b:s5+s12], $0x10, s9, s12, $0xb8;
	[tilespmem:$0x4930] =	vst v63  }
0x1a2: {  	_ =	swait.ge [sflag:s16], $0x600  }
0x1a3: {  	[sflag:s16] =	ssyncset.done $0x0  }
0x1a4: {  	[sflag:s16] =	ssyncadd.s32 $0xFFFFFA00  }
0x1a5: {  	[spmem:s3] =	stream.indirect.scatter.add.f32 [tilespmem:s13], [sflag:$0x4], $0x10, s11, s12, $0xb8;
	[tilespmem:$0x4930] =	vst v63  }
0x1a6: {  	_ =	swait.ge [sflag:s10], $0x600  }
0x1a7: {  	[sflag:s10] =	ssyncset.done $0x0  }
0x1a8: {  	s7 =	rddreg [dreg:$0x7];
	[sflag:s10] =	ssyncadd.s32 $0xFFFFFA00  }
0x1a9: {  	[tilespmem:s13], [sflag:$0x1] =	stream.indirect.gather [hbm4b:s5+s12], $0x10, s7, s12, $0xb8;
	[tilespmem:$0x4930] =	vst v63  }
0x1aa: {  	_ =	swait.ge [sflag:s17], $0x600  }
0x1ab: {  	[sflag:s17] =	ssyncset.done $0x0  }
0x1ac: {  	s8 =	rddreg [dreg:$0x8];
	[sflag:s17] =	ssyncadd.s32 $0xFFFFFA00  }
0x1ad: {  	[spmem:s3] =	stream.indirect.scatter.add.f32 [tilespmem:s14], [sflag:$0x4], $0x10, s8, s12, $0xb8;
	[tilespmem:$0x4930] =	vst v63  }
0x1ae: {  	_ =	swait.ge [sflag:s10], $0x600  }
0x1af: {  	[sflag:s10] =	ssyncset.done $0x0  }
0x1b0: {  	s9 =	rddreg [dreg:$0x9];
	[sflag:s10] =	ssyncadd.s32 $0xFFFFFA00  }
0x1b1: {  	[tilespmem:s14], [sflag:$0x2] =	stream.indirect.gather [hbm4b:s5+s12], $0x10, s9, s12, $0xb8;
	[tilespmem:$0x4930] =	vst v63  }
0x1b2: {  	_ =	swait.ge [sflag:s18], $0x600  }
0x1b3: {  	[sflag:s18] =	ssyncset.done $0x0  }
0x1b4: {  	s7 =	rddreg [dreg:$0xa];
	[sflag:s18] =	ssyncadd.s32 $0xFFFFFA00  }
0x1b5: {  	[spmem:s3] =	stream.indirect.scatter.add.f32 [tilespmem:s15], [sflag:$0x4], $0x10, s7, s12, $0xb8;
	[tilespmem:$0x4930] =	vst v63  }
0x1b6: {  	_ =	swait.ge [sflag:s10], $0x600  }
0x1b7: {  	[sflag:s10] =	ssyncset.done $0x0  }
0x1b8: {  	s8 =	rddreg [dreg:$0xb];
	[sflag:s10] =	ssyncadd.s32 $0xFFFFFA00  }
0x1b9: {  	[tilespmem:s15], [sflag:$0x3] =	stream.indirect.gather [hbm4b:s5+s12], $0x10, s8, s12, $0xb8;
	[tilespmem:$0x4930] =	vst v63  }
0x1ba: {  	_ =	swait.ge [sflag:s16], $0x600  }
0x1bb: {  	[sflag:s16] =	ssyncset.done $0x0  }
0x1bc: {  	s9 =	rddreg [dreg:$0xc];
	[sflag:s16] =	ssyncadd.s32 $0xFFFFFA00  }
0x1bd: {  	[spmem:s3] =	stream.indirect.scatter.add.f32 [tilespmem:s13], [sflag:$0x4], $0x10, s9, s12, $0xb8;
	[tilespmem:$0x4930] =	vst v63  }
0x1be: {  	_ =	swait.ge [sflag:s10], $0x600  }
0x1bf: {  	[sflag:s10] =	ssyncset.done $0x0  }
0x1c0: {  	s7 =	rddreg [dreg:$0xd];
	[sflag:s10] =	ssyncadd.s32 $0xFFFFFA00  }
0x1c1: {  	[tilespmem:s13], [sflag:$0x1] =	stream.indirect.gather [hbm4b:s5+s12], $0x10, s7, s12, $0xb8;
	[tilespmem:$0x4930] =	vst v63  }
0x1c2: {  	_ =	swait.ge [sflag:s17], $0x600  }
0x1c3: {  	[sflag:s17] =	ssyncset.done $0x0  }
0x1c4: {  	s8 =	rddreg [dreg:$0xe];
	[sflag:s17] =	ssyncadd.s32 $0xFFFFFA00  }
0x1c5: {  	[spmem:s3] =	stream.indirect.scatter.add.f32 [tilespmem:s14], [sflag:$0x4], $0x10, s8, s12, $0xb8;
	[tilespmem:$0x4930] =	vst v63  }
0x1c6: {  	_ =	swait.ge [sflag:s10], $0x600  }
0x1c7: {  	[sflag:s10] =	ssyncset.done $0x0  }
0x1c8: {  	s9 =	rddreg [dreg:$0xf];
	[sflag:s10] =	ssyncadd.s32 $0xFFFFFA00  }
0x1c9: {  	[tilespmem:s14], [sflag:$0x2] =	stream.indirect.gather [hbm4b:s5+s12], $0x10, s9, s12, $0xb8;
	[tilespmem:$0x4930] =	vst v63  }
0x1ca: {  	_ =	swait.ge [sflag:s18], $0x600  }
0x1cb: {  	[sflag:s18] =	ssyncset.done $0x0  }
0x1cc: {  	s7 =	rddreg [dreg:$0x10];
	[sflag:s18] =	ssyncadd.s32 $0xFFFFFA00  }
0x1cd: {  	[spmem:s3] =	stream.indirect.scatter.add.f32 [tilespmem:s15], [sflag:$0x4], $0x10, s7, s12, $0xb8;
	[tilespmem:$0x4930] =	vst v63  }
0x1ce: {  	_ =	swait.ge [sflag:s10], $0x600  }
0x1cf: {  	[sflag:s10] =	ssyncset.done $0x0  }
0x1d0: {  	s8 =	rddreg [dreg:$0x11];
	[sflag:s10] =	ssyncadd.s32 $0xFFFFFA00  }
0x1d1: {  	[tilespmem:s15], [sflag:$0x3] =	stream.indirect.gather [hbm4b:s5+s12], $0x10, s8, s12, $0xb8;
	[tilespmem:$0x4930] =	vst v63  }
0x1d2: {  	_ =	swait.ge [sflag:s16], $0x600  }
0x1d3: {  	[sflag:s16] =	ssyncset.done $0x0  }
0x1d4: {  	s9 =	rddreg [dreg:$0x12];
	[sflag:s16] =	ssyncadd.s32 $0xFFFFFA00  }
0x1d5: {  	[spmem:s3] =	stream.indirect.scatter.add.f32 [tilespmem:s13], [sflag:$0x4], $0x10, s9, s12, $0xb8;
	[tilespmem:$0x4930] =	vst v63  }
0x1d6: {  	_ =	swait.ge [sflag:s10], $0x600  }
0x1d7: {  	[sflag:s10] =	ssyncset.done $0x0  }
0x1d8: {  	s7 =	rddreg [dreg:$0x13];
	[sflag:s10] =	ssyncadd.s32 $0xFFFFFA00  }
0x1d9: {  	[tilespmem:s13], [sflag:$0x1] =	stream.indirect.gather [hbm4b:s5+s12], $0x10, s7, s12, $0xb8;
	[tilespmem:$0x4930] =	vst v63  }
0x1da: {  	_ =	swait.ge [sflag:s17], $0x600  }
0x1db: {  	[sflag:s17] =	ssyncset.done $0x0  }
0x1dc: {  	s8 =	rddreg [dreg:$0x14];
	[sflag:s17] =	ssyncadd.s32 $0xFFFFFA00  }
0x1dd: {  	[spmem:s3] =	stream.indirect.scatter.add.f32 [tilespmem:s14], [sflag:$0x4], $0x10, s8, s12, $0xb8;
	[tilespmem:$0x4930] =	vst v63  }
0x1de: {  	_ =	swait.ge [sflag:s10], $0x600  }
0x1df: {  	[sflag:s10] =	ssyncset.done $0x0  }
0x1e0: {  	s9 =	rddreg [dreg:$0x15];
	[sflag:s10] =	ssyncadd.s32 $0xFFFFFA00  }
0x1e1: {  	[tilespmem:s14], [sflag:$0x2] =	stream.indirect.gather [hbm4b:s5+s12], $0x10, s9, s12, $0xb8;
	[tilespmem:$0x4930] =	vst v63  }
0x1e2: {  	_ =	swait.ge [sflag:s18], $0x600  }
0x1e3: {  	[sflag:s18] =	ssyncset.done $0x0  }
0x1e4: {  	s7 =	rddreg [dreg:$0x16];
	[sflag:s18] =	ssyncadd.s32 $0xFFFFFA00  }
0x1e5: {  	[spmem:s3] =	stream.indirect.scatter.add.f32 [tilespmem:s15], [sflag:$0x4], $0x10, s7, s12, $0xb8;
	[tilespmem:$0x4930] =	vst v63  }
0x1e6: {  	_ =	swait.ge [sflag:s10], $0x600  }
0x1e7: {  	[sflag:s10] =	ssyncset.done $0x0  }
0x1e8: {  	s8 =	rddreg [dreg:$0x17];
	[sflag:s10] =	ssyncadd.s32 $0xFFFFFA00  }
0x1e9: {  	[tilespmem:s15], [sflag:$0x3] =	stream.indirect.gather [hbm4b:s5+s12], $0x10, s8, s12, $0xb8;
	[tilespmem:$0x4930] =	vst v63  }
0x1ea: {  	_ =	swait.ge [sflag:s16], $0x600  }
0x1eb: {  	[sflag:s16] =	ssyncset.done $0x0  }
0x1ec: {  	s9 =	rddreg [dreg:$0x18];
	[sflag:s16] =	ssyncadd.s32 $0xFFFFFA00  }
0x1ed: {  	[spmem:s3] =	stream.indirect.scatter.add.f32 [tilespmem:s13], [sflag:$0x4], $0x10, s9, s12, $0xb8;
	[tilespmem:$0x4930] =	vst v63  }
0x1ee: {  	_ =	swait.ge [sflag:s10], $0x600  }
0x1ef: {  	[sflag:s10] =	ssyncset.done $0x0  }
0x1f0: {  	s7 =	rddreg [dreg:$0x19];
	[sflag:s10] =	ssyncadd.s32 $0xFFFFFA00  }
0x1f1: {  	[tilespmem:s13], [sflag:$0x1] =	stream.indirect.gather [hbm4b:s5+s12], $0x10, s7, s12, $0xb8;
	[tilespmem:$0x4930] =	vst v63  }
0x1f2: {  	_ =	swait.ge [sflag:s17], $0x600  }
0x1f3: {  	[sflag:s17] =	ssyncset.done $0x0  }
0x1f4: {  	s8 =	rddreg [dreg:$0x1a];
	[sflag:s17] =	ssyncadd.s32 $0xFFFFFA00  }
0x1f5: {  	[spmem:s3] =	stream.indirect.scatter.add.f32 [tilespmem:s14], [sflag:$0x4], $0x10, s8, s12, $0xb8;
	[tilespmem:$0x4930] =	vst v63  }
0x1f6: {  	_ =	swait.ge [sflag:s10], $0x600  }
0x1f7: {  	[sflag:s10] =	ssyncset.done $0x0  }
0x1f8: {  	s9 =	rddreg [dreg:$0x1b];
	[sflag:s10] =	ssyncadd.s32 $0xFFFFFA00  }
0x1f9: {  	[tilespmem:s14], [sflag:$0x2] =	stream.indirect.gather [hbm4b:s5+s12], $0x10, s9, s12, $0xb8;
	[tilespmem:$0x4930] =	vst v63  }
0x1fa: {  	_ =	swait.ge [sflag:s18], $0x600  }
0x1fb: {  	[sflag:s18] =	ssyncset.done $0x0  }
0x1fc: {  	s7 =	rddreg [dreg:$0x1c];
	[sflag:s18] =	ssyncadd.s32 $0xFFFFFA00  }
0x1fd: {  	[spmem:s3] =	stream.indirect.scatter.add.f32 [tilespmem:s15], [sflag:$0x4], $0x10, s7, s12, $0xb8;
	[tilespmem:$0x4930] =	vst v63  }
0x1fe: {  	_ =	swait.ge [sflag:s10], $0x600  }
0x1ff: {  	[sflag:s10] =	ssyncset.done $0x0  }
0x200: {  	s8 =	rddreg [dreg:$0x1d];
	[sflag:s10] =	ssyncadd.s32 $0xFFFFFA00  }
0x201: {  	[tilespmem:s15], [sflag:$0x3] =	stream.indirect.gather [hbm4b:s5+s12], $0x10, s8, s12, $0xb8;
	[tilespmem:$0x4930] =	vst v63  }
0x202: {  	_ =	swait.ge [sflag:s16], $0x600  }
0x203: {  	[sflag:s16] =	ssyncset.done $0x0  }
0x204: {  	[sflag:s16] =	ssyncadd.s32 $0xFFFFFA00  }
0x205: {  	[spmem:s3] =	stream.indirect.scatter.add.f32 [tilespmem:s13], [sflag:$0x4], $0x10, s19, s12, $0xb8;
	[tilespmem:$0x4930] =	vst v63  }
0x206: {  	_ =	swait.ge [sflag:s10], $0x600  }
0x207: {  	[sflag:s10] =	ssyncset.done $0x0  }
0x208: {  	[sflag:s10] =	ssyncadd.s32 $0xFFFFFA00  }
0x209: {  	[tilespmem:s13], [sflag:$0x1] =	stream.indirect.gather [hbm4b:s5+s12], $0x10, s20, s12, $0xb8;
	[tilespmem:$0x4930] =	vst v63  }
0x20a: {  	_ =	swait.ge [sflag:s17], $0x600  }
0x20b: {  	[sflag:s17] =	ssyncset.done $0x0  }
0x20c: {  	[sflag:s17] =	ssyncadd.s32 $0xFFFFFA00  }
0x20d: {  	[spmem:s3] =	stream.indirect.scatter.add.f32 [tilespmem:s14], [sflag:$0x4], $0x10, s21, s12, $0xb8;
	[tilespmem:$0x4930] =	vst v63  }
0x20e: {  	_ =	swait.ge [sflag:s10], $0x600  }
0x20f: {  	[sflag:s10] =	ssyncset.done $0x0  }
0x210: {  	[sflag:s10] =	ssyncadd.s32 $0xFFFFFA00  }
0x211: {  	[tilespmem:s14], [sflag:$0x2] =	stream.indirect.gather [hbm4b:s5+s12], $0x10, s22, s12, $0xb8;
	[tilespmem:$0x4930] =	vst v63  }
0x212: {  	_ =	swait.ge [sflag:s18], $0x600  }
0x213: {  	[sflag:s18] =	ssyncset.done $0x0  }
0x214: {  	[sflag:s18] =	ssyncadd.s32 $0xFFFFFA00  }
0x215: {  	[spmem:s3] =	stream.indirect.scatter.add.f32 [tilespmem:s15], [sflag:$0x4], $0x10, s23, s12, $0xb8;
	[tilespmem:$0x4930] =	vst v63  }
0x216: {  	_ =	swait.ge [sflag:s10], $0x600  }
0x217: {  	[sflag:s10] =	ssyncset.done $0x0  }
0x218: {  	[sflag:s10] =	ssyncadd.s32 $0xFFFFFA00  }
0x219: {  	[tilespmem:s15], [sflag:$0x3] =	stream.indirect.gather [hbm4b:s5+s12], $0x10, s24, s12, $0xb8;
	[tilespmem:$0x4930] =	vst v63  }
0x21a: {  	_ =	swait.ge [sflag:s16], $0x600  }
0x21b: {  	[sflag:s16] =	ssyncset.done $0x0  }
0x21c: {  	[sflag:s16] =	ssyncadd.s32 $0xFFFFFA00  }
0x21d: {  	[spmem:s3] =	stream.indirect.scatter.add.f32 [tilespmem:s13], [sflag:$0x4], $0x10, s25, s12, $0xb8;
	[tilespmem:$0x4930] =	vst v63  }
0x21e: {  	_ =	swait.ge [sflag:s10], $0x600  }
0x21f: {  	[sflag:s10] =	ssyncset.done $0x0  }
0x220: {  	[sflag:s10] =	ssyncadd.s32 $0xFFFFFA00  }
0x221: {  	[tilespmem:s13], [sflag:$0x1] =	stream.indirect.gather [hbm4b:s5+s12], $0x10, s26, s12, $0xb8;
	[tilespmem:$0x4930] =	vst v63  }
0x222: {  	_ =	swait.ge [sflag:s17], $0x600  }
0x223: {  	[sflag:s17] =	ssyncset.done $0x0  }
0x224: {  	[sflag:s17] =	ssyncadd.s32 $0xFFFFFA00  }
0x225: {  	[spmem:s3] =	stream.indirect.scatter.add.f32 [tilespmem:s14], [sflag:$0x4], $0x10, s28, s12, $0xb8;
	[tilespmem:$0x4930] =	vst v63  }
0x226: {  	_ =	swait.ge [sflag:s10], $0x600  }
0x227: {  	[sflag:s10] =	ssyncset.done $0x0  }
0x228: {  	[sflag:s10] =	ssyncadd.s32 $0xFFFFFA00  }
0x229: {  	[tilespmem:s14], [sflag:$0x2] =	stream.indirect.gather [hbm4b:s5+s12], $0x10, s29, s12, $0xb8;
	[tilespmem:$0x4930] =	vst v63  }
0x22a: {  	_ =	swait.ge [sflag:s18], $0x600  }
0x22b: {  	[sflag:s18] =	ssyncset.done $0x0  }
0x22c: {  	[sflag:s18] =	ssyncadd.s32 $0xFFFFFA00  }
0x22d: {  	[spmem:s3] =	stream.indirect.scatter.add.f32 [tilespmem:s15], [sflag:$0x4], $0x10, s30, s12, $0xb8;
	[tilespmem:$0x4930] =	vst v63  }
0x22e: {  	_ =	swait.ge [sflag:s10], $0x600  }
0x22f: {  	[sflag:s10] =	ssyncset.done $0x0  }
0x230: {  	[sflag:s10] =	ssyncadd.s32 $0xFFFFFA00  }
0x231: {  	[tilespmem:s15], [sflag:$0x3] =	stream.indirect.gather [hbm4b:s5+s12], $0x10, s31, s12, $0xb8;
	[tilespmem:$0x4930] =	vst v63  }
0x232: {  	_ =	swait.ge [sflag:s16], $0x600  }
0x233: {  	[sflag:s16] =	ssyncset.done $0x0  }
0x234: {  	[sflag:s16] =	ssyncadd.s32 $0xFFFFFA00  }
0x235: {  	[spmem:s3] =	stream.indirect.scatter.add.f32 [tilespmem:s13], [sflag:$0x4], $0x10, s1, s12, $0xb8;
	[tilespmem:$0x4930] =	vst v63  }
0x236: {  	_ =	swait.ge [sflag:s10], $0x600  }
0x237: {  	[sflag:s10] =	ssyncset.done $0x0  }
0x238: {  	[sflag:s10] =	ssyncadd.s32 $0xFFFFFA00  }
0x239: {  	_ =	swait.ge [sflag:s17], $0x600  }
0x23a: {  	[sflag:s17] =	ssyncset.done $0x0  }
0x23b: {  	[sflag:s17] =	ssyncadd.s32 $0xFFFFFA00  }
0x23c: {  	[spmem:s3] =	stream.indirect.scatter.add.f32 [tilespmem:s14], [sflag:$0x4], $0x10, s0, s12, $0xb8;
	[tilespmem:$0x4930] =	vst v63  }
0x23d: {  	_ =	swait.ge [sflag:s10], $0x600  }
0x23e: {  	[sflag:s10] =	ssyncset.done $0x0  }
0x23f: {  	[sflag:s10] =	ssyncadd.s32 $0xFFFFFA00  }
0x240: {  	_ =	swait.ge [sflag:s18], $0x600  }
0x241: {  	[sflag:s18] =	ssyncset.done $0x0  }
0x242: {  	[sflag:s18] =	ssyncadd.s32 $0xFFFFFA00  }
0x243: {  	[spmem:s3] =	stream.indirect.scatter.add.f32 [tilespmem:s15], [sflag:$0x4], $0x10, s2, s12, $0xb8;
	[tilespmem:$0x4930] =	vst v63  }
0x244: {  	_ =	swait.ge [sflag:s10], $0x600  }
0x245: {  	[sflag:s10] =	ssyncset.done $0x0  }
0x246: {  	[sflag:s10] =	ssyncadd.s32 $0xFFFFFA00  }
0x247: {  	_ =	strace $0x80000051  }
0x248: {  	[bflag:$0x0] =	sbarrier.arrive $0xFFFF  }
0x249: {  	s7 =	sld [smem:$0x7FC]  }
0x24a: {  	s8 =	sld [smem:$0x7FD];
	_ =	sdelay $0x1  }
0x24b: {  	s9 =	rddreg [dreg:$0x1e]  }
0x24c: {  	[hbm:s9], [sflag:s7] =	dma.local [spmem:s8], $0x4EE  }
0x24d: {  	_ =	swait.ge [sflag:s10], $0x4EE  }
0x24e: {  	s6 =	sld [smem:$0x7FB];
	_ =	sdelay $0x2  }
0x24f: {  	s9 =	sadd.s32 $0x1, s6;
	s6 =	rddreg [dreg:$0x1f]  }
0x250: {  	p0 =	sne.s32 s9, s6  }
.Ltmp1:
0x251: {  	_ = 	snop;
	(pc) =	sbr.rel @p0 .LBB2_1-.Ltmp1, $4  }
0x252: {  	_ = 	snop  }
0x253: {  	[sflag:s10] =	ssyncset.done $0x0  }
0x254: {  	[sflag:s10] =	ssyncadd.s32 $0xFFFFFB12  }
0x255: {  	_ =	strace $0x90000051  }
0x256: {  	_ =	sfence.sel $0x180000  }
0x257: {  	[bflag:$0x0] =	sbarrier.arrive $0xFFFF  }
0x258: {  	_ =	strace $0x9000004F  }
0x259: {  	s0 =	stileid.u32;
	[bflag:$0x2] =	sbarrier.arrive $0xFFFF  }
0x25a: {  	p0 =	sne.s32 s0, $0x0;
	s0 =	rddreg [dreg:$0x3]  }
0x25b: {  	s0 =	sadd.s32 @!p0 $0x100000, s0  }
0x25c: {  	[sflag:s0] =	ssyncadd.tile.s32 @!p0 $0x1;
	_ =	shalt  }
.Lfunc_end2:
_tile_overlayer_lowered:
.L_overlay_start_2:
0x25d: {  	(tag) =	ssettag $0x2  }
0x25e: {  	s0 =	rddreg [dreg:$0x0];
	s2 =	stileid.u32  }
0x25f: {  	s1 =	rddreg [dreg:$0x1];
	p0 =	sne.s32 s2, $0x0  }
0x260: {  	s3 =	rddreg [dreg:$0x2];
	[bflag:$0x3] =	sbarrier.arrive $0xFFFF;
	s2 =	simm.s32 @!p0 $0x1C04  }
0x261: {  	[timem:s3], [sflag:s2] =	dma.local @!p0 [hbm:s0], s1  }
0x262: {  	s0 =	simm.s32 @!p0 $0x4  }
0x263: {  	_ =	swait.ge @!p0 [sflag:s0], s1  }
0x264: {  	s1 =	ssub.s32 @!p0 $0x0, s1;
	[sflag:s0] =	ssyncset.done @!p0 $0x0  }
0x265: {  	[sflag:s0] =	ssyncadd.s32 @!p0 s1  }
0x266: {  	[bflag:$0x3] =	sbarrier.arrive $0xFFFF  }
0x267: {  	_ =	shalt  }

</sc_bundles>
